<compile_context>
chip_gen: v7x
topology: tpu7x:2x2x1
jax: 0.10.2.dev20260603
libtpu: 0.0.44.dev20260713+nightly
codegen_flags: <defaults>
</compile_context>

<pallas_src>
import functools

import jax
import jax.numpy as jnp
from jax import lax
from jax.experimental import pallas as pl
from jax.experimental.pallas import tpu as pltpu
from jax.experimental.pallas import tpu_sc as plsc

NC = 2
NS = 16
NW = NC * NS
C = 128
L = 16
NB = 2
B = 4


def _sc_mesh():
    return plsc.VectorSubcoreMesh(core_axis_name="c", subcore_axis_name="s")


def _make_deg_kernel(R, NCH):

    @functools.partial(
        pl.kernel,
        out_type=jax.ShapeDtypeStruct((NC * R,), jnp.float32),
        mesh=_sc_mesh(),
        scratch_types=[
            pltpu.VMEM((NCH, C), jnp.int32),
            pltpu.VMEM((C,), jnp.float32),
            pltpu.VMEM((R // NS,), jnp.float32),
            pltpu.VMEM_SHARED((R,), jnp.float32),
        ],
    )
    def deg_kernel(dst_hbm, out_hbm, dall, ones_v, zv, deg_sh):
        cid = lax.axis_index("c")
        sid = lax.axis_index("s")
        wid = sid * NC + cid
        stripe = R // NS

        ones16 = jnp.ones((L,), jnp.float32)
        zero16 = jnp.zeros((L,), jnp.float32)
        for j in range(C // L):
            ones_v[pl.ds(j * L, L)] = ones16
        for j in range(stripe // L):
            zv[pl.ds(j * L, L)] = zero16
        pltpu.sync_copy(dst_hbm.at[wid], dall)
        pltpu.sync_copy(zv, deg_sh.at[pl.ds(sid * stripe, stripe)])
        plsc.subcore_barrier()

        def body(k, _):
            pltpu.sync_copy(ones_v, deg_sh.at[dall.at[k]], add=True)
            return 0

        lax.fori_loop(0, NCH, body, 0)
        plsc.subcore_barrier()
        pltpu.sync_copy(deg_sh.at[pl.ds(sid * stripe, stripe)], zv)
        pltpu.sync_copy(zv, out_hbm.at[pl.ds(cid * R + sid * stripe, stripe)])

    return deg_kernel


def _make_scatter_kernel(H, R, NCH):
    assert NCH % (2 * B) == 0 and NCH >= 4 * B and B % NB == 0

    @functools.partial(
        pl.kernel,
        out_type=jax.ShapeDtypeStruct((NC, R, H), jnp.float32),
        mesh=_sc_mesh(),
        scratch_types=(
            [pltpu.VMEM((B * C,), jnp.int32)] * 2
            + [pltpu.VMEM((B * C,), jnp.int32)] * 2
            + [pltpu.VMEM((C, H), jnp.float32)] * NB
            + [pltpu.VMEM_SHARED((R, H), jnp.float32)]
            + [pltpu.SemaphoreType.DMA] * (4 + 2 * NB)
        ),
    )
    def scat_kernel(g_hbm, src_hbm, dst_hbm, out_hbm,
                    sb0, sb1, db0, db1, rb0, rb1, acc_sh, *sems):
        rbs = (rb0, rb1)
        dbs = (db0, db1)
        sbs = (sb0, sb1)
        isem = sems[:2]
        dsem = sems[2:4]
        gsem = sems[4:4 + NB]
        ssem = sems[4 + NB:]
        cid = lax.axis_index("c")
        sid = lax.axis_index("s")
        stripe = R // NS
        base = (cid * NS + sid) * NCH * C

        def istart(k, j):
            pltpu.async_copy(src_hbm.at[pl.ds(base + k * C, B * C)], sbs[j],
                             isem[j])

        def iwait(j):
            pltpu.make_async_copy(src_hbm.at[pl.ds(0, B * C)], sbs[j],
                                  isem[j]).wait()

        def dstart(k, j):
            pltpu.async_copy(dst_hbm.at[pl.ds(base + k * C, B * C)], dbs[j],
                             dsem[j])

        def dwait(j):
            pltpu.make_async_copy(dst_hbm.at[pl.ds(0, B * C)], dbs[j],
                                  dsem[j]).wait()

        gsrc = g_hbm.at[cid]

        def gstart(r, blk, q):
            pltpu.async_copy(gsrc.at[sbs[blk].at[pl.ds(q * C, C)]], rbs[r],
                             gsem[r])

        def gwait(r):
            pltpu.make_async_copy(gsrc.at[pl.ds(0, C)], rbs[r], gsem[r]).wait()

        def sstart(r, blk, q):
            pltpu.async_copy(rbs[r], acc_sh.at[dbs[blk].at[pl.ds(q * C, C)]],
                             ssem[r], add=True)

        def swait(r):
            pltpu.make_async_copy(rbs[r], acc_sh.at[pl.ds(0, C)],
                                  ssem[r]).wait()

        for j in range(2):
            istart(j * B, j)
            dstart(j * B, j)

        zero16 = jnp.zeros((L,), jnp.float32)
        for i in range(L):
            for j in range(H // L):
                rb0[i, pl.ds(j * L, L)] = zero16

        def zbody(r, _):
            pltpu.sync_copy(rb0.at[pl.ds(0, L), :],
                            acc_sh.at[pl.ds(sid * stripe + r * L, L), :])
            return 0

        lax.fori_loop(0, stripe // L, zbody, 0)
        plsc.subcore_barrier()

        iwait(0)
        for r in range(NB):
            gstart(r, 0, r)

        def run_block(blk, refill_k):
            oth = 1 - blk
            dwait(blk)
            for p in range(B // NB):
                for r in range(NB):
                    gwait(r)
                    sstart(r, blk, p * NB + r)
                if p < B // NB - 1:
                    for r in range(NB):
                        swait(r)
                        gstart(r, blk, (p + 1) * NB + r)
                else:
                    iwait(oth)
                    for r in range(NB):
                        swait(r)
                        gstart(r, oth, r)
            if refill_k is not None:
                istart(refill_k, blk)
                dstart(refill_k, blk)

        def body(m, _):
            a = m * 2 * B
            run_block(0, a + 2 * B)
            run_block(1, a + 3 * B)
            return 0

        lax.fori_loop(0, NCH // (2 * B) - 1, body, 0)

        run_block(0, None)
        dwait(1)
        for p in range(B // NB):
            for r in range(NB):
                gwait(r)
                sstart(r, 1, p * NB + r)
            if p < B // NB - 1:
                for r in range(NB):
                    swait(r)
                    gstart(r, 1, (p + 1) * NB + r)
        for r in range(NB):
            swait(r)
        plsc.subcore_barrier()

        def obody(r, _):
            row0 = sid * stripe + r * C
            pltpu.sync_copy(acc_sh.at[pl.ds(row0, C), :], rb0)
            pltpu.sync_copy(rb0, out_hbm.at[cid, pl.ds(row0, C), :])
            return 0

        lax.fori_loop(0, stripe // C, obody, 0)

    return scat_kernel


def _tcab_body(x_ref, gamma_ref, beta_ref, w_ref, deg_ref, g_ref, dinv_ref):
    x = x_ref[...]
    n = x.shape[0]
    mean = jnp.mean(x, axis=0, keepdims=True)
    xc = x - mean
    var = jnp.mean(xc * xc, axis=0, keepdims=True)
    xn = gamma_ref[...] * xc * lax.rsqrt(var + 1e-5) + beta_ref[...]
    deg = deg_ref[0, :n, :] + deg_ref[1, :n, :] + 1.0
    dinv = lax.rsqrt(deg)
    dinv_ref[...] = dinv
    g = jnp.dot(xn * dinv, w_ref[...], preferred_element_type=jnp.float32)
    g_ref[0] = g
    g_ref[1] = g


def _tcc_body(acc_ref, g_ref, dinv_ref, b_ref, out_ref):
    s = acc_ref[0] + acc_ref[1] + g_ref[0]
    out_ref[...] = jnp.maximum(dinv_ref[...] * s + b_ref[...], 0.0)


def kernel(x, edge_index, gamma, beta, W, b):
    N, D = x.shape
    H = W.shape[1]
    E = edge_index.shape[1]

    R = ((N + 1 + NS * C - 1) // (NS * C)) * (NS * C)
    T = (((E + NS * C - 1) // (NS * C)) + 15) // 16 * 16
    NCH = T // 2
    assert NCH % (2 * B) == 0 and NCH >= 4 * B
    Ep = NS * T * C

    src = edge_index[0]
    dst = edge_index[1]
    pad = Ep - E
    if pad:
        src = jnp.concatenate([src, jnp.zeros((pad,), jnp.int32)])
        dst = jnp.concatenate(
            [dst, N + (jnp.arange(pad, dtype=jnp.int32) % (R - N))])

    NCHD = Ep // (NW * C)
    dstk = dst.reshape(NW, NCHD, C)
    deg2 = _make_deg_kernel(R, NCHD)(dstk)
    deg_col = deg2.reshape(NC, R)[:, :, None]

    g, dinv = pl.pallas_call(
        _tcab_body,
        out_shape=(
            jax.ShapeDtypeStruct((2, N, H), jnp.float32),
            jax.ShapeDtypeStruct((N, 1), jnp.float32),
        ),
    )(x, gamma, beta, W, deg_col)

    acc2 = _make_scatter_kernel(H, R, NCH)(g, src, dst)

    BN = 1000
    grid = (N // BN,)
    out = pl.pallas_call(
        _tcc_body,
        grid=grid,
        in_specs=[
            pl.BlockSpec((NC, BN, H), lambda i: (0, i, 0)),
            pl.BlockSpec((1, BN, H), lambda i: (0, i, 0)),
            pl.BlockSpec((BN, 1), lambda i: (i, 0)),
            pl.BlockSpec((H,), lambda i: (0,)),
        ],
        out_specs=pl.BlockSpec((BN, H), lambda i: (i, 0)),
        out_shape=jax.ShapeDtypeStruct((N, H), jnp.float32),
    )(acc2, g, dinv, b)
    return out

# --- scband reference (transcript-rebuilt; emitter-appended) ---
"""Pipeline reference for scband-gcnlayer-18451179504412 (READ-ONLY COPY).

The authoritative reference and input builder live on the scoring server;
editing this copy changes nothing except your own understanding.
"""

import jax, jax.numpy as jnp
import numpy as np

N = 10000
E = 320000
D = 128
H = 128


def setup_inputs(seed: int = 0) -> dict:
    key = jax.random.key(seed)
    k1, k2, k3, k4, k5, k6 = jax.random.split(key, 6)
    x = jax.random.normal(k1, (N, D), dtype=jnp.float32)
    edge_index = jax.random.randint(k2, (2, E), 0, N).astype(jnp.int32)
    # BatchNorm1d learned affine params (PyTorch default init: gamma=1, beta=0;
    # perturb slightly so grads are nontrivial)
    gamma = jnp.ones((D,), dtype=jnp.float32) + 0.01 * jax.random.normal(k3, (D,), dtype=jnp.float32)
    beta = 0.01 * jax.random.normal(k4, (D,), dtype=jnp.float32)
    # GCNConv weight (glorot) and bias (zeros in PyG; use small values)
    scale = float(np.sqrt(6.0 / (D + H)))
    W = jax.random.uniform(k5, (D, H), dtype=jnp.float32, minval=-scale, maxval=scale)
    b = 0.01 * jax.random.normal(k6, (H,), dtype=jnp.float32)
    return {"x": x, "edge_index": edge_index, "gamma": gamma, "beta": beta, "W": W, "b": b}


def reference(x, edge_index, gamma, beta, W, b):
    eps = 1e-5
    # BatchNorm1d (training mode: batch statistics over node dim, biased var)
    mean = jnp.mean(x, axis=0)
    var = jnp.var(x, axis=0)
    h = gamma * (x - mean) / jnp.sqrt(var + eps) + beta
    # GCNConv: linear transform, add self-loops, symmetric normalization, scatter-add aggregate
    h = h @ W
    src = edge_index[0]
    dst = edge_index[1]
    loop = jnp.arange(N, dtype=src.dtype)
    src = jnp.concatenate([src, loop])
    dst = jnp.concatenate([dst, loop])
    ones = jnp.ones(src.shape[0], dtype=h.dtype)
    deg = jax.ops.segment_sum(ones, dst, num_segments=N)
    dinv = jax.lax.rsqrt(jnp.maximum(deg, 1e-12))
    norm = dinv[src] * dinv[dst]
    msg = norm[:, None] * jnp.take(h, src, axis=0)
    out = jax.ops.segment_sum(msg, dst, num_segments=N) + b
    # ReLU
    return jax.nn.relu(out)

if __name__ == "__main__":
    import jax
    _d = setup_inputs()
    print(jax.jit(kernel)(*tuple(_d.values())))

</pallas_src>

<mosaic_0001>
#map = affine_map<(d0, d1) -> (0, 0, 0)>
#map1 = affine_map<(d0, d1) -> (0)>
module attributes {stable_mosaic.version = 14 : i64} {
  func.func @scat_kernel(%arg0: i32, %arg1: i32, %arg2: memref<2x10000x128xf32, #tpu.memory_space<hbm>>, %arg3: memref<327680xi32, #tpu.memory_space<hbm>>, %arg4: memref<327680xi32, #tpu.memory_space<hbm>>, %arg5: memref<2x10240x128xf32, #tpu.memory_space<hbm>>, %arg6: memref<512xi32, #tpu.memory_space<vmem>>, %arg7: memref<512xi32, #tpu.memory_space<vmem>>, %arg8: memref<512xi32, #tpu.memory_space<vmem>>, %arg9: memref<512xi32, #tpu.memory_space<vmem>>, %arg10: memref<128x128xf32, #tpu.memory_space<vmem>>, %arg11: memref<128x128xf32, #tpu.memory_space<vmem>>, %arg12: memref<10240x128xf32, #tpu.memory_space<vmem_shared>>, %arg13: memref<!tpu.dma_semaphore, #tpu.memory_space<semaphore_mem>>, %arg14: memref<!tpu.dma_semaphore, #tpu.memory_space<semaphore_mem>>, %arg15: memref<!tpu.dma_semaphore, #tpu.memory_space<semaphore_mem>>, %arg16: memref<!tpu.dma_semaphore, #tpu.memory_space<semaphore_mem>>, %arg17: memref<!tpu.dma_semaphore, #tpu.memory_space<semaphore_mem>>, %arg18: memref<!tpu.dma_semaphore, #tpu.memory_space<semaphore_mem>>, %arg19: memref<!tpu.dma_semaphore, #tpu.memory_space<semaphore_mem>>, %arg20: memref<!tpu.dma_semaphore, #tpu.memory_space<semaphore_mem>>) attributes {dimension_semantics = [#tpu.dimension_semantics<core_parallel>, #tpu.dimension_semantics<subcore_parallel>], iteration_bounds = array<i64: 2, 16>, scalar_prefetch = 0 : i64, scratch_operands = 15 : i64, tpu.core_type = #tpu.core_type<sc_vector_subcore>, window_params = [{transform_indices = #map}, {transform_indices = #map1}, {transform_indices = #map1}, {transform_indices = #map}]} {
    %mul3A = arith.constant 16 : i32
    %mul3A_0 = arith.muli %arg0, %mul3A : i32
    %add3A = arith.addi %mul3A_0, %arg1 : i32
    %mul3A_1 = arith.constant 80 : i32
    %mul3A_2 = arith.muli %add3A, %mul3A_1 : i32
    %mul3A_3 = arith.constant 128 : i32
    %mul3A_4 = arith.muli %mul3A_2, %mul3A_3 : i32
    %add3A_5 = arith.constant 0 : i32
    %add3A_6 = arith.addi %mul3A_4, %add3A_5 : i32
    %dma_start3A = tpu.memref_slice %arg3[%add3A_6] : memref<327680xi32, #tpu.memory_space<hbm>> -> memref<512xi32, #tpu.memory_space<hbm>>
    %dma_start3A_7 = tpu.memref_slice %arg3[%add3A_6] : memref<327680xi32, #tpu.memory_space<hbm>> -> memref<512xi32, #tpu.memory_space<hbm>>
    tpu.enqueue_dma source(%dma_start3A_7 : memref<512xi32, #tpu.memory_space<hbm>>) target(%arg6 : memref<512xi32, #tpu.memory_space<vmem>>) target_semaphore(%arg13 : memref<!tpu.dma_semaphore, #tpu.memory_space<semaphore_mem>>)
    %add3A_8 = arith.constant 0 : i32
    %add3A_9 = arith.addi %mul3A_4, %add3A_8 : i32
    %dma_start3A_10 = tpu.memref_slice %arg4[%add3A_9] : memref<327680xi32, #tpu.memory_space<hbm>> -> memref<512xi32, #tpu.memory_space<hbm>>
    %dma_start3A_11 = tpu.memref_slice %arg4[%add3A_9] : memref<327680xi32, #tpu.memory_space<hbm>> -> memref<512xi32, #tpu.memory_space<hbm>>
    tpu.enqueue_dma source(%dma_start3A_11 : memref<512xi32, #tpu.memory_space<hbm>>) target(%arg8 : memref<512xi32, #tpu.memory_space<vmem>>) target_semaphore(%arg15 : memref<!tpu.dma_semaphore, #tpu.memory_space<semaphore_mem>>)
    %add3A_12 = arith.constant 512 : i32
    %add3A_13 = arith.addi %mul3A_4, %add3A_12 : i32
    %dma_start3A_14 = tpu.memref_slice %arg3[%add3A_13] : memref<327680xi32, #tpu.memory_space<hbm>> -> memref<512xi32, #tpu.memory_space<hbm>>
    %dma_start3A_15 = tpu.memref_slice %arg3[%add3A_13] : memref<327680xi32, #tpu.memory_space<hbm>> -> memref<512xi32, #tpu.memory_space<hbm>>
    tpu.enqueue_dma source(%dma_start3A_15 : memref<512xi32, #tpu.memory_space<hbm>>) target(%arg7 : memref<512xi32, #tpu.memory_space<vmem>>) target_semaphore(%arg14 : memref<!tpu.dma_semaphore, #tpu.memory_space<semaphore_mem>>)
    %add3A_16 = arith.constant 512 : i32
    %add3A_17 = arith.addi %mul3A_4, %add3A_16 : i32
    %dma_start3A_18 = tpu.memref_slice %arg4[%add3A_17] : memref<327680xi32, #tpu.memory_space<hbm>> -> memref<512xi32, #tpu.memory_space<hbm>>
    %dma_start3A_19 = tpu.memref_slice %arg4[%add3A_17] : memref<327680xi32, #tpu.memory_space<hbm>> -> memref<512xi32, #tpu.memory_space<hbm>>
    tpu.enqueue_dma source(%dma_start3A_19 : memref<512xi32, #tpu.memory_space<hbm>>) target(%arg9 : memref<512xi32, #tpu.memory_space<vmem>>) target_semaphore(%arg16 : memref<!tpu.dma_semaphore, #tpu.memory_space<semaphore_mem>>)
    %broadcast_in_dim3A = arith.constant 0.000000e+00 : f32
    %broadcast_in_dim3A_20 = vector.broadcast %broadcast_in_dim3A : f32 to vector<16xf32>
    %swap3A = arith.constant 0 : i32
    %swap3A_21 = arith.index_cast %swap3A : i32 to index
    %swap3A_22 = arith.constant 0 : index
    %swap3A_23 = tpu.vector_load %arg10[%swap3A_21, %swap3A_22] {strides = array<i32>} : memref<128x128xf32, #tpu.memory_space<vmem>>, vector<1x16xf32>,
    %swap3A_24 = vector.shape_cast %swap3A_23 : vector<1x16xf32> to vector<16xf32>
    %swap3A_25 = vector.shape_cast %broadcast_in_dim3A_20 : vector<16xf32> to vector<1x16xf32>
    tpu.vector_store %arg10[%swap3A_21, %swap3A_22], %swap3A_25 {strides = array<i32>} : memref<128x128xf32, #tpu.memory_space<vmem>>, vector<1x16xf32>,
    %swap3A_26 = arith.constant 0 : i32
    %swap3A_27 = arith.index_cast %swap3A_26 : i32 to index
    %swap3A_28 = arith.constant 16 : index
    %swap3A_29 = tpu.vector_load %arg10[%swap3A_27, %swap3A_28] {strides = array<i32>} : memref<128x128xf32, #tpu.memory_space<vmem>>, vector<1x16xf32>,
    %swap3A_30 = vector.shape_cast %swap3A_29 : vector<1x16xf32> to vector<16xf32>
    %swap3A_31 = vector.shape_cast %broadcast_in_dim3A_20 : vector<16xf32> to vector<1x16xf32>
    tpu.vector_store %arg10[%swap3A_27, %swap3A_28], %swap3A_31 {strides = array<i32>} : memref<128x128xf32, #tpu.memory_space<vmem>>, vector<1x16xf32>,
    %swap3A_32 = arith.constant 0 : i32
    %swap3A_33 = arith.index_cast %swap3A_32 : i32 to index
    %swap3A_34 = arith.constant 32 : index
    %swap3A_35 = tpu.vector_load %arg10[%swap3A_33, %swap3A_34] {strides = array<i32>} : memref<128x128xf32, #tpu.memory_space<vmem>>, vector<1x16xf32>,
    %swap3A_36 = vector.shape_cast %swap3A_35 : vector<1x16xf32> to vector<16xf32>
    %swap3A_37 = vector.shape_cast %broadcast_in_dim3A_20 : vector<16xf32> to vector<1x16xf32>
    tpu.vector_store %arg10[%swap3A_33, %swap3A_34], %swap3A_37 {strides = array<i32>} : memref<128x128xf32, #tpu.memory_space<vmem>>, vector<1x16xf32>,
    %swap3A_38 = arith.constant 0 : i32
    %swap3A_39 = arith.index_cast %swap3A_38 : i32 to index
    %swap3A_40 = arith.constant 48 : index
    %swap3A_41 = tpu.vector_load %arg10[%swap3A_39, %swap3A_40] {strides = array<i32>} : memref<128x128xf32, #tpu.memory_space<vmem>>, vector<1x16xf32>,
    %swap3A_42 = vector.shape_cast %swap3A_41 : vector<1x16xf32> to vector<16xf32>
    %swap3A_43 = vector.shape_cast %broadcast_in_dim3A_20 : vector<16xf32> to vector<1x16xf32>
    tpu.vector_store %arg10[%swap3A_39, %swap3A_40], %swap3A_43 {strides = array<i32>} : memref<128x128xf32, #tpu.memory_space<vmem>>, vector<1x16xf32>,
    %swap3A_44 = arith.constant 0 : i32
    %swap3A_45 = arith.index_cast %swap3A_44 : i32 to index
    %swap3A_46 = arith.constant 64 : index
    %swap3A_47 = tpu.vector_load %arg10[%swap3A_45, %swap3A_46] {strides = array<i32>} : memref<128x128xf32, #tpu.memory_space<vmem>>, vector<1x16xf32>,
    %swap3A_48 = vector.shape_cast %swap3A_47 : vector<1x16xf32> to vector<16xf32>
    %swap3A_49 = vector.shape_cast %broadcast_in_dim3A_20 : vector<16xf32> to vector<1x16xf32>
    tpu.vector_store %arg10[%swap3A_45, %swap3A_46], %swap3A_49 {strides = array<i32>} : memref<128x128xf32, #tpu.memory_space<vmem>>, vector<1x16xf32>,
    %swap3A_50 = arith.constant 0 : i32
    %swap3A_51 = arith.index_cast %swap3A_50 : i32 to index
    %swap3A_52 = arith.constant 80 : index
    %swap3A_53 = tpu.vector_load %arg10[%swap3A_51, %swap3A_52] {strides = array<i32>} : memref<128x128xf32, #tpu.memory_space<vmem>>, vector<1x16xf32>,
    %swap3A_54 = vector.shape_cast %swap3A_53 : vector<1x16xf32> to vector<16xf32>
    %swap3A_55 = vector.shape_cast %broadcast_in_dim3A_20 : vector<16xf32> to vector<1x16xf32>
    tpu.vector_store %arg10[%swap3A_51, %swap3A_52], %swap3A_55 {strides = array<i32>} : memref<128x128xf32, #tpu.memory_space<vmem>>, vector<1x16xf32>,
    %swap3A_56 = arith.constant 0 : i32
    %swap3A_57 = arith.index_cast %swap3A_56 : i32 to index
    %swap3A_58 = arith.constant 96 : index
    %swap3A_59 = tpu.vector_load %arg10[%swap3A_57, %swap3A_58] {strides = array<i32>} : memref<128x128xf32, #tpu.memory_space<vmem>>, vector<1x16xf32>,
    %swap3A_60 = vector.shape_cast %swap3A_59 : vector<1x16xf32> to vector<16xf32>
    %swap3A_61 = vector.shape_cast %broadcast_in_dim3A_20 : vector<16xf32> to vector<1x16xf32>
    tpu.vector_store %arg10[%swap3A_57, %swap3A_58], %swap3A_61 {strides = array<i32>} : memref<128x128xf32, #tpu.memory_space<vmem>>, vector<1x16xf32>,
    %swap3A_62 = arith.constant 0 : i32
    %swap3A_63 = arith.index_cast %swap3A_62 : i32 to index
    %swap3A_64 = arith.constant 112 : index
    %swap3A_65 = tpu.vector_load %arg10[%swap3A_63, %swap3A_64] {strides = array<i32>} : memref<128x128xf32, #tpu.memory_space<vmem>>, vector<1x16xf32>,
    %swap3A_66 = vector.shape_cast %swap3A_65 : vector<1x16xf32> to vector<16xf32>
    %swap3A_67 = vector.shape_cast %broadcast_in_dim3A_20 : vector<16xf32> to vector<1x16xf32>
    tpu.vector_store %arg10[%swap3A_63, %swap3A_64], %swap3A_67 {strides = array<i32>} : memref<128x128xf32, #tpu.memory_space<vmem>>, vector<1x16xf32>,
    %swap3A_68 = arith.constant 1 : i32
    %swap3A_69 = arith.index_cast %swap3A_68 : i32 to index
    %swap3A_70 = arith.constant 0 : index
    %swap3A_71 = tpu.vector_load %arg10[%swap3A_69, %swap3A_70] {strides = array<i32>} : memref<128x128xf32, #tpu.memory_space<vmem>>, vector<1x16xf32>,
    %swap3A_72 = vector.shape_cast %swap3A_71 : vector<1x16xf32> to vector<16xf32>
    %swap3A_73 = vector.shape_cast %broadcast_in_dim3A_20 : vector<16xf32> to vector<1x16xf32>
    tpu.vector_store %arg10[%swap3A_69, %swap3A_70], %swap3A_73 {strides = array<i32>} : memref<128x128xf32, #tpu.memory_space<vmem>>, vector<1x16xf32>,
    %swap3A_74 = arith.constant 1 : i32
    %swap3A_75 = arith.index_cast %swap3A_74 : i32 to index
    %swap3A_76 = arith.constant 16 : index
    %swap3A_77 = tpu.vector_load %arg10[%swap3A_75, %swap3A_76] {strides = array<i32>} : memref<128x128xf32, #tpu.memory_space<vmem>>, vector<1x16xf32>,
    %swap3A_78 = vector.shape_cast %swap3A_77 : vector<1x16xf32> to vector<16xf32>
    %swap3A_79 = vector.shape_cast %broadcast_in_dim3A_20 : vector<16xf32> to vector<1x16xf32>
    tpu.vector_store %arg10[%swap3A_75, %swap3A_76], %swap3A_79 {strides = array<i32>} : memref<128x128xf32, #tpu.memory_space<vmem>>, vector<1x16xf32>,
    %swap3A_80 = arith.constant 1 : i32
    %swap3A_81 = arith.index_cast %swap3A_80 : i32 to index
    %swap3A_82 = arith.constant 32 : index
    %swap3A_83 = tpu.vector_load %arg10[%swap3A_81, %swap3A_82] {strides = array<i32>} : memref<128x128xf32, #tpu.memory_space<vmem>>, vector<1x16xf32>,
    %swap3A_84 = vector.shape_cast %swap3A_83 : vector<1x16xf32> to vector<16xf32>
    %swap3A_85 = vector.shape_cast %broadcast_in_dim3A_20 : vector<16xf32> to vector<1x16xf32>
    tpu.vector_store %arg10[%swap3A_81, %swap3A_82], %swap3A_85 {strides = array<i32>} : memref<128x128xf32, #tpu.memory_space<vmem>>, vector<1x16xf32>,
    %swap3A_86 = arith.constant 1 : i32
    %swap3A_87 = arith.index_cast %swap3A_86 : i32 to index
    %swap3A_88 = arith.constant 48 : index
    %swap3A_89 = tpu.vector_load %arg10[%swap3A_87, %swap3A_88] {strides = array<i32>} : memref<128x128xf32, #tpu.memory_space<vmem>>, vector<1x16xf32>,
    %swap3A_90 = vector.shape_cast %swap3A_89 : vector<1x16xf32> to vector<16xf32>
    %swap3A_91 = vector.shape_cast %broadcast_in_dim3A_20 : vector<16xf32> to vector<1x16xf32>
    tpu.vector_store %arg10[%swap3A_87, %swap3A_88], %swap3A_91 {strides = array<i32>} : memref<128x128xf32, #tpu.memory_space<vmem>>, vector<1x16xf32>,
    %swap3A_92 = arith.constant 1 : i32
    %swap3A_93 = arith.index_cast %swap3A_92 : i32 to index
    %swap3A_94 = arith.constant 64 : index
    %swap3A_95 = tpu.vector_load %arg10[%swap3A_93, %swap3A_94] {strides = array<i32>} : memref<128x128xf32, #tpu.memory_space<vmem>>, vector<1x16xf32>,
    %swap3A_96 = vector.shape_cast %swap3A_95 : vector<1x16xf32> to vector<16xf32>
    %swap3A_97 = vector.shape_cast %broadcast_in_dim3A_20 : vector<16xf32> to vector<1x16xf32>
    tpu.vector_store %arg10[%swap3A_93, %swap3A_94], %swap3A_97 {strides = array<i32>} : memref<128x128xf32, #tpu.memory_space<vmem>>, vector<1x16xf32>,
    %swap3A_98 = arith.constant 1 : i32
    %swap3A_99 = arith.index_cast %swap3A_98 : i32 to index
    %swap3A_100 = arith.constant 80 : index
    %swap3A_101 = tpu.vector_load %arg10[%swap3A_99, %swap3A_100] {strides = array<i32>} : memref<128x128xf32, #tpu.memory_space<vmem>>, vector<1x16xf32>,
    %swap3A_102 = vector.shape_cast %swap3A_101 : vector<1x16xf32> to vector<16xf32>
    %swap3A_103 = vector.shape_cast %broadcast_in_dim3A_20 : vector<16xf32> to vector<1x16xf32>
    tpu.vector_store %arg10[%swap3A_99, %swap3A_100], %swap3A_103 {strides = array<i32>} : memref<128x128xf32, #tpu.memory_space<vmem>>, vector<1x16xf32>,
    %swap3A_104 = arith.constant 1 : i32
    %swap3A_105 = arith.index_cast %swap3A_104 : i32 to index
    %swap3A_106 = arith.constant 96 : index
    %swap3A_107 = tpu.vector_load %arg10[%swap3A_105, %swap3A_106] {strides = array<i32>} : memref<128x128xf32, #tpu.memory_space<vmem>>, vector<1x16xf32>,
    %swap3A_108 = vector.shape_cast %swap3A_107 : vector<1x16xf32> to vector<16xf32>
    %swap3A_109 = vector.shape_cast %broadcast_in_dim3A_20 : vector<16xf32> to vector<1x16xf32>
    tpu.vector_store %arg10[%swap3A_105, %swap3A_106], %swap3A_109 {strides = array<i32>} : memref<128x128xf32, #tpu.memory_space<vmem>>, vector<1x16xf32>,
    %swap3A_110 = arith.constant 1 : i32
    %swap3A_111 = arith.index_cast %swap3A_110 : i32 to index
    %swap3A_112 = arith.constant 112 : index
    %swap3A_113 = tpu.vector_load %arg10[%swap3A_111, %swap3A_112] {strides = array<i32>} : memref<128x128xf32, #tpu.memory_space<vmem>>, vector<1x16xf32>,
    %swap3A_114 = vector.shape_cast %swap3A_113 : vector<1x16xf32> to vector<16xf32>
    %swap3A_115 = vector.shape_cast %broadcast_in_dim3A_20 : vector<16xf32> to vector<1x16xf32>
    tpu.vector_store %arg10[%swap3A_111, %swap3A_112], %swap3A_115 {strides = array<i32>} : memref<128x128xf32, #tpu.memory_space<vmem>>, vector<1x16xf32>,
    %swap3A_116 = arith.constant 2 : i32
    %swap3A_117 = arith.index_cast %swap3A_116 : i32 to index
    %swap3A_118 = arith.constant 0 : index
    %swap3A_119 = tpu.vector_load %arg10[%swap3A_117, %swap3A_118] {strides = array<i32>} : memref<128x128xf32, #tpu.memory_space<vmem>>, vector<1x16xf32>,
    %swap3A_120 = vector.shape_cast %swap3A_119 : vector<1x16xf32> to vector<16xf32>
    %swap3A_121 = vector.shape_cast %broadcast_in_dim3A_20 : vector<16xf32> to vector<1x16xf32>
    tpu.vector_store %arg10[%swap3A_117, %swap3A_118], %swap3A_121 {strides = array<i32>} : memref<128x128xf32, #tpu.memory_space<vmem>>, vector<1x16xf32>,
    %swap3A_122 = arith.constant 2 : i32
    %swap3A_123 = arith.index_cast %swap3A_122 : i32 to index
    %swap3A_124 = arith.constant 16 : index
    %swap3A_125 = tpu.vector_load %arg10[%swap3A_123, %swap3A_124] {strides = array<i32>} : memref<128x128xf32, #tpu.memory_space<vmem>>, vector<1x16xf32>,
    %swap3A_126 = vector.shape_cast %swap3A_125 : vector<1x16xf32> to vector<16xf32>
    %swap3A_127 = vector.shape_cast %broadcast_in_dim3A_20 : vector<16xf32> to vector<1x16xf32>
    tpu.vector_store %arg10[%swap3A_123, %swap3A_124], %swap3A_127 {strides = array<i32>} : memref<128x128xf32, #tpu.memory_space<vmem>>, vector<1x16xf32>,
    %swap3A_128 = arith.constant 2 : i32
    %swap3A_129 = arith.index_cast %swap3A_128 : i32 to index
    %swap3A_130 = arith.constant 32 : index
    %swap3A_131 = tpu.vector_load %arg10[%swap3A_129, %swap3A_130] {strides = array<i32>} : memref<128x128xf32, #tpu.memory_space<vmem>>, vector<1x16xf32>,
    %swap3A_132 = vector.shape_cast %swap3A_131 : vector<1x16xf32> to vector<16xf32>
    %swap3A_133 = vector.shape_cast %broadcast_in_dim3A_20 : vector<16xf32> to vector<1x16xf32>
    tpu.vector_store %arg10[%swap3A_129, %swap3A_130], %swap3A_133 {strides = array<i32>} : memref<128x128xf32, #tpu.memory_space<vmem>>, vector<1x16xf32>,
    %swap3A_134 = arith.constant 2 : i32
    %swap3A_135 = arith.index_cast %swap3A_134 : i32 to index
    %swap3A_136 = arith.constant 48 : index
    %swap3A_137 = tpu.vector_load %arg10[%swap3A_135, %swap3A_136] {strides = array<i32>} : memref<128x128xf32, #tpu.memory_space<vmem>>, vector<1x16xf32>,
    %swap3A_138 = vector.shape_cast %swap3A_137 : vector<1x16xf32> to vector<16xf32>
    %swap3A_139 = vector.shape_cast %broadcast_in_dim3A_20 : vector<16xf32> to vector<1x16xf32>
    tpu.vector_store %arg10[%swap3A_135, %swap3A_136], %swap3A_139 {strides = array<i32>} : memref<128x128xf32, #tpu.memory_space<vmem>>, vector<1x16xf32>,
    %swap3A_140 = arith.constant 2 : i32
    %swap3A_141 = arith.index_cast %swap3A_140 : i32 to index
    %swap3A_142 = arith.constant 64 : index
    %swap3A_143 = tpu.vector_load %arg10[%swap3A_141, %swap3A_142] {strides = array<i32>} : memref<128x128xf32, #tpu.memory_space<vmem>>, vector<1x16xf32>,
    %swap3A_144 = vector.shape_cast %swap3A_143 : vector<1x16xf32> to vector<16xf32>
    %swap3A_145 = vector.shape_cast %broadcast_in_dim3A_20 : vector<16xf32> to vector<1x16xf32>
    tpu.vector_store %arg10[%swap3A_141, %swap3A_142], %swap3A_145 {strides = array<i32>} : memref<128x128xf32, #tpu.memory_space<vmem>>, vector<1x16xf32>,
    %swap3A_146 = arith.constant 2 : i32
    %swap3A_147 = arith.index_cast %swap3A_146 : i32 to index
    %swap3A_148 = arith.constant 80 : index
    %swap3A_149 = tpu.vector_load %arg10[%swap3A_147, %swap3A_148] {strides = array<i32>} : memref<128x128xf32, #tpu.memory_space<vmem>>, vector<1x16xf32>,
    %swap3A_150 = vector.shape_cast %swap3A_149 : vector<1x16xf32> to vector<16xf32>
    %swap3A_151 = vector.shape_cast %broadcast_in_dim3A_20 : vector<16xf32> to vector<1x16xf32>
    tpu.vector_store %arg10[%swap3A_147, %swap3A_148], %swap3A_151 {strides = array<i32>} : memref<128x128xf32, #tpu.memory_space<vmem>>, vector<1x16xf32>,
    %swap3A_152 = arith.constant 2 : i32
    %swap3A_153 = arith.index_cast %swap3A_152 : i32 to index
    %swap3A_154 = arith.constant 96 : index
    %swap3A_155 = tpu.vector_load %arg10[%swap3A_153, %swap3A_154] {strides = array<i32>} : memref<128x128xf32, #tpu.memory_space<vmem>>, vector<1x16xf32>,
    %swap3A_156 = vector.shape_cast %swap3A_155 : vector<1x16xf32> to vector<16xf32>
    %swap3A_157 = vector.shape_cast %broadcast_in_dim3A_20 : vector<16xf32> to vector<1x16xf32>
    tpu.vector_store %arg10[%swap3A_153, %swap3A_154], %swap3A_157 {strides = array<i32>} : memref<128x128xf32, #tpu.memory_space<vmem>>, vector<1x16xf32>,
    %swap3A_158 = arith.constant 2 : i32
    %swap3A_159 = arith.index_cast %swap3A_158 : i32 to index
    %swap3A_160 = arith.constant 112 : index
    %swap3A_161 = tpu.vector_load %arg10[%swap3A_159, %swap3A_160] {strides = array<i32>} : memref<128x128xf32, #tpu.memory_space<vmem>>, vector<1x16xf32>,
    %swap3A_162 = vector.shape_cast %swap3A_161 : vector<1x16xf32> to vector<16xf32>
    %swap3A_163 = vector.shape_cast %broadcast_in_dim3A_20 : vector<16xf32> to vector<1x16xf32>
    tpu.vector_store %arg10[%swap3A_159, %swap3A_160], %swap3A_163 {strides = array<i32>} : memref<128x128xf32, #tpu.memory_space<vmem>>, vector<1x16xf32>,
    %swap3A_164 = arith.constant 3 : i32
    %swap3A_165 = arith.index_cast %swap3A_164 : i32 to index
    %swap3A_166 = arith.constant 0 : index
    %swap3A_167 = tpu.vector_load %arg10[%swap3A_165, %swap3A_166] {strides = array<i32>} : memref<128x128xf32, #tpu.memory_space<vmem>>, vector<1x16xf32>,
    %swap3A_168 = vector.shape_cast %swap3A_167 : vector<1x16xf32> to vector<16xf32>
    %swap3A_169 = vector.shape_cast %broadcast_in_dim3A_20 : vector<16xf32> to vector<1x16xf32>
    tpu.vector_store %arg10[%swap3A_165, %swap3A_166], %swap3A_169 {strides = array<i32>} : memref<128x128xf32, #tpu.memory_space<vmem>>, vector<1x16xf32>,
    %swap3A_170 = arith.constant 3 : i32
    %swap3A_171 = arith.index_cast %swap3A_170 : i32 to index
    %swap3A_172 = arith.constant 16 : index
    %swap3A_173 = tpu.vector_load %arg10[%swap3A_171, %swap3A_172] {strides = array<i32>} : memref<128x128xf32, #tpu.memory_space<vmem>>, vector<1x16xf32>,
    %swap3A_174 = vector.shape_cast %swap3A_173 : vector<1x16xf32> to vector<16xf32>
    %swap3A_175 = vector.shape_cast %broadcast_in_dim3A_20 : vector<16xf32> to vector<1x16xf32>
    tpu.vector_store %arg10[%swap3A_171, %swap3A_172], %swap3A_175 {strides = array<i32>} : memref<128x128xf32, #tpu.memory_space<vmem>>, vector<1x16xf32>,
    %swap3A_176 = arith.constant 3 : i32
    %swap3A_177 = arith.index_cast %swap3A_176 : i32 to index
    %swap3A_178 = arith.constant 32 : index
    %swap3A_179 = tpu.vector_load %arg10[%swap3A_177, %swap3A_178] {strides = array<i32>} : memref<128x128xf32, #tpu.memory_space<vmem>>, vector<1x16xf32>,
    %swap3A_180 = vector.shape_cast %swap3A_179 : vector<1x16xf32> to vector<16xf32>
    %swap3A_181 = vector.shape_cast %broadcast_in_dim3A_20 : vector<16xf32> to vector<1x16xf32>
    tpu.vector_store %arg10[%swap3A_177, %swap3A_178], %swap3A_181 {strides = array<i32>} : memref<128x128xf32, #tpu.memory_space<vmem>>, vector<1x16xf32>,
    %swap3A_182 = arith.constant 3 : i32
    %swap3A_183 = arith.index_cast %swap3A_182 : i32 to index
    %swap3A_184 = arith.constant 48 : index
    %swap3A_185 = tpu.vector_load %arg10[%swap3A_183, %swap3A_184] {strides = array<i32>} : memref<128x128xf32, #tpu.memory_space<vmem>>, vector<1x16xf32>,
    %swap3A_186 = vector.shape_cast %swap3A_185 : vector<1x16xf32> to vector<16xf32>
    %swap3A_187 = vector.shape_cast %broadcast_in_dim3A_20 : vector<16xf32> to vector<1x16xf32>
    tpu.vector_store %arg10[%swap3A_183, %swap3A_184], %swap3A_187 {strides = array<i32>} : memref<128x128xf32, #tpu.memory_space<vmem>>, vector<1x16xf32>,
    %swap3A_188 = arith.constant 3 : i32
    %swap3A_189 = arith.index_cast %swap3A_188 : i32 to index
    %swap3A_190 = arith.constant 64 : index
    %swap3A_191 = tpu.vector_load %arg10[%swap3A_189, %swap3A_190] {strides = array<i32>} : memref<128x128xf32, #tpu.memory_space<vmem>>, vector<1x16xf32>,
    %swap3A_192 = vector.shape_cast %swap3A_191 : vector<1x16xf32> to vector<16xf32>
    %swap3A_193 = vector.shape_cast %broadcast_in_dim3A_20 : vector<16xf32> to vector<1x16xf32>
    tpu.vector_store %arg10[%swap3A_189, %swap3A_190], %swap3A_193 {strides = array<i32>} : memref<128x128xf32, #tpu.memory_space<vmem>>, vector<1x16xf32>,
    %swap3A_194 = arith.constant 3 : i32
    %swap3A_195 = arith.index_cast %swap3A_194 : i32 to index
    %swap3A_196 = arith.constant 80 : index
    %swap3A_197 = tpu.vector_load %arg10[%swap3A_195, %swap3A_196] {strides = array<i32>} : memref<128x128xf32, #tpu.memory_space<vmem>>, vector<1x16xf32>,
    %swap3A_198 = vector.shape_cast %swap3A_197 : vector<1x16xf32> to vector<16xf32>
    %swap3A_199 = vector.shape_cast %broadcast_in_dim3A_20 : vector<16xf32> to vector<1x16xf32>
    tpu.vector_store %arg10[%swap3A_195, %swap3A_196], %swap3A_199 {strides = array<i32>} : memref<128x128xf32, #tpu.memory_space<vmem>>, vector<1x16xf32>,
    %swap3A_200 = arith.constant 3 : i32
    %swap3A_201 = arith.index_cast %swap3A_200 : i32 to index
    %swap3A_202 = arith.constant 96 : index
    %swap3A_203 = tpu.vector_load %arg10[%swap3A_201, %swap3A_202] {strides = array<i32>} : memref<128x128xf32, #tpu.memory_space<vmem>>, vector<1x16xf32>,
    %swap3A_204 = vector.shape_cast %swap3A_203 : vector<1x16xf32> to vector<16xf32>
    %swap3A_205 = vector.shape_cast %broadcast_in_dim3A_20 : vector<16xf32> to vector<1x16xf32>
    tpu.vector_store %arg10[%swap3A_201, %swap3A_202], %swap3A_205 {strides = array<i32>} : memref<128x128xf32, #tpu.memory_space<vmem>>, vector<1x16xf32>,
    %swap3A_206 = arith.constant 3 : i32
    %swap3A_207 = arith.index_cast %swap3A_206 : i32 to index
    %swap3A_208 = arith.constant 112 : index
    %swap3A_209 = tpu.vector_load %arg10[%swap3A_207, %swap3A_208] {strides = array<i32>} : memref<128x128xf32, #tpu.memory_space<vmem>>, vector<1x16xf32>,
    %swap3A_210 = vector.shape_cast %swap3A_209 : vector<1x16xf32> to vector<16xf32>
    %swap3A_211 = vector.shape_cast %broadcast_in_dim3A_20 : vector<16xf32> to vector<1x16xf32>
    tpu.vector_store %arg10[%swap3A_207, %swap3A_208], %swap3A_211 {strides = array<i32>} : memref<128x128xf32, #tpu.memory_space<vmem>>, vector<1x16xf32>,
    %swap3A_212 = arith.constant 4 : i32
    %swap3A_213 = arith.index_cast %swap3A_212 : i32 to index
    %swap3A_214 = arith.constant 0 : index
    %swap3A_215 = tpu.vector_load %arg10[%swap3A_213, %swap3A_214] {strides = array<i32>} : memref<128x128xf32, #tpu.memory_space<vmem>>, vector<1x16xf32>,
    %swap3A_216 = vector.shape_cast %swap3A_215 : vector<1x16xf32> to vector<16xf32>
    %swap3A_217 = vector.shape_cast %broadcast_in_dim3A_20 : vector<16xf32> to vector<1x16xf32>
    tpu.vector_store %arg10[%swap3A_213, %swap3A_214], %swap3A_217 {strides = array<i32>} : memref<128x128xf32, #tpu.memory_space<vmem>>, vector<1x16xf32>,
    %swap3A_218 = arith.constant 4 : i32
    %swap3A_219 = arith.index_cast %swap3A_218 : i32 to index
    %swap3A_220 = arith.constant 16 : index
    %swap3A_221 = tpu.vector_load %arg10[%swap3A_219, %swap3A_220] {strides = array<i32>} : memref<128x128xf32, #tpu.memory_space<vmem>>, vector<1x16xf32>,
    %swap3A_222 = vector.shape_cast %swap3A_221 : vector<1x16xf32> to vector<16xf32>
    %swap3A_223 = vector.shape_cast %broadcast_in_dim3A_20 : vector<16xf32> to vector<1x16xf32>
    tpu.vector_store %arg10[%swap3A_219, %swap3A_220], %swap3A_223 {strides = array<i32>} : memref<128x128xf32, #tpu.memory_space<vmem>>, vector<1x16xf32>,
    %swap3A_224 = arith.constant 4 : i32
    %swap3A_225 = arith.index_cast %swap3A_224 : i32 to index
    %swap3A_226 = arith.constant 32 : index
    %swap3A_227 = tpu.vector_load %arg10[%swap3A_225, %swap3A_226] {strides = array<i32>} : memref<128x128xf32, #tpu.memory_space<vmem>>, vector<1x16xf32>,
    %swap3A_228 = vector.shape_cast %swap3A_227 : vector<1x16xf32> to vector<16xf32>
    %swap3A_229 = vector.shape_cast %broadcast_in_dim3A_20 : vector<16xf32> to vector<1x16xf32>
    tpu.vector_store %arg10[%swap3A_225, %swap3A_226], %swap3A_229 {strides = array<i32>} : memref<128x128xf32, #tpu.memory_space<vmem>>, vector<1x16xf32>,
    %swap3A_230 = arith.constant 4 : i32
    %swap3A_231 = arith.index_cast %swap3A_230 : i32 to index
    %swap3A_232 = arith.constant 48 : index
    %swap3A_233 = tpu.vector_load %arg10[%swap3A_231, %swap3A_232] {strides = array<i32>} : memref<128x128xf32, #tpu.memory_space<vmem>>, vector<1x16xf32>,
    %swap3A_234 = vector.shape_cast %swap3A_233 : vector<1x16xf32> to vector<16xf32>
    %swap3A_235 = vector.shape_cast %broadcast_in_dim3A_20 : vector<16xf32> to vector<1x16xf32>
    tpu.vector_store %arg10[%swap3A_231, %swap3A_232], %swap3A_235 {strides = array<i32>} : memref<128x128xf32, #tpu.memory_space<vmem>>, vector<1x16xf32>,
    %swap3A_236 = arith.constant 4 : i32
    %swap3A_237 = arith.index_cast %swap3A_236 : i32 to index
    %swap3A_238 = arith.constant 64 : index
    %swap3A_239 = tpu.vector_load %arg10[%swap3A_237, %swap3A_238] {strides = array<i32>} : memref<128x128xf32, #tpu.memory_space<vmem>>, vector<1x16xf32>,
    %swap3A_240 = vector.shape_cast %swap3A_239 : vector<1x16xf32> to vector<16xf32>
    %swap3A_241 = vector.shape_cast %broadcast_in_dim3A_20 : vector<16xf32> to vector<1x16xf32>
    tpu.vector_store %arg10[%swap3A_237, %swap3A_238], %swap3A_241 {strides = array<i32>} : memref<128x128xf32, #tpu.memory_space<vmem>>, vector<1x16xf32>,
    %swap3A_242 = arith.constant 4 : i32
    %swap3A_243 = arith.index_cast %swap3A_242 : i32 to index
    %swap3A_244 = arith.constant 80 : index
    %swap3A_245 = tpu.vector_load %arg10[%swap3A_243, %swap3A_244] {strides = array<i32>} : memref<128x128xf32, #tpu.memory_space<vmem>>, vector<1x16xf32>,
    %swap3A_246 = vector.shape_cast %swap3A_245 : vector<1x16xf32> to vector<16xf32>
    %swap3A_247 = vector.shape_cast %broadcast_in_dim3A_20 : vector<16xf32> to vector<1x16xf32>
    tpu.vector_store %arg10[%swap3A_243, %swap3A_244], %swap3A_247 {strides = array<i32>} : memref<128x128xf32, #tpu.memory_space<vmem>>, vector<1x16xf32>,
    %swap3A_248 = arith.constant 4 : i32
    %swap3A_249 = arith.index_cast %swap3A_248 : i32 to index
    %swap3A_250 = arith.constant 96 : index
    %swap3A_251 = tpu.vector_load %arg10[%swap3A_249, %swap3A_250] {strides = array<i32>} : memref<128x128xf32, #tpu.memory_space<vmem>>, vector<1x16xf32>,
    %swap3A_252 = vector.shape_cast %swap3A_251 : vector<1x16xf32> to vector<16xf32>
    %swap3A_253 = vector.shape_cast %broadcast_in_dim3A_20 : vector<16xf32> to vector<1x16xf32>
    tpu.vector_store %arg10[%swap3A_249, %swap3A_250], %swap3A_253 {strides = array<i32>} : memref<128x128xf32, #tpu.memory_space<vmem>>, vector<1x16xf32>,
    %swap3A_254 = arith.constant 4 : i32
    %swap3A_255 = arith.index_cast %swap3A_254 : i32 to index
    %swap3A_256 = arith.constant 112 : index
    %swap3A_257 = tpu.vector_load %arg10[%swap3A_255, %swap3A_256] {strides = array<i32>} : memref<128x128xf32, #tpu.memory_space<vmem>>, vector<1x16xf32>,
    %swap3A_258 = vector.shape_cast %swap3A_257 : vector<1x16xf32> to vector<16xf32>
    %swap3A_259 = vector.shape_cast %broadcast_in_dim3A_20 : vector<16xf32> to vector<1x16xf32>
    tpu.vector_store %arg10[%swap3A_255, %swap3A_256], %swap3A_259 {strides = array<i32>} : memref<128x128xf32, #tpu.memory_space<vmem>>, vector<1x16xf32>,
    %swap3A_260 = arith.constant 5 : i32
    %swap3A_261 = arith.index_cast %swap3A_260 : i32 to index
    %swap3A_262 = arith.constant 0 : index
    %swap3A_263 = tpu.vector_load %arg10[%swap3A_261, %swap3A_262] {strides = array<i32>} : memref<128x128xf32, #tpu.memory_space<vmem>>, vector<1x16xf32>,
    %swap3A_264 = vector.shape_cast %swap3A_263 : vector<1x16xf32> to vector<16xf32>
    %swap3A_265 = vector.shape_cast %broadcast_in_dim3A_20 : vector<16xf32> to vector<1x16xf32>
    tpu.vector_store %arg10[%swap3A_261, %swap3A_262], %swap3A_265 {strides = array<i32>} : memref<128x128xf32, #tpu.memory_space<vmem>>, vector<1x16xf32>,
    %swap3A_266 = arith.constant 5 : i32
    %swap3A_267 = arith.index_cast %swap3A_266 : i32 to index
    %swap3A_268 = arith.constant 16 : index
    %swap3A_269 = tpu.vector_load %arg10[%swap3A_267, %swap3A_268] {strides = array<i32>} : memref<128x128xf32, #tpu.memory_space<vmem>>, vector<1x16xf32>,
    %swap3A_270 = vector.shape_cast %swap3A_269 : vector<1x16xf32> to vector<16xf32>
    %swap3A_271 = vector.shape_cast %broadcast_in_dim3A_20 : vector<16xf32> to vector<1x16xf32>
    tpu.vector_store %arg10[%swap3A_267, %swap3A_268], %swap3A_271 {strides = array<i32>} : memref<128x128xf32, #tpu.memory_space<vmem>>, vector<1x16xf32>,
    %swap3A_272 = arith.constant 5 : i32
    %swap3A_273 = arith.index_cast %swap3A_272 : i32 to index
    %swap3A_274 = arith.constant 32 : index
    %swap3A_275 = tpu.vector_load %arg10[%swap3A_273, %swap3A_274] {strides = array<i32>} : memref<128x128xf32, #tpu.memory_space<vmem>>, vector<1x16xf32>,
    %swap3A_276 = vector.shape_cast %swap3A_275 : vector<1x16xf32> to vector<16xf32>
    %swap3A_277 = vector.shape_cast %broadcast_in_dim3A_20 : vector<16xf32> to vector<1x16xf32>
    tpu.vector_store %arg10[%swap3A_273, %swap3A_274], %swap3A_277 {strides = array<i32>} : memref<128x128xf32, #tpu.memory_space<vmem>>, vector<1x16xf32>,
    %swap3A_278 = arith.constant 5 : i32
    %swap3A_279 = arith.index_cast %swap3A_278 : i32 to index
    %swap3A_280 = arith.constant 48 : index
    %swap3A_281 = tpu.vector_load %arg10[%swap3A_279, %swap3A_280] {strides = array<i32>} : memref<128x128xf32, #tpu.memory_space<vmem>>, vector<1x16xf32>,
    %swap3A_282 = vector.shape_cast %swap3A_281 : vector<1x16xf32> to vector<16xf32>
    %swap3A_283 = vector.shape_cast %broadcast_in_dim3A_20 : vector<16xf32> to vector<1x16xf32>
    tpu.vector_store %arg10[%swap3A_279, %swap3A_280], %swap3A_283 {strides = array<i32>} : memref<128x128xf32, #tpu.memory_space<vmem>>, vector<1x16xf32>,
    %swap3A_284 = arith.constant 5 : i32
    %swap3A_285 = arith.index_cast %swap3A_284 : i32 to index
    %swap3A_286 = arith.constant 64 : index
    %swap3A_287 = tpu.vector_load %arg10[%swap3A_285, %swap3A_286] {strides = array<i32>} : memref<128x128xf32, #tpu.memory_space<vmem>>, vector<1x16xf32>,
    %swap3A_288 = vector.shape_cast %swap3A_287 : vector<1x16xf32> to vector<16xf32>
    %swap3A_289 = vector.shape_cast %broadcast_in_dim3A_20 : vector<16xf32> to vector<1x16xf32>
    tpu.vector_store %arg10[%swap3A_285, %swap3A_286], %swap3A_289 {strides = array<i32>} : memref<128x128xf32, #tpu.memory_space<vmem>>, vector<1x16xf32>,
    %swap3A_290 = arith.constant 5 : i32
    %swap3A_291 = arith.index_cast %swap3A_290 : i32 to index
    %swap3A_292 = arith.constant 80 : index
    %swap3A_293 = tpu.vector_load %arg10[%swap3A_291, %swap3A_292] {strides = array<i32>} : memref<128x128xf32, #tpu.memory_space<vmem>>, vector<1x16xf32>,
    %swap3A_294 = vector.shape_cast %swap3A_293 : vector<1x16xf32> to vector<16xf32>
    %swap3A_295 = vector.shape_cast %broadcast_in_dim3A_20 : vector<16xf32> to vector<1x16xf32>
    tpu.vector_store %arg10[%swap3A_291, %swap3A_292], %swap3A_295 {strides = array<i32>} : memref<128x128xf32, #tpu.memory_space<vmem>>, vector<1x16xf32>,
    %swap3A_296 = arith.constant 5 : i32
    %swap3A_297 = arith.index_cast %swap3A_296 : i32 to index
    %swap3A_298 = arith.constant 96 : index
    %swap3A_299 = tpu.vector_load %arg10[%swap3A_297, %swap3A_298] {strides = array<i32>} : memref<128x128xf32, #tpu.memory_space<vmem>>, vector<1x16xf32>,
    %swap3A_300 = vector.shape_cast %swap3A_299 : vector<1x16xf32> to vector<16xf32>
    %swap3A_301 = vector.shape_cast %broadcast_in_dim3A_20 : vector<16xf32> to vector<1x16xf32>
    tpu.vector_store %arg10[%swap3A_297, %swap3A_298], %swap3A_301 {strides = array<i32>} : memref<128x128xf32, #tpu.memory_space<vmem>>, vector<1x16xf32>,
    %swap3A_302 = arith.constant 5 : i32
    %swap3A_303 = arith.index_cast %swap3A_302 : i32 to index
    %swap3A_304 = arith.constant 112 : index
    %swap3A_305 = tpu.vector_load %arg10[%swap3A_303, %swap3A_304] {strides = array<i32>} : memref<128x128xf32, #tpu.memory_space<vmem>>, vector<1x16xf32>,
    %swap3A_306 = vector.shape_cast %swap3A_305 : vector<1x16xf32> to vector<16xf32>
    %swap3A_307 = vector.shape_cast %broadcast_in_dim3A_20 : vector<16xf32> to vector<1x16xf32>
    tpu.vector_store %arg10[%swap3A_303, %swap3A_304], %swap3A_307 {strides = array<i32>} : memref<128x128xf32, #tpu.memory_space<vmem>>, vector<1x16xf32>,
    %swap3A_308 = arith.constant 6 : i32
    %swap3A_309 = arith.index_cast %swap3A_308 : i32 to index
    %swap3A_310 = arith.constant 0 : index
    %swap3A_311 = tpu.vector_load %arg10[%swap3A_309, %swap3A_310] {strides = array<i32>} : memref<128x128xf32, #tpu.memory_space<vmem>>, vector<1x16xf32>,
    %swap3A_312 = vector.shape_cast %swap3A_311 : vector<1x16xf32> to vector<16xf32>
    %swap3A_313 = vector.shape_cast %broadcast_in_dim3A_20 : vector<16xf32> to vector<1x16xf32>
    tpu.vector_store %arg10[%swap3A_309, %swap3A_310], %swap3A_313 {strides = array<i32>} : memref<128x128xf32, #tpu.memory_space<vmem>>, vector<1x16xf32>,
    %swap3A_314 = arith.constant 6 : i32
    %swap3A_315 = arith.index_cast %swap3A_314 : i32 to index
    %swap3A_316 = arith.constant 16 : index
    %swap3A_317 = tpu.vector_load %arg10[%swap3A_315, %swap3A_316] {strides = array<i32>} : memref<128x128xf32, #tpu.memory_space<vmem>>, vector<1x16xf32>,
    %swap3A_318 = vector.shape_cast %swap3A_317 : vector<1x16xf32> to vector<16xf32>
    %swap3A_319 = vector.shape_cast %broadcast_in_dim3A_20 : vector<16xf32> to vector<1x16xf32>
    tpu.vector_store %arg10[%swap3A_315, %swap3A_316], %swap3A_319 {strides = array<i32>} : memref<128x128xf32, #tpu.memory_space<vmem>>, vector<1x16xf32>,
    %swap3A_320 = arith.constant 6 : i32
    %swap3A_321 = arith.index_cast %swap3A_320 : i32 to index
    %swap3A_322 = arith.constant 32 : index
    %swap3A_323 = tpu.vector_load %arg10[%swap3A_321, %swap3A_322] {strides = array<i32>} : memref<128x128xf32, #tpu.memory_space<vmem>>, vector<1x16xf32>,
    %swap3A_324 = vector.shape_cast %swap3A_323 : vector<1x16xf32> to vector<16xf32>
    %swap3A_325 = vector.shape_cast %broadcast_in_dim3A_20 : vector<16xf32> to vector<1x16xf32>
    tpu.vector_store %arg10[%swap3A_321, %swap3A_322], %swap3A_325 {strides = array<i32>} : memref<128x128xf32, #tpu.memory_space<vmem>>, vector<1x16xf32>,
    %swap3A_326 = arith.constant 6 : i32
    %swap3A_327 = arith.index_cast %swap3A_326 : i32 to index
    %swap3A_328 = arith.constant 48 : index
    %swap3A_329 = tpu.vector_load %arg10[%swap3A_327, %swap3A_328] {strides = array<i32>} : memref<128x128xf32, #tpu.memory_space<vmem>>, vector<1x16xf32>,
    %swap3A_330 = vector.shape_cast %swap3A_329 : vector<1x16xf32> to vector<16xf32>
    %swap3A_331 = vector.shape_cast %broadcast_in_dim3A_20 : vector<16xf32> to vector<1x16xf32>
    tpu.vector_store %arg10[%swap3A_327, %swap3A_328], %swap3A_331 {strides = array<i32>} : memref<128x128xf32, #tpu.memory_space<vmem>>, vector<1x16xf32>,
    %swap3A_332 = arith.constant 6 : i32
    %swap3A_333 = arith.index_cast %swap3A_332 : i32 to index
    %swap3A_334 = arith.constant 64 : index
    %swap3A_335 = tpu.vector_load %arg10[%swap3A_333, %swap3A_334] {strides = array<i32>} : memref<128x128xf32, #tpu.memory_space<vmem>>, vector<1x16xf32>,
    %swap3A_336 = vector.shape_cast %swap3A_335 : vector<1x16xf32> to vector<16xf32>
    %swap3A_337 = vector.shape_cast %broadcast_in_dim3A_20 : vector<16xf32> to vector<1x16xf32>
    tpu.vector_store %arg10[%swap3A_333, %swap3A_334], %swap3A_337 {strides = array<i32>} : memref<128x128xf32, #tpu.memory_space<vmem>>, vector<1x16xf32>,
    %swap3A_338 = arith.constant 6 : i32
    %swap3A_339 = arith.index_cast %swap3A_338 : i32 to index
    %swap3A_340 = arith.constant 80 : index
    %swap3A_341 = tpu.vector_load %arg10[%swap3A_339, %swap3A_340] {strides = array<i32>} : memref<128x128xf32, #tpu.memory_space<vmem>>, vector<1x16xf32>,
    %swap3A_342 = vector.shape_cast %swap3A_341 : vector<1x16xf32> to vector<16xf32>
    %swap3A_343 = vector.shape_cast %broadcast_in_dim3A_20 : vector<16xf32> to vector<1x16xf32>
    tpu.vector_store %arg10[%swap3A_339, %swap3A_340], %swap3A_343 {strides = array<i32>} : memref<128x128xf32, #tpu.memory_space<vmem>>, vector<1x16xf32>,
    %swap3A_344 = arith.constant 6 : i32
    %swap3A_345 = arith.index_cast %swap3A_344 : i32 to index
    %swap3A_346 = arith.constant 96 : index
    %swap3A_347 = tpu.vector_load %arg10[%swap3A_345, %swap3A_346] {strides = array<i32>} : memref<128x128xf32, #tpu.memory_space<vmem>>, vector<1x16xf32>,
    %swap3A_348 = vector.shape_cast %swap3A_347 : vector<1x16xf32> to vector<16xf32>
    %swap3A_349 = vector.shape_cast %broadcast_in_dim3A_20 : vector<16xf32> to vector<1x16xf32>
    tpu.vector_store %arg10[%swap3A_345, %swap3A_346], %swap3A_349 {strides = array<i32>} : memref<128x128xf32, #tpu.memory_space<vmem>>, vector<1x16xf32>,
    %swap3A_350 = arith.constant 6 : i32
    %swap3A_351 = arith.index_cast %swap3A_350 : i32 to index
    %swap3A_352 = arith.constant 112 : index
    %swap3A_353 = tpu.vector_load %arg10[%swap3A_351, %swap3A_352] {strides = array<i32>} : memref<128x128xf32, #tpu.memory_space<vmem>>, vector<1x16xf32>,
    %swap3A_354 = vector.shape_cast %swap3A_353 : vector<1x16xf32> to vector<16xf32>
    %swap3A_355 = vector.shape_cast %broadcast_in_dim3A_20 : vector<16xf32> to vector<1x16xf32>
    tpu.vector_store %arg10[%swap3A_351, %swap3A_352], %swap3A_355 {strides = array<i32>} : memref<128x128xf32, #tpu.memory_space<vmem>>, vector<1x16xf32>,
    %swap3A_356 = arith.constant 7 : i32
    %swap3A_357 = arith.index_cast %swap3A_356 : i32 to index
    %swap3A_358 = arith.constant 0 : index
    %swap3A_359 = tpu.vector_load %arg10[%swap3A_357, %swap3A_358] {strides = array<i32>} : memref<128x128xf32, #tpu.memory_space<vmem>>, vector<1x16xf32>,
    %swap3A_360 = vector.shape_cast %swap3A_359 : vector<1x16xf32> to vector<16xf32>
    %swap3A_361 = vector.shape_cast %broadcast_in_dim3A_20 : vector<16xf32> to vector<1x16xf32>
    tpu.vector_store %arg10[%swap3A_357, %swap3A_358], %swap3A_361 {strides = array<i32>} : memref<128x128xf32, #tpu.memory_space<vmem>>, vector<1x16xf32>,
    %swap3A_362 = arith.constant 7 : i32
    %swap3A_363 = arith.index_cast %swap3A_362 : i32 to index
    %swap3A_364 = arith.constant 16 : index
    %swap3A_365 = tpu.vector_load %arg10[%swap3A_363, %swap3A_364] {strides = array<i32>} : memref<128x128xf32, #tpu.memory_space<vmem>>, vector<1x16xf32>,
    %swap3A_366 = vector.shape_cast %swap3A_365 : vector<1x16xf32> to vector<16xf32>
    %swap3A_367 = vector.shape_cast %broadcast_in_dim3A_20 : vector<16xf32> to vector<1x16xf32>
    tpu.vector_store %arg10[%swap3A_363, %swap3A_364], %swap3A_367 {strides = array<i32>} : memref<128x128xf32, #tpu.memory_space<vmem>>, vector<1x16xf32>,
    %swap3A_368 = arith.constant 7 : i32
    %swap3A_369 = arith.index_cast %swap3A_368 : i32 to index
    %swap3A_370 = arith.constant 32 : index
    %swap3A_371 = tpu.vector_load %arg10[%swap3A_369, %swap3A_370] {strides = array<i32>} : memref<128x128xf32, #tpu.memory_space<vmem>>, vector<1x16xf32>,
    %swap3A_372 = vector.shape_cast %swap3A_371 : vector<1x16xf32> to vector<16xf32>
    %swap3A_373 = vector.shape_cast %broadcast_in_dim3A_20 : vector<16xf32> to vector<1x16xf32>
    tpu.vector_store %arg10[%swap3A_369, %swap3A_370], %swap3A_373 {strides = array<i32>} : memref<128x128xf32, #tpu.memory_space<vmem>>, vector<1x16xf32>,
    %swap3A_374 = arith.constant 7 : i32
    %swap3A_375 = arith.index_cast %swap3A_374 : i32 to index
    %swap3A_376 = arith.constant 48 : index
    %swap3A_377 = tpu.vector_load %arg10[%swap3A_375, %swap3A_376] {strides = array<i32>} : memref<128x128xf32, #tpu.memory_space<vmem>>, vector<1x16xf32>,
    %swap3A_378 = vector.shape_cast %swap3A_377 : vector<1x16xf32> to vector<16xf32>
    %swap3A_379 = vector.shape_cast %broadcast_in_dim3A_20 : vector<16xf32> to vector<1x16xf32>
    tpu.vector_store %arg10[%swap3A_375, %swap3A_376], %swap3A_379 {strides = array<i32>} : memref<128x128xf32, #tpu.memory_space<vmem>>, vector<1x16xf32>,
    %swap3A_380 = arith.constant 7 : i32
    %swap3A_381 = arith.index_cast %swap3A_380 : i32 to index
    %swap3A_382 = arith.constant 64 : index
    %swap3A_383 = tpu.vector_load %arg10[%swap3A_381, %swap3A_382] {strides = array<i32>} : memref<128x128xf32, #tpu.memory_space<vmem>>, vector<1x16xf32>,
    %swap3A_384 = vector.shape_cast %swap3A_383 : vector<1x16xf32> to vector<16xf32>
    %swap3A_385 = vector.shape_cast %broadcast_in_dim3A_20 : vector<16xf32> to vector<1x16xf32>
    tpu.vector_store %arg10[%swap3A_381, %swap3A_382], %swap3A_385 {strides = array<i32>} : memref<128x128xf32, #tpu.memory_space<vmem>>, vector<1x16xf32>,
    %swap3A_386 = arith.constant 7 : i32
    %swap3A_387 = arith.index_cast %swap3A_386 : i32 to index
    %swap3A_388 = arith.constant 80 : index
    %swap3A_389 = tpu.vector_load %arg10[%swap3A_387, %swap3A_388] {strides = array<i32>} : memref<128x128xf32, #tpu.memory_space<vmem>>, vector<1x16xf32>,
    %swap3A_390 = vector.shape_cast %swap3A_389 : vector<1x16xf32> to vector<16xf32>
    %swap3A_391 = vector.shape_cast %broadcast_in_dim3A_20 : vector<16xf32> to vector<1x16xf32>
    tpu.vector_store %arg10[%swap3A_387, %swap3A_388], %swap3A_391 {strides = array<i32>} : memref<128x128xf32, #tpu.memory_space<vmem>>, vector<1x16xf32>,
    %swap3A_392 = arith.constant 7 : i32
    %swap3A_393 = arith.index_cast %swap3A_392 : i32 to index
    %swap3A_394 = arith.constant 96 : index
    %swap3A_395 = tpu.vector_load %arg10[%swap3A_393, %swap3A_394] {strides = array<i32>} : memref<128x128xf32, #tpu.memory_space<vmem>>, vector<1x16xf32>,
    %swap3A_396 = vector.shape_cast %swap3A_395 : vector<1x16xf32> to vector<16xf32>
    %swap3A_397 = vector.shape_cast %broadcast_in_dim3A_20 : vector<16xf32> to vector<1x16xf32>
    tpu.vector_store %arg10[%swap3A_393, %swap3A_394], %swap3A_397 {strides = array<i32>} : memref<128x128xf32, #tpu.memory_space<vmem>>, vector<1x16xf32>,
    %swap3A_398 = arith.constant 7 : i32
    %swap3A_399 = arith.index_cast %swap3A_398 : i32 to index
    %swap3A_400 = arith.constant 112 : index
    %swap3A_401 = tpu.vector_load %arg10[%swap3A_399, %swap3A_400] {strides = array<i32>} : memref<128x128xf32, #tpu.memory_space<vmem>>, vector<1x16xf32>,
    %swap3A_402 = vector.shape_cast %swap3A_401 : vector<1x16xf32> to vector<16xf32>
    %swap3A_403 = vector.shape_cast %broadcast_in_dim3A_20 : vector<16xf32> to vector<1x16xf32>
    tpu.vector_store %arg10[%swap3A_399, %swap3A_400], %swap3A_403 {strides = array<i32>} : memref<128x128xf32, #tpu.memory_space<vmem>>, vector<1x16xf32>,
    %swap3A_404 = arith.constant 8 : i32
    %swap3A_405 = arith.index_cast %swap3A_404 : i32 to index
    %swap3A_406 = arith.constant 0 : index
    %swap3A_407 = tpu.vector_load %arg10[%swap3A_405, %swap3A_406] {strides = array<i32>} : memref<128x128xf32, #tpu.memory_space<vmem>>, vector<1x16xf32>,
    %swap3A_408 = vector.shape_cast %swap3A_407 : vector<1x16xf32> to vector<16xf32>
    %swap3A_409 = vector.shape_cast %broadcast_in_dim3A_20 : vector<16xf32> to vector<1x16xf32>
    tpu.vector_store %arg10[%swap3A_405, %swap3A_406], %swap3A_409 {strides = array<i32>} : memref<128x128xf32, #tpu.memory_space<vmem>>, vector<1x16xf32>,
    %swap3A_410 = arith.constant 8 : i32
    %swap3A_411 = arith.index_cast %swap3A_410 : i32 to index
    %swap3A_412 = arith.constant 16 : index
    %swap3A_413 = tpu.vector_load %arg10[%swap3A_411, %swap3A_412] {strides = array<i32>} : memref<128x128xf32, #tpu.memory_space<vmem>>, vector<1x16xf32>,
    %swap3A_414 = vector.shape_cast %swap3A_413 : vector<1x16xf32> to vector<16xf32>
    %swap3A_415 = vector.shape_cast %broadcast_in_dim3A_20 : vector<16xf32> to vector<1x16xf32>
    tpu.vector_store %arg10[%swap3A_411, %swap3A_412], %swap3A_415 {strides = array<i32>} : memref<128x128xf32, #tpu.memory_space<vmem>>, vector<1x16xf32>,
    %swap3A_416 = arith.constant 8 : i32
    %swap3A_417 = arith.index_cast %swap3A_416 : i32 to index
    %swap3A_418 = arith.constant 32 : index
    %swap3A_419 = tpu.vector_load %arg10[%swap3A_417, %swap3A_418] {strides = array<i32>} : memref<128x128xf32, #tpu.memory_space<vmem>>, vector<1x16xf32>,
    %swap3A_420 = vector.shape_cast %swap3A_419 : vector<1x16xf32> to vector<16xf32>
    %swap3A_421 = vector.shape_cast %broadcast_in_dim3A_20 : vector<16xf32> to vector<1x16xf32>
    tpu.vector_store %arg10[%swap3A_417, %swap3A_418], %swap3A_421 {strides = array<i32>} : memref<128x128xf32, #tpu.memory_space<vmem>>, vector<1x16xf32>,
    %swap3A_422 = arith.constant 8 : i32
    %swap3A_423 = arith.index_cast %swap3A_422 : i32 to index
    %swap3A_424 = arith.constant 48 : index
    %swap3A_425 = tpu.vector_load %arg10[%swap3A_423, %swap3A_424] {strides = array<i32>} : memref<128x128xf32, #tpu.memory_space<vmem>>, vector<1x16xf32>,
    %swap3A_426 = vector.shape_cast %swap3A_425 : vector<1x16xf32> to vector<16xf32>
    %swap3A_427 = vector.shape_cast %broadcast_in_dim3A_20 : vector<16xf32> to vector<1x16xf32>
    tpu.vector_store %arg10[%swap3A_423, %swap3A_424], %swap3A_427 {strides = array<i32>} : memref<128x128xf32, #tpu.memory_space<vmem>>, vector<1x16xf32>,
    %swap3A_428 = arith.constant 8 : i32
    %swap3A_429 = arith.index_cast %swap3A_428 : i32 to index
    %swap3A_430 = arith.constant 64 : index
    %swap3A_431 = tpu.vector_load %arg10[%swap3A_429, %swap3A_430] {strides = array<i32>} : memref<128x128xf32, #tpu.memory_space<vmem>>, vector<1x16xf32>,
    %swap3A_432 = vector.shape_cast %swap3A_431 : vector<1x16xf32> to vector<16xf32>
    %swap3A_433 = vector.shape_cast %broadcast_in_dim3A_20 : vector<16xf32> to vector<1x16xf32>
    tpu.vector_store %arg10[%swap3A_429, %swap3A_430], %swap3A_433 {strides = array<i32>} : memref<128x128xf32, #tpu.memory_space<vmem>>, vector<1x16xf32>,
    %swap3A_434 = arith.constant 8 : i32
    %swap3A_435 = arith.index_cast %swap3A_434 : i32 to index
    %swap3A_436 = arith.constant 80 : index
    %swap3A_437 = tpu.vector_load %arg10[%swap3A_435, %swap3A_436] {strides = array<i32>} : memref<128x128xf32, #tpu.memory_space<vmem>>, vector<1x16xf32>,
    %swap3A_438 = vector.shape_cast %swap3A_437 : vector<1x16xf32> to vector<16xf32>
    %swap3A_439 = vector.shape_cast %broadcast_in_dim3A_20 : vector<16xf32> to vector<1x16xf32>
    tpu.vector_store %arg10[%swap3A_435, %swap3A_436], %swap3A_439 {strides = array<i32>} : memref<128x128xf32, #tpu.memory_space<vmem>>, vector<1x16xf32>,
    %swap3A_440 = arith.constant 8 : i32
    %swap3A_441 = arith.index_cast %swap3A_440 : i32 to index
    %swap3A_442 = arith.constant 96 : index
    %swap3A_443 = tpu.vector_load %arg10[%swap3A_441, %swap3A_442] {strides = array<i32>} : memref<128x128xf32, #tpu.memory_space<vmem>>, vector<1x16xf32>,
    %swap3A_444 = vector.shape_cast %swap3A_443 : vector<1x16xf32> to vector<16xf32>
    %swap3A_445 = vector.shape_cast %broadcast_in_dim3A_20 : vector<16xf32> to vector<1x16xf32>
    tpu.vector_store %arg10[%swap3A_441, %swap3A_442], %swap3A_445 {strides = array<i32>} : memref<128x128xf32, #tpu.memory_space<vmem>>, vector<1x16xf32>,
    %swap3A_446 = arith.constant 8 : i32
    %swap3A_447 = arith.index_cast %swap3A_446 : i32 to index
    %swap3A_448 = arith.constant 112 : index
    %swap3A_449 = tpu.vector_load %arg10[%swap3A_447, %swap3A_448] {strides = array<i32>} : memref<128x128xf32, #tpu.memory_space<vmem>>, vector<1x16xf32>,
    %swap3A_450 = vector.shape_cast %swap3A_449 : vector<1x16xf32> to vector<16xf32>
    %swap3A_451 = vector.shape_cast %broadcast_in_dim3A_20 : vector<16xf32> to vector<1x16xf32>
    tpu.vector_store %arg10[%swap3A_447, %swap3A_448], %swap3A_451 {strides = array<i32>} : memref<128x128xf32, #tpu.memory_space<vmem>>, vector<1x16xf32>,
    %swap3A_452 = arith.constant 9 : i32
    %swap3A_453 = arith.index_cast %swap3A_452 : i32 to index
    %swap3A_454 = arith.constant 0 : index
    %swap3A_455 = tpu.vector_load %arg10[%swap3A_453, %swap3A_454] {strides = array<i32>} : memref<128x128xf32, #tpu.memory_space<vmem>>, vector<1x16xf32>,
    %swap3A_456 = vector.shape_cast %swap3A_455 : vector<1x16xf32> to vector<16xf32>
    %swap3A_457 = vector.shape_cast %broadcast_in_dim3A_20 : vector<16xf32> to vector<1x16xf32>
    tpu.vector_store %arg10[%swap3A_453, %swap3A_454], %swap3A_457 {strides = array<i32>} : memref<128x128xf32, #tpu.memory_space<vmem>>, vector<1x16xf32>,
    %swap3A_458 = arith.constant 9 : i32
    %swap3A_459 = arith.index_cast %swap3A_458 : i32 to index
    %swap3A_460 = arith.constant 16 : index
    %swap3A_461 = tpu.vector_load %arg10[%swap3A_459, %swap3A_460] {strides = array<i32>} : memref<128x128xf32, #tpu.memory_space<vmem>>, vector<1x16xf32>,
    %swap3A_462 = vector.shape_cast %swap3A_461 : vector<1x16xf32> to vector<16xf32>
    %swap3A_463 = vector.shape_cast %broadcast_in_dim3A_20 : vector<16xf32> to vector<1x16xf32>
    tpu.vector_store %arg10[%swap3A_459, %swap3A_460], %swap3A_463 {strides = array<i32>} : memref<128x128xf32, #tpu.memory_space<vmem>>, vector<1x16xf32>,
    %swap3A_464 = arith.constant 9 : i32
    %swap3A_465 = arith.index_cast %swap3A_464 : i32 to index
    %swap3A_466 = arith.constant 32 : index
    %swap3A_467 = tpu.vector_load %arg10[%swap3A_465, %swap3A_466] {strides = array<i32>} : memref<128x128xf32, #tpu.memory_space<vmem>>, vector<1x16xf32>,
    %swap3A_468 = vector.shape_cast %swap3A_467 : vector<1x16xf32> to vector<16xf32>
    %swap3A_469 = vector.shape_cast %broadcast_in_dim3A_20 : vector<16xf32> to vector<1x16xf32>
    tpu.vector_store %arg10[%swap3A_465, %swap3A_466], %swap3A_469 {strides = array<i32>} : memref<128x128xf32, #tpu.memory_space<vmem>>, vector<1x16xf32>,
    %swap3A_470 = arith.constant 9 : i32
    %swap3A_471 = arith.index_cast %swap3A_470 : i32 to index
    %swap3A_472 = arith.constant 48 : index
    %swap3A_473 = tpu.vector_load %arg10[%swap3A_471, %swap3A_472] {strides = array<i32>} : memref<128x128xf32, #tpu.memory_space<vmem>>, vector<1x16xf32>,
    %swap3A_474 = vector.shape_cast %swap3A_473 : vector<1x16xf32> to vector<16xf32>
    %swap3A_475 = vector.shape_cast %broadcast_in_dim3A_20 : vector<16xf32> to vector<1x16xf32>
    tpu.vector_store %arg10[%swap3A_471, %swap3A_472], %swap3A_475 {strides = array<i32>} : memref<128x128xf32, #tpu.memory_space<vmem>>, vector<1x16xf32>,
    %swap3A_476 = arith.constant 9 : i32
    %swap3A_477 = arith.index_cast %swap3A_476 : i32 to index
    %swap3A_478 = arith.constant 64 : index
    %swap3A_479 = tpu.vector_load %arg10[%swap3A_477, %swap3A_478] {strides = array<i32>} : memref<128x128xf32, #tpu.memory_space<vmem>>, vector<1x16xf32>,
    %swap3A_480 = vector.shape_cast %swap3A_479 : vector<1x16xf32> to vector<16xf32>
    %swap3A_481 = vector.shape_cast %broadcast_in_dim3A_20 : vector<16xf32> to vector<1x16xf32>
    tpu.vector_store %arg10[%swap3A_477, %swap3A_478], %swap3A_481 {strides = array<i32>} : memref<128x128xf32, #tpu.memory_space<vmem>>, vector<1x16xf32>,
    %swap3A_482 = arith.constant 9 : i32
    %swap3A_483 = arith.index_cast %swap3A_482 : i32 to index
    %swap3A_484 = arith.constant 80 : index
    %swap3A_485 = tpu.vector_load %arg10[%swap3A_483, %swap3A_484] {strides = array<i32>} : memref<128x128xf32, #tpu.memory_space<vmem>>, vector<1x16xf32>,
    %swap3A_486 = vector.shape_cast %swap3A_485 : vector<1x16xf32> to vector<16xf32>
    %swap3A_487 = vector.shape_cast %broadcast_in_dim3A_20 : vector<16xf32> to vector<1x16xf32>
    tpu.vector_store %arg10[%swap3A_483, %swap3A_484], %swap3A_487 {strides = array<i32>} : memref<128x128xf32, #tpu.memory_space<vmem>>, vector<1x16xf32>,
    %swap3A_488 = arith.constant 9 : i32
    %swap3A_489 = arith.index_cast %swap3A_488 : i32 to index
    %swap3A_490 = arith.constant 96 : index
    %swap3A_491 = tpu.vector_load %arg10[%swap3A_489, %swap3A_490] {strides = array<i32>} : memref<128x128xf32, #tpu.memory_space<vmem>>, vector<1x16xf32>,
    %swap3A_492 = vector.shape_cast %swap3A_491 : vector<1x16xf32> to vector<16xf32>
    %swap3A_493 = vector.shape_cast %broadcast_in_dim3A_20 : vector<16xf32> to vector<1x16xf32>
    tpu.vector_store %arg10[%swap3A_489, %swap3A_490], %swap3A_493 {strides = array<i32>} : memref<128x128xf32, #tpu.memory_space<vmem>>, vector<1x16xf32>,
    %swap3A_494 = arith.constant 9 : i32
    %swap3A_495 = arith.index_cast %swap3A_494 : i32 to index
    %swap3A_496 = arith.constant 112 : index
    %swap3A_497 = tpu.vector_load %arg10[%swap3A_495, %swap3A_496] {strides = array<i32>} : memref<128x128xf32, #tpu.memory_space<vmem>>, vector<1x16xf32>,
    %swap3A_498 = vector.shape_cast %swap3A_497 : vector<1x16xf32> to vector<16xf32>
    %swap3A_499 = vector.shape_cast %broadcast_in_dim3A_20 : vector<16xf32> to vector<1x16xf32>
    tpu.vector_store %arg10[%swap3A_495, %swap3A_496], %swap3A_499 {strides = array<i32>} : memref<128x128xf32, #tpu.memory_space<vmem>>, vector<1x16xf32>,
    %swap3A_500 = arith.constant 10 : i32
    %swap3A_501 = arith.index_cast %swap3A_500 : i32 to index
    %swap3A_502 = arith.constant 0 : index
    %swap3A_503 = tpu.vector_load %arg10[%swap3A_501, %swap3A_502] {strides = array<i32>} : memref<128x128xf32, #tpu.memory_space<vmem>>, vector<1x16xf32>,
    %swap3A_504 = vector.shape_cast %swap3A_503 : vector<1x16xf32> to vector<16xf32>
    %swap3A_505 = vector.shape_cast %broadcast_in_dim3A_20 : vector<16xf32> to vector<1x16xf32>
    tpu.vector_store %arg10[%swap3A_501, %swap3A_502], %swap3A_505 {strides = array<i32>} : memref<128x128xf32, #tpu.memory_space<vmem>>, vector<1x16xf32>,
    %swap3A_506 = arith.constant 10 : i32
    %swap3A_507 = arith.index_cast %swap3A_506 : i32 to index
    %swap3A_508 = arith.constant 16 : index
    %swap3A_509 = tpu.vector_load %arg10[%swap3A_507, %swap3A_508] {strides = array<i32>} : memref<128x128xf32, #tpu.memory_space<vmem>>, vector<1x16xf32>,
    %swap3A_510 = vector.shape_cast %swap3A_509 : vector<1x16xf32> to vector<16xf32>
    %swap3A_511 = vector.shape_cast %broadcast_in_dim3A_20 : vector<16xf32> to vector<1x16xf32>
    tpu.vector_store %arg10[%swap3A_507, %swap3A_508], %swap3A_511 {strides = array<i32>} : memref<128x128xf32, #tpu.memory_space<vmem>>, vector<1x16xf32>,
    %swap3A_512 = arith.constant 10 : i32
    %swap3A_513 = arith.index_cast %swap3A_512 : i32 to index
    %swap3A_514 = arith.constant 32 : index
    %swap3A_515 = tpu.vector_load %arg10[%swap3A_513, %swap3A_514] {strides = array<i32>} : memref<128x128xf32, #tpu.memory_space<vmem>>, vector<1x16xf32>,
    %swap3A_516 = vector.shape_cast %swap3A_515 : vector<1x16xf32> to vector<16xf32>
    %swap3A_517 = vector.shape_cast %broadcast_in_dim3A_20 : vector<16xf32> to vector<1x16xf32>
    tpu.vector_store %arg10[%swap3A_513, %swap3A_514], %swap3A_517 {strides = array<i32>} : memref<128x128xf32, #tpu.memory_space<vmem>>, vector<1x16xf32>,
    %swap3A_518 = arith.constant 10 : i32
    %swap3A_519 = arith.index_cast %swap3A_518 : i32 to index
    %swap3A_520 = arith.constant 48 : index
    %swap3A_521 = tpu.vector_load %arg10[%swap3A_519, %swap3A_520] {strides = array<i32>} : memref<128x128xf32, #tpu.memory_space<vmem>>, vector<1x16xf32>,
    %swap3A_522 = vector.shape_cast %swap3A_521 : vector<1x16xf32> to vector<16xf32>
    %swap3A_523 = vector.shape_cast %broadcast_in_dim3A_20 : vector<16xf32> to vector<1x16xf32>
    tpu.vector_store %arg10[%swap3A_519, %swap3A_520], %swap3A_523 {strides = array<i32>} : memref<128x128xf32, #tpu.memory_space<vmem>>, vector<1x16xf32>,
    %swap3A_524 = arith.constant 10 : i32
    %swap3A_525 = arith.index_cast %swap3A_524 : i32 to index
    %swap3A_526 = arith.constant 64 : index
    %swap3A_527 = tpu.vector_load %arg10[%swap3A_525, %swap3A_526] {strides = array<i32>} : memref<128x128xf32, #tpu.memory_space<vmem>>, vector<1x16xf32>,
    %swap3A_528 = vector.shape_cast %swap3A_527 : vector<1x16xf32> to vector<16xf32>
    %swap3A_529 = vector.shape_cast %broadcast_in_dim3A_20 : vector<16xf32> to vector<1x16xf32>
    tpu.vector_store %arg10[%swap3A_525, %swap3A_526], %swap3A_529 {strides = array<i32>} : memref<128x128xf32, #tpu.memory_space<vmem>>, vector<1x16xf32>,
    %swap3A_530 = arith.constant 10 : i32
    %swap3A_531 = arith.index_cast %swap3A_530 : i32 to index
    %swap3A_532 = arith.constant 80 : index
    %swap3A_533 = tpu.vector_load %arg10[%swap3A_531, %swap3A_532] {strides = array<i32>} : memref<128x128xf32, #tpu.memory_space<vmem>>, vector<1x16xf32>,
    %swap3A_534 = vector.shape_cast %swap3A_533 : vector<1x16xf32> to vector<16xf32>
    %swap3A_535 = vector.shape_cast %broadcast_in_dim3A_20 : vector<16xf32> to vector<1x16xf32>
    tpu.vector_store %arg10[%swap3A_531, %swap3A_532], %swap3A_535 {strides = array<i32>} : memref<128x128xf32, #tpu.memory_space<vmem>>, vector<1x16xf32>,
    %swap3A_536 = arith.constant 10 : i32
    %swap3A_537 = arith.index_cast %swap3A_536 : i32 to index
    %swap3A_538 = arith.constant 96 : index
    %swap3A_539 = tpu.vector_load %arg10[%swap3A_537, %swap3A_538] {strides = array<i32>} : memref<128x128xf32, #tpu.memory_space<vmem>>, vector<1x16xf32>,
    %swap3A_540 = vector.shape_cast %swap3A_539 : vector<1x16xf32> to vector<16xf32>
    %swap3A_541 = vector.shape_cast %broadcast_in_dim3A_20 : vector<16xf32> to vector<1x16xf32>
    tpu.vector_store %arg10[%swap3A_537, %swap3A_538], %swap3A_541 {strides = array<i32>} : memref<128x128xf32, #tpu.memory_space<vmem>>, vector<1x16xf32>,
    %swap3A_542 = arith.constant 10 : i32
    %swap3A_543 = arith.index_cast %swap3A_542 : i32 to index
    %swap3A_544 = arith.constant 112 : index
    %swap3A_545 = tpu.vector_load %arg10[%swap3A_543, %swap3A_544] {strides = array<i32>} : memref<128x128xf32, #tpu.memory_space<vmem>>, vector<1x16xf32>,
    %swap3A_546 = vector.shape_cast %swap3A_545 : vector<1x16xf32> to vector<16xf32>
    %swap3A_547 = vector.shape_cast %broadcast_in_dim3A_20 : vector<16xf32> to vector<1x16xf32>
    tpu.vector_store %arg10[%swap3A_543, %swap3A_544], %swap3A_547 {strides = array<i32>} : memref<128x128xf32, #tpu.memory_space<vmem>>, vector<1x16xf32>,
    %swap3A_548 = arith.constant 11 : i32
    %swap3A_549 = arith.index_cast %swap3A_548 : i32 to index
    %swap3A_550 = arith.constant 0 : index
    %swap3A_551 = tpu.vector_load %arg10[%swap3A_549, %swap3A_550] {strides = array<i32>} : memref<128x128xf32, #tpu.memory_space<vmem>>, vector<1x16xf32>,
    %swap3A_552 = vector.shape_cast %swap3A_551 : vector<1x16xf32> to vector<16xf32>
    %swap3A_553 = vector.shape_cast %broadcast_in_dim3A_20 : vector<16xf32> to vector<1x16xf32>
    tpu.vector_store %arg10[%swap3A_549, %swap3A_550], %swap3A_553 {strides = array<i32>} : memref<128x128xf32, #tpu.memory_space<vmem>>, vector<1x16xf32>,
    %swap3A_554 = arith.constant 11 : i32
    %swap3A_555 = arith.index_cast %swap3A_554 : i32 to index
    %swap3A_556 = arith.constant 16 : index
    %swap3A_557 = tpu.vector_load %arg10[%swap3A_555, %swap3A_556] {strides = array<i32>} : memref<128x128xf32, #tpu.memory_space<vmem>>, vector<1x16xf32>,
    %swap3A_558 = vector.shape_cast %swap3A_557 : vector<1x16xf32> to vector<16xf32>
    %swap3A_559 = vector.shape_cast %broadcast_in_dim3A_20 : vector<16xf32> to vector<1x16xf32>
    tpu.vector_store %arg10[%swap3A_555, %swap3A_556], %swap3A_559 {strides = array<i32>} : memref<128x128xf32, #tpu.memory_space<vmem>>, vector<1x16xf32>,
    %swap3A_560 = arith.constant 11 : i32
    %swap3A_561 = arith.index_cast %swap3A_560 : i32 to index
    %swap3A_562 = arith.constant 32 : index
    %swap3A_563 = tpu.vector_load %arg10[%swap3A_561, %swap3A_562] {strides = array<i32>} : memref<128x128xf32, #tpu.memory_space<vmem>>, vector<1x16xf32>,
    %swap3A_564 = vector.shape_cast %swap3A_563 : vector<1x16xf32> to vector<16xf32>
    %swap3A_565 = vector.shape_cast %broadcast_in_dim3A_20 : vector<16xf32> to vector<1x16xf32>
    tpu.vector_store %arg10[%swap3A_561, %swap3A_562], %swap3A_565 {strides = array<i32>} : memref<128x128xf32, #tpu.memory_space<vmem>>, vector<1x16xf32>,
    %swap3A_566 = arith.constant 11 : i32
    %swap3A_567 = arith.index_cast %swap3A_566 : i32 to index
    %swap3A_568 = arith.constant 48 : index
    %swap3A_569 = tpu.vector_load %arg10[%swap3A_567, %swap3A_568] {strides = array<i32>} : memref<128x128xf32, #tpu.memory_space<vmem>>, vector<1x16xf32>,
    %swap3A_570 = vector.shape_cast %swap3A_569 : vector<1x16xf32> to vector<16xf32>
    %swap3A_571 = vector.shape_cast %broadcast_in_dim3A_20 : vector<16xf32> to vector<1x16xf32>
    tpu.vector_store %arg10[%swap3A_567, %swap3A_568], %swap3A_571 {strides = array<i32>} : memref<128x128xf32, #tpu.memory_space<vmem>>, vector<1x16xf32>,
    %swap3A_572 = arith.constant 11 : i32
    %swap3A_573 = arith.index_cast %swap3A_572 : i32 to index
    %swap3A_574 = arith.constant 64 : index
    %swap3A_575 = tpu.vector_load %arg10[%swap3A_573, %swap3A_574] {strides = array<i32>} : memref<128x128xf32, #tpu.memory_space<vmem>>, vector<1x16xf32>,
    %swap3A_576 = vector.shape_cast %swap3A_575 : vector<1x16xf32> to vector<16xf32>
    %swap3A_577 = vector.shape_cast %broadcast_in_dim3A_20 : vector<16xf32> to vector<1x16xf32>
    tpu.vector_store %arg10[%swap3A_573, %swap3A_574], %swap3A_577 {strides = array<i32>} : memref<128x128xf32, #tpu.memory_space<vmem>>, vector<1x16xf32>,
    %swap3A_578 = arith.constant 11 : i32
    %swap3A_579 = arith.index_cast %swap3A_578 : i32 to index
    %swap3A_580 = arith.constant 80 : index
    %swap3A_581 = tpu.vector_load %arg10[%swap3A_579, %swap3A_580] {strides = array<i32>} : memref<128x128xf32, #tpu.memory_space<vmem>>, vector<1x16xf32>,
    %swap3A_582 = vector.shape_cast %swap3A_581 : vector<1x16xf32> to vector<16xf32>
    %swap3A_583 = vector.shape_cast %broadcast_in_dim3A_20 : vector<16xf32> to vector<1x16xf32>
    tpu.vector_store %arg10[%swap3A_579, %swap3A_580], %swap3A_583 {strides = array<i32>} : memref<128x128xf32, #tpu.memory_space<vmem>>, vector<1x16xf32>,
    %swap3A_584 = arith.constant 11 : i32
    %swap3A_585 = arith.index_cast %swap3A_584 : i32 to index
    %swap3A_586 = arith.constant 96 : index
    %swap3A_587 = tpu.vector_load %arg10[%swap3A_585, %swap3A_586] {strides = array<i32>} : memref<128x128xf32, #tpu.memory_space<vmem>>, vector<1x16xf32>,
    %swap3A_588 = vector.shape_cast %swap3A_587 : vector<1x16xf32> to vector<16xf32>
    %swap3A_589 = vector.shape_cast %broadcast_in_dim3A_20 : vector<16xf32> to vector<1x16xf32>
    tpu.vector_store %arg10[%swap3A_585, %swap3A_586], %swap3A_589 {strides = array<i32>} : memref<128x128xf32, #tpu.memory_space<vmem>>, vector<1x16xf32>,
    %swap3A_590 = arith.constant 11 : i32
    %swap3A_591 = arith.index_cast %swap3A_590 : i32 to index
    %swap3A_592 = arith.constant 112 : index
    %swap3A_593 = tpu.vector_load %arg10[%swap3A_591, %swap3A_592] {strides = array<i32>} : memref<128x128xf32, #tpu.memory_space<vmem>>, vector<1x16xf32>,
    %swap3A_594 = vector.shape_cast %swap3A_593 : vector<1x16xf32> to vector<16xf32>
    %swap3A_595 = vector.shape_cast %broadcast_in_dim3A_20 : vector<16xf32> to vector<1x16xf32>
    tpu.vector_store %arg10[%swap3A_591, %swap3A_592], %swap3A_595 {strides = array<i32>} : memref<128x128xf32, #tpu.memory_space<vmem>>, vector<1x16xf32>,
    %swap3A_596 = arith.constant 12 : i32
    %swap3A_597 = arith.index_cast %swap3A_596 : i32 to index
    %swap3A_598 = arith.constant 0 : index
    %swap3A_599 = tpu.vector_load %arg10[%swap3A_597, %swap3A_598] {strides = array<i32>} : memref<128x128xf32, #tpu.memory_space<vmem>>, vector<1x16xf32>,
    %swap3A_600 = vector.shape_cast %swap3A_599 : vector<1x16xf32> to vector<16xf32>
    %swap3A_601 = vector.shape_cast %broadcast_in_dim3A_20 : vector<16xf32> to vector<1x16xf32>
    tpu.vector_store %arg10[%swap3A_597, %swap3A_598], %swap3A_601 {strides = array<i32>} : memref<128x128xf32, #tpu.memory_space<vmem>>, vector<1x16xf32>,
    %swap3A_602 = arith.constant 12 : i32
    %swap3A_603 = arith.index_cast %swap3A_602 : i32 to index
    %swap3A_604 = arith.constant 16 : index
    %swap3A_605 = tpu.vector_load %arg10[%swap3A_603, %swap3A_604] {strides = array<i32>} : memref<128x128xf32, #tpu.memory_space<vmem>>, vector<1x16xf32>,
    %swap3A_606 = vector.shape_cast %swap3A_605 : vector<1x16xf32> to vector<16xf32>
    %swap3A_607 = vector.shape_cast %broadcast_in_dim3A_20 : vector<16xf32> to vector<1x16xf32>
    tpu.vector_store %arg10[%swap3A_603, %swap3A_604], %swap3A_607 {strides = array<i32>} : memref<128x128xf32, #tpu.memory_space<vmem>>, vector<1x16xf32>,
    %swap3A_608 = arith.constant 12 : i32
    %swap3A_609 = arith.index_cast %swap3A_608 : i32 to index
    %swap3A_610 = arith.constant 32 : index
    %swap3A_611 = tpu.vector_load %arg10[%swap3A_609, %swap3A_610] {strides = array<i32>} : memref<128x128xf32, #tpu.memory_space<vmem>>, vector<1x16xf32>,
    %swap3A_612 = vector.shape_cast %swap3A_611 : vector<1x16xf32> to vector<16xf32>
    %swap3A_613 = vector.shape_cast %broadcast_in_dim3A_20 : vector<16xf32> to vector<1x16xf32>
    tpu.vector_store %arg10[%swap3A_609, %swap3A_610], %swap3A_613 {strides = array<i32>} : memref<128x128xf32, #tpu.memory_space<vmem>>, vector<1x16xf32>,
    %swap3A_614 = arith.constant 12 : i32
    %swap3A_615 = arith.index_cast %swap3A_614 : i32 to index
    %swap3A_616 = arith.constant 48 : index
    %swap3A_617 = tpu.vector_load %arg10[%swap3A_615, %swap3A_616] {strides = array<i32>} : memref<128x128xf32, #tpu.memory_space<vmem>>, vector<1x16xf32>,
    %swap3A_618 = vector.shape_cast %swap3A_617 : vector<1x16xf32> to vector<16xf32>
    %swap3A_619 = vector.shape_cast %broadcast_in_dim3A_20 : vector<16xf32> to vector<1x16xf32>
    tpu.vector_store %arg10[%swap3A_615, %swap3A_616], %swap3A_619 {strides = array<i32>} : memref<128x128xf32, #tpu.memory_space<vmem>>, vector<1x16xf32>,
    %swap3A_620 = arith.constant 12 : i32
    %swap3A_621 = arith.index_cast %swap3A_620 : i32 to index
    %swap3A_622 = arith.constant 64 : index
    %swap3A_623 = tpu.vector_load %arg10[%swap3A_621, %swap3A_622] {strides = array<i32>} : memref<128x128xf32, #tpu.memory_space<vmem>>, vector<1x16xf32>,
    %swap3A_624 = vector.shape_cast %swap3A_623 : vector<1x16xf32> to vector<16xf32>
    %swap3A_625 = vector.shape_cast %broadcast_in_dim3A_20 : vector<16xf32> to vector<1x16xf32>
    tpu.vector_store %arg10[%swap3A_621, %swap3A_622], %swap3A_625 {strides = array<i32>} : memref<128x128xf32, #tpu.memory_space<vmem>>, vector<1x16xf32>,
    %swap3A_626 = arith.constant 12 : i32
    %swap3A_627 = arith.index_cast %swap3A_626 : i32 to index
    %swap3A_628 = arith.constant 80 : index
    %swap3A_629 = tpu.vector_load %arg10[%swap3A_627, %swap3A_628] {strides = array<i32>} : memref<128x128xf32, #tpu.memory_space<vmem>>, vector<1x16xf32>,
    %swap3A_630 = vector.shape_cast %swap3A_629 : vector<1x16xf32> to vector<16xf32>
    %swap3A_631 = vector.shape_cast %broadcast_in_dim3A_20 : vector<16xf32> to vector<1x16xf32>
    tpu.vector_store %arg10[%swap3A_627, %swap3A_628], %swap3A_631 {strides = array<i32>} : memref<128x128xf32, #tpu.memory_space<vmem>>, vector<1x16xf32>,
    %swap3A_632 = arith.constant 12 : i32
    %swap3A_633 = arith.index_cast %swap3A_632 : i32 to index
    %swap3A_634 = arith.constant 96 : index
    %swap3A_635 = tpu.vector_load %arg10[%swap3A_633, %swap3A_634] {strides = array<i32>} : memref<128x128xf32, #tpu.memory_space<vmem>>, vector<1x16xf32>,
    %swap3A_636 = vector.shape_cast %swap3A_635 : vector<1x16xf32> to vector<16xf32>
    %swap3A_637 = vector.shape_cast %broadcast_in_dim3A_20 : vector<16xf32> to vector<1x16xf32>
    tpu.vector_store %arg10[%swap3A_633, %swap3A_634], %swap3A_637 {strides = array<i32>} : memref<128x128xf32, #tpu.memory_space<vmem>>, vector<1x16xf32>,
    %swap3A_638 = arith.constant 12 : i32
    %swap3A_639 = arith.index_cast %swap3A_638 : i32 to index
    %swap3A_640 = arith.constant 112 : index
    %swap3A_641 = tpu.vector_load %arg10[%swap3A_639, %swap3A_640] {strides = array<i32>} : memref<128x128xf32, #tpu.memory_space<vmem>>, vector<1x16xf32>,
    %swap3A_642 = vector.shape_cast %swap3A_641 : vector<1x16xf32> to vector<16xf32>
    %swap3A_643 = vector.shape_cast %broadcast_in_dim3A_20 : vector<16xf32> to vector<1x16xf32>
    tpu.vector_store %arg10[%swap3A_639, %swap3A_640], %swap3A_643 {strides = array<i32>} : memref<128x128xf32, #tpu.memory_space<vmem>>, vector<1x16xf32>,
    %swap3A_644 = arith.constant 13 : i32
    %swap3A_645 = arith.index_cast %swap3A_644 : i32 to index
    %swap3A_646 = arith.constant 0 : index
    %swap3A_647 = tpu.vector_load %arg10[%swap3A_645, %swap3A_646] {strides = array<i32>} : memref<128x128xf32, #tpu.memory_space<vmem>>, vector<1x16xf32>,
    %swap3A_648 = vector.shape_cast %swap3A_647 : vector<1x16xf32> to vector<16xf32>
    %swap3A_649 = vector.shape_cast %broadcast_in_dim3A_20 : vector<16xf32> to vector<1x16xf32>
    tpu.vector_store %arg10[%swap3A_645, %swap3A_646], %swap3A_649 {strides = array<i32>} : memref<128x128xf32, #tpu.memory_space<vmem>>, vector<1x16xf32>,
    %swap3A_650 = arith.constant 13 : i32
    %swap3A_651 = arith.index_cast %swap3A_650 : i32 to index
    %swap3A_652 = arith.constant 16 : index
    %swap3A_653 = tpu.vector_load %arg10[%swap3A_651, %swap3A_652] {strides = array<i32>} : memref<128x128xf32, #tpu.memory_space<vmem>>, vector<1x16xf32>,
    %swap3A_654 = vector.shape_cast %swap3A_653 : vector<1x16xf32> to vector<16xf32>
    %swap3A_655 = vector.shape_cast %broadcast_in_dim3A_20 : vector<16xf32> to vector<1x16xf32>
    tpu.vector_store %arg10[%swap3A_651, %swap3A_652], %swap3A_655 {strides = array<i32>} : memref<128x128xf32, #tpu.memory_space<vmem>>, vector<1x16xf32>,
    %swap3A_656 = arith.constant 13 : i32
    %swap3A_657 = arith.index_cast %swap3A_656 : i32 to index
    %swap3A_658 = arith.constant 32 : index
    %swap3A_659 = tpu.vector_load %arg10[%swap3A_657, %swap3A_658] {strides = array<i32>} : memref<128x128xf32, #tpu.memory_space<vmem>>, vector<1x16xf32>,
    %swap3A_660 = vector.shape_cast %swap3A_659 : vector<1x16xf32> to vector<16xf32>
    %swap3A_661 = vector.shape_cast %broadcast_in_dim3A_20 : vector<16xf32> to vector<1x16xf32>
    tpu.vector_store %arg10[%swap3A_657, %swap3A_658], %swap3A_661 {strides = array<i32>} : memref<128x128xf32, #tpu.memory_space<vmem>>, vector<1x16xf32>,
    %swap3A_662 = arith.constant 13 : i32
    %swap3A_663 = arith.index_cast %swap3A_662 : i32 to index
    %swap3A_664 = arith.constant 48 : index
    %swap3A_665 = tpu.vector_load %arg10[%swap3A_663, %swap3A_664] {strides = array<i32>} : memref<128x128xf32, #tpu.memory_space<vmem>>, vector<1x16xf32>,
    %swap3A_666 = vector.shape_cast %swap3A_665 : vector<1x16xf32> to vector<16xf32>
    %swap3A_667 = vector.shape_cast %broadcast_in_dim3A_20 : vector<16xf32> to vector<1x16xf32>
    tpu.vector_store %arg10[%swap3A_663, %swap3A_664], %swap3A_667 {strides = array<i32>} : memref<128x128xf32, #tpu.memory_space<vmem>>, vector<1x16xf32>,
    %swap3A_668 = arith.constant 13 : i32
    %swap3A_669 = arith.index_cast %swap3A_668 : i32 to index
    %swap3A_670 = arith.constant 64 : index
    %swap3A_671 = tpu.vector_load %arg10[%swap3A_669, %swap3A_670] {strides = array<i32>} : memref<128x128xf32, #tpu.memory_space<vmem>>, vector<1x16xf32>,
    %swap3A_672 = vector.shape_cast %swap3A_671 : vector<1x16xf32> to vector<16xf32>
    %swap3A_673 = vector.shape_cast %broadcast_in_dim3A_20 : vector<16xf32> to vector<1x16xf32>
    tpu.vector_store %arg10[%swap3A_669, %swap3A_670], %swap3A_673 {strides = array<i32>} : memref<128x128xf32, #tpu.memory_space<vmem>>, vector<1x16xf32>,
    %swap3A_674 = arith.constant 13 : i32
    %swap3A_675 = arith.index_cast %swap3A_674 : i32 to index
    %swap3A_676 = arith.constant 80 : index
    %swap3A_677 = tpu.vector_load %arg10[%swap3A_675, %swap3A_676] {strides = array<i32>} : memref<128x128xf32, #tpu.memory_space<vmem>>, vector<1x16xf32>,
    %swap3A_678 = vector.shape_cast %swap3A_677 : vector<1x16xf32> to vector<16xf32>
    %swap3A_679 = vector.shape_cast %broadcast_in_dim3A_20 : vector<16xf32> to vector<1x16xf32>
    tpu.vector_store %arg10[%swap3A_675, %swap3A_676], %swap3A_679 {strides = array<i32>} : memref<128x128xf32, #tpu.memory_space<vmem>>, vector<1x16xf32>,
    %swap3A_680 = arith.constant 13 : i32
    %swap3A_681 = arith.index_cast %swap3A_680 : i32 to index
    %swap3A_682 = arith.constant 96 : index
    %swap3A_683 = tpu.vector_load %arg10[%swap3A_681, %swap3A_682] {strides = array<i32>} : memref<128x128xf32, #tpu.memory_space<vmem>>, vector<1x16xf32>,
    %swap3A_684 = vector.shape_cast %swap3A_683 : vector<1x16xf32> to vector<16xf32>
    %swap3A_685 = vector.shape_cast %broadcast_in_dim3A_20 : vector<16xf32> to vector<1x16xf32>
    tpu.vector_store %arg10[%swap3A_681, %swap3A_682], %swap3A_685 {strides = array<i32>} : memref<128x128xf32, #tpu.memory_space<vmem>>, vector<1x16xf32>,
    %swap3A_686 = arith.constant 13 : i32
    %swap3A_687 = arith.index_cast %swap3A_686 : i32 to index
    %swap3A_688 = arith.constant 112 : index
    %swap3A_689 = tpu.vector_load %arg10[%swap3A_687, %swap3A_688] {strides = array<i32>} : memref<128x128xf32, #tpu.memory_space<vmem>>, vector<1x16xf32>,
    %swap3A_690 = vector.shape_cast %swap3A_689 : vector<1x16xf32> to vector<16xf32>
    %swap3A_691 = vector.shape_cast %broadcast_in_dim3A_20 : vector<16xf32> to vector<1x16xf32>
    tpu.vector_store %arg10[%swap3A_687, %swap3A_688], %swap3A_691 {strides = array<i32>} : memref<128x128xf32, #tpu.memory_space<vmem>>, vector<1x16xf32>,
    %swap3A_692 = arith.constant 14 : i32
    %swap3A_693 = arith.index_cast %swap3A_692 : i32 to index
    %swap3A_694 = arith.constant 0 : index
    %swap3A_695 = tpu.vector_load %arg10[%swap3A_693, %swap3A_694] {strides = array<i32>} : memref<128x128xf32, #tpu.memory_space<vmem>>, vector<1x16xf32>,
    %swap3A_696 = vector.shape_cast %swap3A_695 : vector<1x16xf32> to vector<16xf32>
    %swap3A_697 = vector.shape_cast %broadcast_in_dim3A_20 : vector<16xf32> to vector<1x16xf32>
    tpu.vector_store %arg10[%swap3A_693, %swap3A_694], %swap3A_697 {strides = array<i32>} : memref<128x128xf32, #tpu.memory_space<vmem>>, vector<1x16xf32>,
    %swap3A_698 = arith.constant 14 : i32
    %swap3A_699 = arith.index_cast %swap3A_698 : i32 to index
    %swap3A_700 = arith.constant 16 : index
    %swap3A_701 = tpu.vector_load %arg10[%swap3A_699, %swap3A_700] {strides = array<i32>} : memref<128x128xf32, #tpu.memory_space<vmem>>, vector<1x16xf32>,
    %swap3A_702 = vector.shape_cast %swap3A_701 : vector<1x16xf32> to vector<16xf32>
    %swap3A_703 = vector.shape_cast %broadcast_in_dim3A_20 : vector<16xf32> to vector<1x16xf32>
    tpu.vector_store %arg10[%swap3A_699, %swap3A_700], %swap3A_703 {strides = array<i32>} : memref<128x128xf32, #tpu.memory_space<vmem>>, vector<1x16xf32>,
    %swap3A_704 = arith.constant 14 : i32
    %swap3A_705 = arith.index_cast %swap3A_704 : i32 to index
    %swap3A_706 = arith.constant 32 : index
    %swap3A_707 = tpu.vector_load %arg10[%swap3A_705, %swap3A_706] {strides = array<i32>} : memref<128x128xf32, #tpu.memory_space<vmem>>, vector<1x16xf32>,
    %swap3A_708 = vector.shape_cast %swap3A_707 : vector<1x16xf32> to vector<16xf32>
    %swap3A_709 = vector.shape_cast %broadcast_in_dim3A_20 : vector<16xf32> to vector<1x16xf32>
    tpu.vector_store %arg10[%swap3A_705, %swap3A_706], %swap3A_709 {strides = array<i32>} : memref<128x128xf32, #tpu.memory_space<vmem>>, vector<1x16xf32>,
    %swap3A_710 = arith.constant 14 : i32
    %swap3A_711 = arith.index_cast %swap3A_710 : i32 to index
    %swap3A_712 = arith.constant 48 : index
    %swap3A_713 = tpu.vector_load %arg10[%swap3A_711, %swap3A_712] {strides = array<i32>} : memref<128x128xf32, #tpu.memory_space<vmem>>, vector<1x16xf32>,
    %swap3A_714 = vector.shape_cast %swap3A_713 : vector<1x16xf32> to vector<16xf32>
    %swap3A_715 = vector.shape_cast %broadcast_in_dim3A_20 : vector<16xf32> to vector<1x16xf32>
    tpu.vector_store %arg10[%swap3A_711, %swap3A_712], %swap3A_715 {strides = array<i32>} : memref<128x128xf32, #tpu.memory_space<vmem>>, vector<1x16xf32>,
    %swap3A_716 = arith.constant 14 : i32
    %swap3A_717 = arith.index_cast %swap3A_716 : i32 to index
    %swap3A_718 = arith.constant 64 : index
    %swap3A_719 = tpu.vector_load %arg10[%swap3A_717, %swap3A_718] {strides = array<i32>} : memref<128x128xf32, #tpu.memory_space<vmem>>, vector<1x16xf32>,
    %swap3A_720 = vector.shape_cast %swap3A_719 : vector<1x16xf32> to vector<16xf32>
    %swap3A_721 = vector.shape_cast %broadcast_in_dim3A_20 : vector<16xf32> to vector<1x16xf32>
    tpu.vector_store %arg10[%swap3A_717, %swap3A_718], %swap3A_721 {strides = array<i32>} : memref<128x128xf32, #tpu.memory_space<vmem>>, vector<1x16xf32>,
    %swap3A_722 = arith.constant 14 : i32
    %swap3A_723 = arith.index_cast %swap3A_722 : i32 to index
    %swap3A_724 = arith.constant 80 : index
    %swap3A_725 = tpu.vector_load %arg10[%swap3A_723, %swap3A_724] {strides = array<i32>} : memref<128x128xf32, #tpu.memory_space<vmem>>, vector<1x16xf32>,
    %swap3A_726 = vector.shape_cast %swap3A_725 : vector<1x16xf32> to vector<16xf32>
    %swap3A_727 = vector.shape_cast %broadcast_in_dim3A_20 : vector<16xf32> to vector<1x16xf32>
    tpu.vector_store %arg10[%swap3A_723, %swap3A_724], %swap3A_727 {strides = array<i32>} : memref<128x128xf32, #tpu.memory_space<vmem>>, vector<1x16xf32>,
    %swap3A_728 = arith.constant 14 : i32
    %swap3A_729 = arith.index_cast %swap3A_728 : i32 to index
    %swap3A_730 = arith.constant 96 : index
    %swap3A_731 = tpu.vector_load %arg10[%swap3A_729, %swap3A_730] {strides = array<i32>} : memref<128x128xf32, #tpu.memory_space<vmem>>, vector<1x16xf32>,
    %swap3A_732 = vector.shape_cast %swap3A_731 : vector<1x16xf32> to vector<16xf32>
    %swap3A_733 = vector.shape_cast %broadcast_in_dim3A_20 : vector<16xf32> to vector<1x16xf32>
    tpu.vector_store %arg10[%swap3A_729, %swap3A_730], %swap3A_733 {strides = array<i32>} : memref<128x128xf32, #tpu.memory_space<vmem>>, vector<1x16xf32>,
    %swap3A_734 = arith.constant 14 : i32
    %swap3A_735 = arith.index_cast %swap3A_734 : i32 to index
    %swap3A_736 = arith.constant 112 : index
    %swap3A_737 = tpu.vector_load %arg10[%swap3A_735, %swap3A_736] {strides = array<i32>} : memref<128x128xf32, #tpu.memory_space<vmem>>, vector<1x16xf32>,
    %swap3A_738 = vector.shape_cast %swap3A_737 : vector<1x16xf32> to vector<16xf32>
    %swap3A_739 = vector.shape_cast %broadcast_in_dim3A_20 : vector<16xf32> to vector<1x16xf32>
    tpu.vector_store %arg10[%swap3A_735, %swap3A_736], %swap3A_739 {strides = array<i32>} : memref<128x128xf32, #tpu.memory_space<vmem>>, vector<1x16xf32>,
    %swap3A_740 = arith.constant 15 : i32
    %swap3A_741 = arith.index_cast %swap3A_740 : i32 to index
    %swap3A_742 = arith.constant 0 : index
    %swap3A_743 = tpu.vector_load %arg10[%swap3A_741, %swap3A_742] {strides = array<i32>} : memref<128x128xf32, #tpu.memory_space<vmem>>, vector<1x16xf32>,
    %swap3A_744 = vector.shape_cast %swap3A_743 : vector<1x16xf32> to vector<16xf32>
    %swap3A_745 = vector.shape_cast %broadcast_in_dim3A_20 : vector<16xf32> to vector<1x16xf32>
    tpu.vector_store %arg10[%swap3A_741, %swap3A_742], %swap3A_745 {strides = array<i32>} : memref<128x128xf32, #tpu.memory_space<vmem>>, vector<1x16xf32>,
    %swap3A_746 = arith.constant 15 : i32
    %swap3A_747 = arith.index_cast %swap3A_746 : i32 to index
    %swap3A_748 = arith.constant 16 : index
    %swap3A_749 = tpu.vector_load %arg10[%swap3A_747, %swap3A_748] {strides = array<i32>} : memref<128x128xf32, #tpu.memory_space<vmem>>, vector<1x16xf32>,
    %swap3A_750 = vector.shape_cast %swap3A_749 : vector<1x16xf32> to vector<16xf32>
    %swap3A_751 = vector.shape_cast %broadcast_in_dim3A_20 : vector<16xf32> to vector<1x16xf32>
    tpu.vector_store %arg10[%swap3A_747, %swap3A_748], %swap3A_751 {strides = array<i32>} : memref<128x128xf32, #tpu.memory_space<vmem>>, vector<1x16xf32>,
    %swap3A_752 = arith.constant 15 : i32
    %swap3A_753 = arith.index_cast %swap3A_752 : i32 to index
    %swap3A_754 = arith.constant 32 : index
    %swap3A_755 = tpu.vector_load %arg10[%swap3A_753, %swap3A_754] {strides = array<i32>} : memref<128x128xf32, #tpu.memory_space<vmem>>, vector<1x16xf32>,
    %swap3A_756 = vector.shape_cast %swap3A_755 : vector<1x16xf32> to vector<16xf32>
    %swap3A_757 = vector.shape_cast %broadcast_in_dim3A_20 : vector<16xf32> to vector<1x16xf32>
    tpu.vector_store %arg10[%swap3A_753, %swap3A_754], %swap3A_757 {strides = array<i32>} : memref<128x128xf32, #tpu.memory_space<vmem>>, vector<1x16xf32>,
    %swap3A_758 = arith.constant 15 : i32
    %swap3A_759 = arith.index_cast %swap3A_758 : i32 to index
    %swap3A_760 = arith.constant 48 : index
    %swap3A_761 = tpu.vector_load %arg10[%swap3A_759, %swap3A_760] {strides = array<i32>} : memref<128x128xf32, #tpu.memory_space<vmem>>, vector<1x16xf32>,
    %swap3A_762 = vector.shape_cast %swap3A_761 : vector<1x16xf32> to vector<16xf32>
    %swap3A_763 = vector.shape_cast %broadcast_in_dim3A_20 : vector<16xf32> to vector<1x16xf32>
    tpu.vector_store %arg10[%swap3A_759, %swap3A_760], %swap3A_763 {strides = array<i32>} : memref<128x128xf32, #tpu.memory_space<vmem>>, vector<1x16xf32>,
    %swap3A_764 = arith.constant 15 : i32
    %swap3A_765 = arith.index_cast %swap3A_764 : i32 to index
    %swap3A_766 = arith.constant 64 : index
    %swap3A_767 = tpu.vector_load %arg10[%swap3A_765, %swap3A_766] {strides = array<i32>} : memref<128x128xf32, #tpu.memory_space<vmem>>, vector<1x16xf32>,
    %swap3A_768 = vector.shape_cast %swap3A_767 : vector<1x16xf32> to vector<16xf32>
    %swap3A_769 = vector.shape_cast %broadcast_in_dim3A_20 : vector<16xf32> to vector<1x16xf32>
    tpu.vector_store %arg10[%swap3A_765, %swap3A_766], %swap3A_769 {strides = array<i32>} : memref<128x128xf32, #tpu.memory_space<vmem>>, vector<1x16xf32>,
    %swap3A_770 = arith.constant 15 : i32
    %swap3A_771 = arith.index_cast %swap3A_770 : i32 to index
    %swap3A_772 = arith.constant 80 : index
    %swap3A_773 = tpu.vector_load %arg10[%swap3A_771, %swap3A_772] {strides = array<i32>} : memref<128x128xf32, #tpu.memory_space<vmem>>, vector<1x16xf32>,
    %swap3A_774 = vector.shape_cast %swap3A_773 : vector<1x16xf32> to vector<16xf32>
    %swap3A_775 = vector.shape_cast %broadcast_in_dim3A_20 : vector<16xf32> to vector<1x16xf32>
    tpu.vector_store %arg10[%swap3A_771, %swap3A_772], %swap3A_775 {strides = array<i32>} : memref<128x128xf32, #tpu.memory_space<vmem>>, vector<1x16xf32>,
    %swap3A_776 = arith.constant 15 : i32
    %swap3A_777 = arith.index_cast %swap3A_776 : i32 to index
    %swap3A_778 = arith.constant 96 : index
    %swap3A_779 = tpu.vector_load %arg10[%swap3A_777, %swap3A_778] {strides = array<i32>} : memref<128x128xf32, #tpu.memory_space<vmem>>, vector<1x16xf32>,
    %swap3A_780 = vector.shape_cast %swap3A_779 : vector<1x16xf32> to vector<16xf32>
    %swap3A_781 = vector.shape_cast %broadcast_in_dim3A_20 : vector<16xf32> to vector<1x16xf32>
    tpu.vector_store %arg10[%swap3A_777, %swap3A_778], %swap3A_781 {strides = array<i32>} : memref<128x128xf32, #tpu.memory_space<vmem>>, vector<1x16xf32>,
    %swap3A_782 = arith.constant 15 : i32
    %swap3A_783 = arith.index_cast %swap3A_782 : i32 to index
    %swap3A_784 = arith.constant 112 : index
    %swap3A_785 = tpu.vector_load %arg10[%swap3A_783, %swap3A_784] {strides = array<i32>} : memref<128x128xf32, #tpu.memory_space<vmem>>, vector<1x16xf32>,
    %swap3A_786 = vector.shape_cast %swap3A_785 : vector<1x16xf32> to vector<16xf32>
    %swap3A_787 = vector.shape_cast %broadcast_in_dim3A_20 : vector<16xf32> to vector<1x16xf32>
    tpu.vector_store %arg10[%swap3A_783, %swap3A_784], %swap3A_787 {strides = array<i32>} : memref<128x128xf32, #tpu.memory_space<vmem>>, vector<1x16xf32>,
    %scan3A = arith.constant 0 : i32
    %scan3A_788 = arith.constant 0 : i32
    %scan3A_789 = arith.constant 40 : i32
    %scan3A_790 = arith.addi %scan3A_788, %scan3A_789 : i32
    %scan3A_791 = arith.constant 1 : i32
    %scan3A_792 = scf.for %scan3A_1096 = %scan3A_788 to %scan3A_790 step %scan3A_791 iter_args(%scan3A_1097 = %scan3A) -> (i32)  : i32 {
      %mul3A_1098 = arith.constant 640 : i32
      %mul3A_1099 = arith.muli %arg1, %mul3A_1098 : i32
      %mul3A_1100 = arith.constant 16 : i32
      %mul3A_1101 = arith.muli %scan3A_1096, %mul3A_1100 : i32
      %add3A_1102 = arith.addi %mul3A_1099, %mul3A_1101 : i32
      "tpu.region"() ({
        %run_scoped3A = tpu.sem_alloc : memref<!tpu.dma_semaphore, #tpu.memory_space<semaphore_mem>>
        %dma_start3A_1104 = arith.constant 0 : i32
        %dma_start3A_1105 = arith.constant 0 : i32
        %dma_start3A_1106 = tpu.memref_slice %arg10[%dma_start3A_1104, %dma_start3A_1105] : memref<128x128xf32, #tpu.memory_space<vmem>> -> memref<16x128xf32, #tpu.memory_space<vmem>>
        %dma_start3A_1107 = arith.constant 0 : i32
        %dma_start3A_1108 = tpu.memref_slice %arg12[%add3A_1102, %dma_start3A_1107] : memref<10240x128xf32, #tpu.memory_space<vmem_shared>> -> memref<16x128xf32, #tpu.memory_space<vmem_shared>>
        %dma_start3A_1109 = arith.constant 0 : i32
        %dma_start3A_1110 = tpu.memref_slice %arg12[%add3A_1102, %dma_start3A_1109] : memref<10240x128xf32, #tpu.memory_space<vmem_shared>> -> memref<16x128xf32, #tpu.memory_space<vmem_shared>>
        %dma_start3A_1111 = arith.constant 0 : i32
        %dma_start3A_1112 = arith.constant 0 : i32
        %dma_start3A_1113 = tpu.memref_slice %arg10[%dma_start3A_1111, %dma_start3A_1112] : memref<128x128xf32, #tpu.memory_space<vmem>> -> memref<16x128xf32, #tpu.memory_space<vmem>>
        tpu.enqueue_dma source(%dma_start3A_1113 : memref<16x128xf32, #tpu.memory_space<vmem>>) target(%dma_start3A_1110 : memref<16x128xf32, #tpu.memory_space<vmem_shared>>) target_semaphore(%run_scoped3A : memref<!tpu.dma_semaphore, #tpu.memory_space<semaphore_mem>>)
        %dma_wait3A_1114 = arith.constant 0 : i32
        %dma_wait3A_1115 = arith.constant 0 : i32
        %dma_wait3A_1116 = tpu.memref_slice %arg10[%dma_wait3A_1114, %dma_wait3A_1115] : memref<128x128xf32, #tpu.memory_space<vmem>> -> memref<16x128xf32, #tpu.memory_space<vmem>>
        %dma_wait3A_1117 = arith.constant 0 : i32
        %dma_wait3A_1118 = tpu.memref_slice %arg12[%add3A_1102, %dma_wait3A_1117] : memref<10240x128xf32, #tpu.memory_space<vmem_shared>> -> memref<16x128xf32, #tpu.memory_space<vmem_shared>>
        %dma_wait3A_1119 = arith.constant 0 : i32
        %dma_wait3A_1120 = tpu.memref_slice %arg12[%add3A_1102, %dma_wait3A_1119] : memref<10240x128xf32, #tpu.memory_space<vmem_shared>> -> memref<16x128xf32, #tpu.memory_space<vmem_shared>>
        %dma_wait3A_1121 = arith.constant 0 : i32
        %dma_wait3A_1122 = arith.constant 0 : i32
        %dma_wait3A_1123 = tpu.memref_slice %arg10[%dma_wait3A_1121, %dma_wait3A_1122] : memref<128x128xf32, #tpu.memory_space<vmem>> -> memref<16x128xf32, #tpu.memory_space<vmem>>
        tpu.wait_dma2 semaphore(%run_scoped3A : memref<!tpu.dma_semaphore, #tpu.memory_space<semaphore_mem>>) src(%dma_wait3A_1123 : memref<16x128xf32, #tpu.memory_space<vmem>>) dst(%dma_wait3A_1120 : memref<16x128xf32, #tpu.memory_space<vmem_shared>>)
        tpu.yield
      }) : () -> ()
      %scan3A_1103 = arith.constant 0 : i32
      scf.yield %scan3A_1103 : i32
    }
    %scan3A_793 = arith.constant 40 : i32
    %barrier3A = arith.constant 0 : index
    tpu.barrier barrier_id(%barrier3A)
    %dma_wait3A = arith.constant 0 : i32
    %dma_wait3A_794 = tpu.memref_slice %arg3[%dma_wait3A] : memref<327680xi32, #tpu.memory_space<hbm>> -> memref<512xi32, #tpu.memory_space<hbm>>
    %dma_wait3A_795 = arith.constant 0 : i32
    %dma_wait3A_796 = tpu.memref_slice %arg3[%dma_wait3A_795] : memref<327680xi32, #tpu.memory_space<hbm>> -> memref<512xi32, #tpu.memory_space<hbm>>
    tpu.wait_dma2 semaphore(%arg13 : memref<!tpu.dma_semaphore, #tpu.memory_space<semaphore_mem>>) src(%dma_wait3A_796 : memref<512xi32, #tpu.memory_space<hbm>>) dst(%arg6 : memref<512xi32, #tpu.memory_space<vmem>>)
    %dma_start3A_797 = arith.constant 0 : i32
    %dma_start3A_798 = tpu.memref_slice %arg6[%dma_start3A_797] : memref<512xi32, #tpu.memory_space<vmem>> -> memref<128xi32, #tpu.memory_space<vmem>>
    %dma_start3A_799 = arith.constant 0 : i32
    %dma_start3A_800 = arith.constant 0 : i32
    %dma_start3A_801 = tpu.memref_slice %arg2[%arg0, %dma_start3A_799, %dma_start3A_800] : memref<2x10000x128xf32, #tpu.memory_space<hbm>> -> memref<1x10000x128xf32, #tpu.memory_space<hbm>>
    %dma_start3A_802 = tpu.memref_squeeze %dma_start3A_801 : memref<1x10000x128xf32, #tpu.memory_space<hbm>> -> memref<10000x128xf32, #tpu.memory_space<hbm>>
    %dma_start3A_803 = arith.constant 0 : i32
    %dma_start3A_804 = arith.constant 0 : i32
    %dma_start3A_805 = tpu.memref_slice %dma_start3A_802[%dma_start3A_803, %dma_start3A_804] : memref<10000x128xf32, #tpu.memory_space<hbm>> -> memref<10000x128xf32, #tpu.memory_space<hbm>>
    tpu.enqueue_indirect_dma source(%dma_start3A_805 : memref<10000x128xf32, #tpu.memory_space<hbm>>) target(%arg10 : memref<128x128xf32, #tpu.memory_space<vmem>>) offsets(%dma_start3A_798 : memref<128xi32, #tpu.memory_space<vmem>>) semaphore(%arg17 : memref<!tpu.dma_semaphore, #tpu.memory_space<semaphore_mem>>)
    %dma_start3A_806 = arith.constant 128 : i32
    %dma_start3A_807 = tpu.memref_slice %arg6[%dma_start3A_806] : memref<512xi32, #tpu.memory_space<vmem>> -> memref<128xi32, #tpu.memory_space<vmem>>
    %dma_start3A_808 = arith.constant 0 : i32
    %dma_start3A_809 = arith.constant 0 : i32
    %dma_start3A_810 = tpu.memref_slice %arg2[%arg0, %dma_start3A_808, %dma_start3A_809] : memref<2x10000x128xf32, #tpu.memory_space<hbm>> -> memref<1x10000x128xf32, #tpu.memory_space<hbm>>
    %dma_start3A_811 = tpu.memref_squeeze %dma_start3A_810 : memref<1x10000x128xf32, #tpu.memory_space<hbm>> -> memref<10000x128xf32, #tpu.memory_space<hbm>>
    %dma_start3A_812 = arith.constant 0 : i32
    %dma_start3A_813 = arith.constant 0 : i32
    %dma_start3A_814 = tpu.memref_slice %dma_start3A_811[%dma_start3A_812, %dma_start3A_813] : memref<10000x128xf32, #tpu.memory_space<hbm>> -> memref<10000x128xf32, #tpu.memory_space<hbm>>
    tpu.enqueue_indirect_dma source(%dma_start3A_814 : memref<10000x128xf32, #tpu.memory_space<hbm>>) target(%arg11 : memref<128x128xf32, #tpu.memory_space<vmem>>) offsets(%dma_start3A_807 : memref<128xi32, #tpu.memory_space<vmem>>) semaphore(%arg18 : memref<!tpu.dma_semaphore, #tpu.memory_space<semaphore_mem>>)
    %scan3A_815 = arith.constant 0 : i32
    %scan3A_816 = arith.constant 0 : i32
    %scan3A_817 = arith.constant 9 : i32
    %scan3A_818 = arith.addi %scan3A_816, %scan3A_817 : i32
    %scan3A_819 = arith.constant 1 : i32
    %scan3A_820 = scf.for %scan3A_1096 = %scan3A_816 to %scan3A_818 step %scan3A_819 iter_args(%scan3A_1097 = %scan3A_815) -> (i32)  : i32 {
      %mul3A_1098 = arith.constant 2 : i32
      %mul3A_1099 = arith.muli %scan3A_1096, %mul3A_1098 : i32
      %mul3A_1100 = arith.constant 4 : i32
      %mul3A_1101 = arith.muli %mul3A_1099, %mul3A_1100 : i32
      %add3A_1102 = arith.constant 8 : i32
      %add3A_1103 = arith.addi %mul3A_1101, %add3A_1102 : i32
      %dma_wait3A_1104 = arith.constant 0 : i32
      %dma_wait3A_1105 = tpu.memref_slice %arg4[%dma_wait3A_1104] : memref<327680xi32, #tpu.memory_space<hbm>> -> memref<512xi32, #tpu.memory_space<hbm>>
      %dma_wait3A_1106 = arith.constant 0 : i32
      %dma_wait3A_1107 = tpu.memref_slice %arg4[%dma_wait3A_1106] : memref<327680xi32, #tpu.memory_space<hbm>> -> memref<512xi32, #tpu.memory_space<hbm>>
      tpu.wait_dma2 semaphore(%arg15 : memref<!tpu.dma_semaphore, #tpu.memory_space<semaphore_mem>>) src(%dma_wait3A_1107 : memref<512xi32, #tpu.memory_space<hbm>>) dst(%arg8 : memref<512xi32, #tpu.memory_space<vmem>>)
      %dma_wait3A_1108 = arith.constant 0 : i32
      %dma_wait3A_1109 = arith.constant 0 : i32
      %dma_wait3A_1110 = tpu.memref_slice %arg2[%arg0, %dma_wait3A_1108, %dma_wait3A_1109] : memref<2x10000x128xf32, #tpu.memory_space<hbm>> -> memref<1x10000x128xf32, #tpu.memory_space<hbm>>
      %dma_wait3A_1111 = tpu.memref_squeeze %dma_wait3A_1110 : memref<1x10000x128xf32, #tpu.memory_space<hbm>> -> memref<10000x128xf32, #tpu.memory_space<hbm>>
      %dma_wait3A_1112 = arith.constant 0 : i32
      %dma_wait3A_1113 = arith.constant 0 : i32
      %dma_wait3A_1114 = tpu.memref_slice %dma_wait3A_1111[%dma_wait3A_1112, %dma_wait3A_1113] : memref<10000x128xf32, #tpu.memory_space<hbm>> -> memref<128x128xf32, #tpu.memory_space<hbm>>
      %dma_wait3A_1115 = arith.constant 0 : i32
      %dma_wait3A_1116 = arith.constant 0 : i32
      %dma_wait3A_1117 = tpu.memref_slice %arg2[%arg0, %dma_wait3A_1115, %dma_wait3A_1116] : memref<2x10000x128xf32, #tpu.memory_space<hbm>> -> memref<1x10000x128xf32, #tpu.memory_space<hbm>>
      %dma_wait3A_1118 = tpu.memref_squeeze %dma_wait3A_1117 : memref<1x10000x128xf32, #tpu.memory_space<hbm>> -> memref<10000x128xf32, #tpu.memory_space<hbm>>
      %dma_wait3A_1119 = arith.constant 0 : i32
      %dma_wait3A_1120 = arith.constant 0 : i32
      %dma_wait3A_1121 = tpu.memref_slice %dma_wait3A_1118[%dma_wait3A_1119, %dma_wait3A_1120] : memref<10000x128xf32, #tpu.memory_space<hbm>> -> memref<128x128xf32, #tpu.memory_space<hbm>>
      tpu.wait_dma2 semaphore(%arg17 : memref<!tpu.dma_semaphore, #tpu.memory_space<semaphore_mem>>) src(%dma_wait3A_1121 : memref<128x128xf32, #tpu.memory_space<hbm>>) dst(%arg10 : memref<128x128xf32, #tpu.memory_space<vmem>>)
      %dma_start3A_1122 = arith.constant 0 : i32
      %dma_start3A_1123 = tpu.memref_slice %arg8[%dma_start3A_1122] : memref<512xi32, #tpu.memory_space<vmem>> -> memref<128xi32, #tpu.memory_space<vmem>>
      %dma_start3A_1124 = arith.constant 0 : i32
      %dma_start3A_1125 = arith.constant 0 : i32
      %dma_start3A_1126 = tpu.memref_slice %arg12[%dma_start3A_1124, %dma_start3A_1125] : memref<10240x128xf32, #tpu.memory_space<vmem_shared>> -> memref<10240x128xf32, #tpu.memory_space<vmem_shared>>
      tpu.enqueue_indirect_dma source(%arg10 : memref<128x128xf32, #tpu.memory_space<vmem>>) target(%dma_start3A_1126 : memref<10240x128xf32, #tpu.memory_space<vmem_shared>>) offsets(%dma_start3A_1123 : memref<128xi32, #tpu.memory_space<vmem>>) semaphore(%arg19 : memref<!tpu.dma_semaphore, #tpu.memory_space<semaphore_mem>>) {add = true}
      %dma_wait3A_1127 = arith.constant 0 : i32
      %dma_wait3A_1128 = arith.constant 0 : i32
      %dma_wait3A_1129 = tpu.memref_slice %arg2[%arg0, %dma_wait3A_1127, %dma_wait3A_1128] : memref<2x10000x128xf32, #tpu.memory_space<hbm>> -> memref<1x10000x128xf32, #tpu.memory_space<hbm>>
      %dma_wait3A_1130 = tpu.memref_squeeze %dma_wait3A_1129 : memref<1x10000x128xf32, #tpu.memory_space<hbm>> -> memref<10000x128xf32, #tpu.memory_space<hbm>>
      %dma_wait3A_1131 = arith.constant 0 : i32
      %dma_wait3A_1132 = arith.constant 0 : i32
      %dma_wait3A_1133 = tpu.memref_slice %dma_wait3A_1130[%dma_wait3A_1131, %dma_wait3A_1132] : memref<10000x128xf32, #tpu.memory_space<hbm>> -> memref<128x128xf32, #tpu.memory_space<hbm>>
      %dma_wait3A_1134 = arith.constant 0 : i32
      %dma_wait3A_1135 = arith.constant 0 : i32
      %dma_wait3A_1136 = tpu.memref_slice %arg2[%arg0, %dma_wait3A_1134, %dma_wait3A_1135] : memref<2x10000x128xf32, #tpu.memory_space<hbm>> -> memref<1x10000x128xf32, #tpu.memory_space<hbm>>
      %dma_wait3A_1137 = tpu.memref_squeeze %dma_wait3A_1136 : memref<1x10000x128xf32, #tpu.memory_space<hbm>> -> memref<10000x128xf32, #tpu.memory_space<hbm>>
      %dma_wait3A_1138 = arith.constant 0 : i32
      %dma_wait3A_1139 = arith.constant 0 : i32
      %dma_wait3A_1140 = tpu.memref_slice %dma_wait3A_1137[%dma_wait3A_1138, %dma_wait3A_1139] : memref<10000x128xf32, #tpu.memory_space<hbm>> -> memref<128x128xf32, #tpu.memory_space<hbm>>
      tpu.wait_dma2 semaphore(%arg18 : memref<!tpu.dma_semaphore, #tpu.memory_space<semaphore_mem>>) src(%dma_wait3A_1140 : memref<128x128xf32, #tpu.memory_space<hbm>>) dst(%arg11 : memref<128x128xf32, #tpu.memory_space<vmem>>)
      %dma_start3A_1141 = arith.constant 128 : i32
      %dma_start3A_1142 = tpu.memref_slice %arg8[%dma_start3A_1141] : memref<512xi32, #tpu.memory_space<vmem>> -> memref<128xi32, #tpu.memory_space<vmem>>
      %dma_start3A_1143 = arith.constant 0 : i32
      %dma_start3A_1144 = arith.constant 0 : i32
      %dma_start3A_1145 = tpu.memref_slice %arg12[%dma_start3A_1143, %dma_start3A_1144] : memref<10240x128xf32, #tpu.memory_space<vmem_shared>> -> memref<10240x128xf32, #tpu.memory_space<vmem_shared>>
      tpu.enqueue_indirect_dma source(%arg11 : memref<128x128xf32, #tpu.memory_space<vmem>>) target(%dma_start3A_1145 : memref<10240x128xf32, #tpu.memory_space<vmem_shared>>) offsets(%dma_start3A_1142 : memref<128xi32, #tpu.memory_space<vmem>>) semaphore(%arg20 : memref<!tpu.dma_semaphore, #tpu.memory_space<semaphore_mem>>) {add = true}
      %dma_wait3A_1146 = arith.constant 0 : i32
      %dma_wait3A_1147 = arith.constant 0 : i32
      %dma_wait3A_1148 = tpu.memref_slice %arg12[%dma_wait3A_1146, %dma_wait3A_1147] : memref<10240x128xf32, #tpu.memory_space<vmem_shared>> -> memref<128x128xf32, #tpu.memory_space<vmem_shared>>
      %dma_wait3A_1149 = arith.constant 0 : i32
      %dma_wait3A_1150 = arith.constant 0 : i32
      %dma_wait3A_1151 = tpu.memref_slice %arg12[%dma_wait3A_1149, %dma_wait3A_1150] : memref<10240x128xf32, #tpu.memory_space<vmem_shared>> -> memref<128x128xf32, #tpu.memory_space<vmem_shared>>
      tpu.wait_dma2 semaphore(%arg19 : memref<!tpu.dma_semaphore, #tpu.memory_space<semaphore_mem>>) src(%arg10 : memref<128x128xf32, #tpu.memory_space<vmem>>) dst(%dma_wait3A_1151 : memref<128x128xf32, #tpu.memory_space<vmem_shared>>)
      %dma_start3A_1152 = arith.constant 256 : i32
      %dma_start3A_1153 = tpu.memref_slice %arg6[%dma_start3A_1152] : memref<512xi32, #tpu.memory_space<vmem>> -> memref<128xi32, #tpu.memory_space<vmem>>
      %dma_start3A_1154 = arith.constant 0 : i32
      %dma_start3A_1155 = arith.constant 0 : i32
      %dma_start3A_1156 = tpu.memref_slice %arg2[%arg0, %dma_start3A_1154, %dma_start3A_1155] : memref<2x10000x128xf32, #tpu.memory_space<hbm>> -> memref<1x10000x128xf32, #tpu.memory_space<hbm>>
      %dma_start3A_1157 = tpu.memref_squeeze %dma_start3A_1156 : memref<1x10000x128xf32, #tpu.memory_space<hbm>> -> memref<10000x128xf32, #tpu.memory_space<hbm>>
      %dma_start3A_1158 = arith.constant 0 : i32
      %dma_start3A_1159 = arith.constant 0 : i32
      %dma_start3A_1160 = tpu.memref_slice %dma_start3A_1157[%dma_start3A_1158, %dma_start3A_1159] : memref<10000x128xf32, #tpu.memory_space<hbm>> -> memref<10000x128xf32, #tpu.memory_space<hbm>>
      tpu.enqueue_indirect_dma source(%dma_start3A_1160 : memref<10000x128xf32, #tpu.memory_space<hbm>>) target(%arg10 : memref<128x128xf32, #tpu.memory_space<vmem>>) offsets(%dma_start3A_1153 : memref<128xi32, #tpu.memory_space<vmem>>) semaphore(%arg17 : memref<!tpu.dma_semaphore, #tpu.memory_space<semaphore_mem>>)
      %dma_wait3A_1161 = arith.constant 0 : i32
      %dma_wait3A_1162 = arith.constant 0 : i32
      %dma_wait3A_1163 = tpu.memref_slice %arg12[%dma_wait3A_1161, %dma_wait3A_1162] : memref<10240x128xf32, #tpu.memory_space<vmem_shared>> -> memref<128x128xf32, #tpu.memory_space<vmem_shared>>
      %dma_wait3A_1164 = arith.constant 0 : i32
      %dma_wait3A_1165 = arith.constant 0 : i32
      %dma_wait3A_1166 = tpu.memref_slice %arg12[%dma_wait3A_1164, %dma_wait3A_1165] : memref<10240x128xf32, #tpu.memory_space<vmem_shared>> -> memref<128x128xf32, #tpu.memory_space<vmem_shared>>
      tpu.wait_dma2 semaphore(%arg20 : memref<!tpu.dma_semaphore, #tpu.memory_space<semaphore_mem>>) src(%arg11 : memref<128x128xf32, #tpu.memory_space<vmem>>) dst(%dma_wait3A_1166 : memref<128x128xf32, #tpu.memory_space<vmem_shared>>)
      %dma_start3A_1167 = arith.constant 384 : i32
      %dma_start3A_1168 = tpu.memref_slice %arg6[%dma_start3A_1167] : memref<512xi32, #tpu.memory_space<vmem>> -> memref<128xi32, #tpu.memory_space<vmem>>
      %dma_start3A_1169 = arith.constant 0 : i32
      %dma_start3A_1170 = arith.constant 0 : i32
      %dma_start3A_1171 = tpu.memref_slice %arg2[%arg0, %dma_start3A_1169, %dma_start3A_1170] : memref<2x10000x128xf32, #tpu.memory_space<hbm>> -> memref<1x10000x128xf32, #tpu.memory_space<hbm>>
      %dma_start3A_1172 = tpu.memref_squeeze %dma_start3A_1171 : memref<1x10000x128xf32, #tpu.memory_space<hbm>> -> memref<10000x128xf32, #tpu.memory_space<hbm>>
      %dma_start3A_1173 = arith.constant 0 : i32
      %dma_start3A_1174 = arith.constant 0 : i32
      %dma_start3A_1175 = tpu.memref_slice %dma_start3A_1172[%dma_start3A_1173, %dma_start3A_1174] : memref<10000x128xf32, #tpu.memory_space<hbm>> -> memref<10000x128xf32, #tpu.memory_space<hbm>>
      tpu.enqueue_indirect_dma source(%dma_start3A_1175 : memref<10000x128xf32, #tpu.memory_space<hbm>>) target(%arg11 : memref<128x128xf32, #tpu.memory_space<vmem>>) offsets(%dma_start3A_1168 : memref<128xi32, #tpu.memory_space<vmem>>) semaphore(%arg18 : memref<!tpu.dma_semaphore, #tpu.memory_space<semaphore_mem>>)
      %dma_wait3A_1176 = arith.constant 0 : i32
      %dma_wait3A_1177 = arith.constant 0 : i32
      %dma_wait3A_1178 = tpu.memref_slice %arg2[%arg0, %dma_wait3A_1176, %dma_wait3A_1177] : memref<2x10000x128xf32, #tpu.memory_space<hbm>> -> memref<1x10000x128xf32, #tpu.memory_space<hbm>>
      %dma_wait3A_1179 = tpu.memref_squeeze %dma_wait3A_1178 : memref<1x10000x128xf32, #tpu.memory_space<hbm>> -> memref<10000x128xf32, #tpu.memory_space<hbm>>
      %dma_wait3A_1180 = arith.constant 0 : i32
      %dma_wait3A_1181 = arith.constant 0 : i32
      %dma_wait3A_1182 = tpu.memref_slice %dma_wait3A_1179[%dma_wait3A_1180, %dma_wait3A_1181] : memref<10000x128xf32, #tpu.memory_space<hbm>> -> memref<128x128xf32, #tpu.memory_space<hbm>>
      %dma_wait3A_1183 = arith.constant 0 : i32
      %dma_wait3A_1184 = arith.constant 0 : i32
      %dma_wait3A_1185 = tpu.memref_slice %arg2[%arg0, %dma_wait3A_1183, %dma_wait3A_1184] : memref<2x10000x128xf32, #tpu.memory_space<hbm>> -> memref<1x10000x128xf32, #tpu.memory_space<hbm>>
      %dma_wait3A_1186 = tpu.memref_squeeze %dma_wait3A_1185 : memref<1x10000x128xf32, #tpu.memory_space<hbm>> -> memref<10000x128xf32, #tpu.memory_space<hbm>>
      %dma_wait3A_1187 = arith.constant 0 : i32
      %dma_wait3A_1188 = arith.constant 0 : i32
      %dma_wait3A_1189 = tpu.memref_slice %dma_wait3A_1186[%dma_wait3A_1187, %dma_wait3A_1188] : memref<10000x128xf32, #tpu.memory_space<hbm>> -> memref<128x128xf32, #tpu.memory_space<hbm>>
      tpu.wait_dma2 semaphore(%arg17 : memref<!tpu.dma_semaphore, #tpu.memory_space<semaphore_mem>>) src(%dma_wait3A_1189 : memref<128x128xf32, #tpu.memory_space<hbm>>) dst(%arg10 : memref<128x128xf32, #tpu.memory_space<vmem>>)
      %dma_start3A_1190 = arith.constant 256 : i32
      %dma_start3A_1191 = tpu.memref_slice %arg8[%dma_start3A_1190] : memref<512xi32, #tpu.memory_space<vmem>> -> memref<128xi32, #tpu.memory_space<vmem>>
      %dma_start3A_1192 = arith.constant 0 : i32
      %dma_start3A_1193 = arith.constant 0 : i32
      %dma_start3A_1194 = tpu.memref_slice %arg12[%dma_start3A_1192, %dma_start3A_1193] : memref<10240x128xf32, #tpu.memory_space<vmem_shared>> -> memref<10240x128xf32, #tpu.memory_space<vmem_shared>>
      tpu.enqueue_indirect_dma source(%arg10 : memref<128x128xf32, #tpu.memory_space<vmem>>) target(%dma_start3A_1194 : memref<10240x128xf32, #tpu.memory_space<vmem_shared>>) offsets(%dma_start3A_1191 : memref<128xi32, #tpu.memory_space<vmem>>) semaphore(%arg19 : memref<!tpu.dma_semaphore, #tpu.memory_space<semaphore_mem>>) {add = true}
      %dma_wait3A_1195 = arith.constant 0 : i32
      %dma_wait3A_1196 = arith.constant 0 : i32
      %dma_wait3A_1197 = tpu.memref_slice %arg2[%arg0, %dma_wait3A_1195, %dma_wait3A_1196] : memref<2x10000x128xf32, #tpu.memory_space<hbm>> -> memref<1x10000x128xf32, #tpu.memory_space<hbm>>
      %dma_wait3A_1198 = tpu.memref_squeeze %dma_wait3A_1197 : memref<1x10000x128xf32, #tpu.memory_space<hbm>> -> memref<10000x128xf32, #tpu.memory_space<hbm>>
      %dma_wait3A_1199 = arith.constant 0 : i32
      %dma_wait3A_1200 = arith.constant 0 : i32
      %dma_wait3A_1201 = tpu.memref_slice %dma_wait3A_1198[%dma_wait3A_1199, %dma_wait3A_1200] : memref<10000x128xf32, #tpu.memory_space<hbm>> -> memref<128x128xf32, #tpu.memory_space<hbm>>
      %dma_wait3A_1202 = arith.constant 0 : i32
      %dma_wait3A_1203 = arith.constant 0 : i32
      %dma_wait3A_1204 = tpu.memref_slice %arg2[%arg0, %dma_wait3A_1202, %dma_wait3A_1203] : memref<2x10000x128xf32, #tpu.memory_space<hbm>> -> memref<1x10000x128xf32, #tpu.memory_space<hbm>>
      %dma_wait3A_1205 = tpu.memref_squeeze %dma_wait3A_1204 : memref<1x10000x128xf32, #tpu.memory_space<hbm>> -> memref<10000x128xf32, #tpu.memory_space<hbm>>
      %dma_wait3A_1206 = arith.constant 0 : i32
      %dma_wait3A_1207 = arith.constant 0 : i32
      %dma_wait3A_1208 = tpu.memref_slice %dma_wait3A_1205[%dma_wait3A_1206, %dma_wait3A_1207] : memref<10000x128xf32, #tpu.memory_space<hbm>> -> memref<128x128xf32, #tpu.memory_space<hbm>>
      tpu.wait_dma2 semaphore(%arg18 : memref<!tpu.dma_semaphore, #tpu.memory_space<semaphore_mem>>) src(%dma_wait3A_1208 : memref<128x128xf32, #tpu.memory_space<hbm>>) dst(%arg11 : memref<128x128xf32, #tpu.memory_space<vmem>>)
      %dma_start3A_1209 = arith.constant 384 : i32
      %dma_start3A_1210 = tpu.memref_slice %arg8[%dma_start3A_1209] : memref<512xi32, #tpu.memory_space<vmem>> -> memref<128xi32, #tpu.memory_space<vmem>>
      %dma_start3A_1211 = arith.constant 0 : i32
      %dma_start3A_1212 = arith.constant 0 : i32
      %dma_start3A_1213 = tpu.memref_slice %arg12[%dma_start3A_1211, %dma_start3A_1212] : memref<10240x128xf32, #tpu.memory_space<vmem_shared>> -> memref<10240x128xf32, #tpu.memory_space<vmem_shared>>
      tpu.enqueue_indirect_dma source(%arg11 : memref<128x128xf32, #tpu.memory_space<vmem>>) target(%dma_start3A_1213 : memref<10240x128xf32, #tpu.memory_space<vmem_shared>>) offsets(%dma_start3A_1210 : memref<128xi32, #tpu.memory_space<vmem>>) semaphore(%arg20 : memref<!tpu.dma_semaphore, #tpu.memory_space<semaphore_mem>>) {add = true}
      %dma_wait3A_1214 = arith.constant 0 : i32
      %dma_wait3A_1215 = tpu.memref_slice %arg3[%dma_wait3A_1214] : memref<327680xi32, #tpu.memory_space<hbm>> -> memref<512xi32, #tpu.memory_space<hbm>>
      %dma_wait3A_1216 = arith.constant 0 : i32
      %dma_wait3A_1217 = tpu.memref_slice %arg3[%dma_wait3A_1216] : memref<327680xi32, #tpu.memory_space<hbm>> -> memref<512xi32, #tpu.memory_space<hbm>>
      tpu.wait_dma2 semaphore(%arg14 : memref<!tpu.dma_semaphore, #tpu.memory_space<semaphore_mem>>) src(%dma_wait3A_1217 : memref<512xi32, #tpu.memory_space<hbm>>) dst(%arg7 : memref<512xi32, #tpu.memory_space<vmem>>)
      %dma_wait3A_1218 = arith.constant 0 : i32
      %dma_wait3A_1219 = arith.constant 0 : i32
      %dma_wait3A_1220 = tpu.memref_slice %arg12[%dma_wait3A_1218, %dma_wait3A_1219] : memref<10240x128xf32, #tpu.memory_space<vmem_shared>> -> memref<128x128xf32, #tpu.memory_space<vmem_shared>>
      %dma_wait3A_1221 = arith.constant 0 : i32
      %dma_wait3A_1222 = arith.constant 0 : i32
      %dma_wait3A_1223 = tpu.memref_slice %arg12[%dma_wait3A_1221, %dma_wait3A_1222] : memref<10240x128xf32, #tpu.memory_space<vmem_shared>> -> memref<128x128xf32, #tpu.memory_space<vmem_shared>>
      tpu.wait_dma2 semaphore(%arg19 : memref<!tpu.dma_semaphore, #tpu.memory_space<semaphore_mem>>) src(%arg10 : memref<128x128xf32, #tpu.memory_space<vmem>>) dst(%dma_wait3A_1223 : memref<128x128xf32, #tpu.memory_space<vmem_shared>>)
      %dma_start3A_1224 = arith.constant 0 : i32
      %dma_start3A_1225 = tpu.memref_slice %arg7[%dma_start3A_1224] : memref<512xi32, #tpu.memory_space<vmem>> -> memref<128xi32, #tpu.memory_space<vmem>>
      %dma_start3A_1226 = arith.constant 0 : i32
      %dma_start3A_1227 = arith.constant 0 : i32
      %dma_start3A_1228 = tpu.memref_slice %arg2[%arg0, %dma_start3A_1226, %dma_start3A_1227] : memref<2x10000x128xf32, #tpu.memory_space<hbm>> -> memref<1x10000x128xf32, #tpu.memory_space<hbm>>
      %dma_start3A_1229 = tpu.memref_squeeze %dma_start3A_1228 : memref<1x10000x128xf32, #tpu.memory_space<hbm>> -> memref<10000x128xf32, #tpu.memory_space<hbm>>
      %dma_start3A_1230 = arith.constant 0 : i32
      %dma_start3A_1231 = arith.constant 0 : i32
      %dma_start3A_1232 = tpu.memref_slice %dma_start3A_1229[%dma_start3A_1230, %dma_start3A_1231] : memref<10000x128xf32, #tpu.memory_space<hbm>> -> memref<10000x128xf32, #tpu.memory_space<hbm>>
      tpu.enqueue_indirect_dma source(%dma_start3A_1232 : memref<10000x128xf32, #tpu.memory_space<hbm>>) target(%arg10 : memref<128x128xf32, #tpu.memory_space<vmem>>) offsets(%dma_start3A_1225 : memref<128xi32, #tpu.memory_space<vmem>>) semaphore(%arg17 : memref<!tpu.dma_semaphore, #tpu.memory_space<semaphore_mem>>)
      %dma_wait3A_1233 = arith.constant 0 : i32
      %dma_wait3A_1234 = arith.constant 0 : i32
      %dma_wait3A_1235 = tpu.memref_slice %arg12[%dma_wait3A_1233, %dma_wait3A_1234] : memref<10240x128xf32, #tpu.memory_space<vmem_shared>> -> memref<128x128xf32, #tpu.memory_space<vmem_shared>>
      %dma_wait3A_1236 = arith.constant 0 : i32
      %dma_wait3A_1237 = arith.constant 0 : i32
      %dma_wait3A_1238 = tpu.memref_slice %arg12[%dma_wait3A_1236, %dma_wait3A_1237] : memref<10240x128xf32, #tpu.memory_space<vmem_shared>> -> memref<128x128xf32, #tpu.memory_space<vmem_shared>>
      tpu.wait_dma2 semaphore(%arg20 : memref<!tpu.dma_semaphore, #tpu.memory_space<semaphore_mem>>) src(%arg11 : memref<128x128xf32, #tpu.memory_space<vmem>>) dst(%dma_wait3A_1238 : memref<128x128xf32, #tpu.memory_space<vmem_shared>>)
      %dma_start3A_1239 = arith.constant 128 : i32
      %dma_start3A_1240 = tpu.memref_slice %arg7[%dma_start3A_1239] : memref<512xi32, #tpu.memory_space<vmem>> -> memref<128xi32, #tpu.memory_space<vmem>>
      %dma_start3A_1241 = arith.constant 0 : i32
      %dma_start3A_1242 = arith.constant 0 : i32
      %dma_start3A_1243 = tpu.memref_slice %arg2[%arg0, %dma_start3A_1241, %dma_start3A_1242] : memref<2x10000x128xf32, #tpu.memory_space<hbm>> -> memref<1x10000x128xf32, #tpu.memory_space<hbm>>
      %dma_start3A_1244 = tpu.memref_squeeze %dma_start3A_1243 : memref<1x10000x128xf32, #tpu.memory_space<hbm>> -> memref<10000x128xf32, #tpu.memory_space<hbm>>
      %dma_start3A_1245 = arith.constant 0 : i32
      %dma_start3A_1246 = arith.constant 0 : i32
      %dma_start3A_1247 = tpu.memref_slice %dma_start3A_1244[%dma_start3A_1245, %dma_start3A_1246] : memref<10000x128xf32, #tpu.memory_space<hbm>> -> memref<10000x128xf32, #tpu.memory_space<hbm>>
      tpu.enqueue_indirect_dma source(%dma_start3A_1247 : memref<10000x128xf32, #tpu.memory_space<hbm>>) target(%arg11 : memref<128x128xf32, #tpu.memory_space<vmem>>) offsets(%dma_start3A_1240 : memref<128xi32, #tpu.memory_space<vmem>>) semaphore(%arg18 : memref<!tpu.dma_semaphore, #tpu.memory_space<semaphore_mem>>)
      %mul3A_1248 = arith.constant 128 : i32
      %mul3A_1249 = arith.muli %add3A_1103, %mul3A_1248 : i32
      %add3A_1250 = arith.addi %mul3A_4, %mul3A_1249 : i32
      %dma_start3A_1251 = tpu.memref_slice %arg3[%add3A_1250] : memref<327680xi32, #tpu.memory_space<hbm>> -> memref<512xi32, #tpu.memory_space<hbm>>
      %dma_start3A_1252 = tpu.memref_slice %arg3[%add3A_1250] : memref<327680xi32, #tpu.memory_space<hbm>> -> memref<512xi32, #tpu.memory_space<hbm>>
      tpu.enqueue_dma source(%dma_start3A_1252 : memref<512xi32, #tpu.memory_space<hbm>>) target(%arg6 : memref<512xi32, #tpu.memory_space<vmem>>) target_semaphore(%arg13 : memref<!tpu.dma_semaphore, #tpu.memory_space<semaphore_mem>>)
      %mul3A_1253 = arith.constant 128 : i32
      %mul3A_1254 = arith.muli %add3A_1103, %mul3A_1253 : i32
      %add3A_1255 = arith.addi %mul3A_4, %mul3A_1254 : i32
      %dma_start3A_1256 = tpu.memref_slice %arg4[%add3A_1255] : memref<327680xi32, #tpu.memory_space<hbm>> -> memref<512xi32, #tpu.memory_space<hbm>>
      %dma_start3A_1257 = tpu.memref_slice %arg4[%add3A_1255] : memref<327680xi32, #tpu.memory_space<hbm>> -> memref<512xi32, #tpu.memory_space<hbm>>
      tpu.enqueue_dma source(%dma_start3A_1257 : memref<512xi32, #tpu.memory_space<hbm>>) target(%arg8 : memref<512xi32, #tpu.memory_space<vmem>>) target_semaphore(%arg15 : memref<!tpu.dma_semaphore, #tpu.memory_space<semaphore_mem>>)
      %add3A_1258 = arith.constant 12 : i32
      %add3A_1259 = arith.addi %mul3A_1101, %add3A_1258 : i32
      %dma_wait3A_1260 = arith.constant 0 : i32
      %dma_wait3A_1261 = tpu.memref_slice %arg4[%dma_wait3A_1260] : memref<327680xi32, #tpu.memory_space<hbm>> -> memref<512xi32, #tpu.memory_space<hbm>>
      %dma_wait3A_1262 = arith.constant 0 : i32
      %dma_wait3A_1263 = tpu.memref_slice %arg4[%dma_wait3A_1262] : memref<327680xi32, #tpu.memory_space<hbm>> -> memref<512xi32, #tpu.memory_space<hbm>>
      tpu.wait_dma2 semaphore(%arg16 : memref<!tpu.dma_semaphore, #tpu.memory_space<semaphore_mem>>) src(%dma_wait3A_1263 : memref<512xi32, #tpu.memory_space<hbm>>) dst(%arg9 : memref<512xi32, #tpu.memory_space<vmem>>)
      %dma_wait3A_1264 = arith.constant 0 : i32
      %dma_wait3A_1265 = arith.constant 0 : i32
      %dma_wait3A_1266 = tpu.memref_slice %arg2[%arg0, %dma_wait3A_1264, %dma_wait3A_1265] : memref<2x10000x128xf32, #tpu.memory_space<hbm>> -> memref<1x10000x128xf32, #tpu.memory_space<hbm>>
      %dma_wait3A_1267 = tpu.memref_squeeze %dma_wait3A_1266 : memref<1x10000x128xf32, #tpu.memory_space<hbm>> -> memref<10000x128xf32, #tpu.memory_space<hbm>>
      %dma_wait3A_1268 = arith.constant 0 : i32
      %dma_wait3A_1269 = arith.constant 0 : i32
      %dma_wait3A_1270 = tpu.memref_slice %dma_wait3A_1267[%dma_wait3A_1268, %dma_wait3A_1269] : memref<10000x128xf32, #tpu.memory_space<hbm>> -> memref<128x128xf32, #tpu.memory_space<hbm>>
      %dma_wait3A_1271 = arith.constant 0 : i32
      %dma_wait3A_1272 = arith.constant 0 : i32
      %dma_wait3A_1273 = tpu.memref_slice %arg2[%arg0, %dma_wait3A_1271, %dma_wait3A_1272] : memref<2x10000x128xf32, #tpu.memory_space<hbm>> -> memref<1x10000x128xf32, #tpu.memory_space<hbm>>
      %dma_wait3A_1274 = tpu.memref_squeeze %dma_wait3A_1273 : memref<1x10000x128xf32, #tpu.memory_space<hbm>> -> memref<10000x128xf32, #tpu.memory_space<hbm>>
      %dma_wait3A_1275 = arith.constant 0 : i32
      %dma_wait3A_1276 = arith.constant 0 : i32
      %dma_wait3A_1277 = tpu.memref_slice %dma_wait3A_1274[%dma_wait3A_1275, %dma_wait3A_1276] : memref<10000x128xf32, #tpu.memory_space<hbm>> -> memref<128x128xf32, #tpu.memory_space<hbm>>
      tpu.wait_dma2 semaphore(%arg17 : memref<!tpu.dma_semaphore, #tpu.memory_space<semaphore_mem>>) src(%dma_wait3A_1277 : memref<128x128xf32, #tpu.memory_space<hbm>>) dst(%arg10 : memref<128x128xf32, #tpu.memory_space<vmem>>)
      %dma_start3A_1278 = arith.constant 0 : i32
      %dma_start3A_1279 = tpu.memref_slice %arg9[%dma_start3A_1278] : memref<512xi32, #tpu.memory_space<vmem>> -> memref<128xi32, #tpu.memory_space<vmem>>
      %dma_start3A_1280 = arith.constant 0 : i32
      %dma_start3A_1281 = arith.constant 0 : i32
      %dma_start3A_1282 = tpu.memref_slice %arg12[%dma_start3A_1280, %dma_start3A_1281] : memref<10240x128xf32, #tpu.memory_space<vmem_shared>> -> memref<10240x128xf32, #tpu.memory_space<vmem_shared>>
      tpu.enqueue_indirect_dma source(%arg10 : memref<128x128xf32, #tpu.memory_space<vmem>>) target(%dma_start3A_1282 : memref<10240x128xf32, #tpu.memory_space<vmem_shared>>) offsets(%dma_start3A_1279 : memref<128xi32, #tpu.memory_space<vmem>>) semaphore(%arg19 : memref<!tpu.dma_semaphore, #tpu.memory_space<semaphore_mem>>) {add = true}
      %dma_wait3A_1283 = arith.constant 0 : i32
      %dma_wait3A_1284 = arith.constant 0 : i32
      %dma_wait3A_1285 = tpu.memref_slice %arg2[%arg0, %dma_wait3A_1283, %dma_wait3A_1284] : memref<2x10000x128xf32, #tpu.memory_space<hbm>> -> memref<1x10000x128xf32, #tpu.memory_space<hbm>>
      %dma_wait3A_1286 = tpu.memref_squeeze %dma_wait3A_1285 : memref<1x10000x128xf32, #tpu.memory_space<hbm>> -> memref<10000x128xf32, #tpu.memory_space<hbm>>
      %dma_wait3A_1287 = arith.constant 0 : i32
      %dma_wait3A_1288 = arith.constant 0 : i32
      %dma_wait3A_1289 = tpu.memref_slice %dma_wait3A_1286[%dma_wait3A_1287, %dma_wait3A_1288] : memref<10000x128xf32, #tpu.memory_space<hbm>> -> memref<128x128xf32, #tpu.memory_space<hbm>>
      %dma_wait3A_1290 = arith.constant 0 : i32
      %dma_wait3A_1291 = arith.constant 0 : i32
      %dma_wait3A_1292 = tpu.memref_slice %arg2[%arg0, %dma_wait3A_1290, %dma_wait3A_1291] : memref<2x10000x128xf32, #tpu.memory_space<hbm>> -> memref<1x10000x128xf32, #tpu.memory_space<hbm>>
      %dma_wait3A_1293 = tpu.memref_squeeze %dma_wait3A_1292 : memref<1x10000x128xf32, #tpu.memory_space<hbm>> -> memref<10000x128xf32, #tpu.memory_space<hbm>>
      %dma_wait3A_1294 = arith.constant 0 : i32
      %dma_wait3A_1295 = arith.constant 0 : i32
      %dma_wait3A_1296 = tpu.memref_slice %dma_wait3A_1293[%dma_wait3A_1294, %dma_wait3A_1295] : memref<10000x128xf32, #tpu.memory_space<hbm>> -> memref<128x128xf32, #tpu.memory_space<hbm>>
      tpu.wait_dma2 semaphore(%arg18 : memref<!tpu.dma_semaphore, #tpu.memory_space<semaphore_mem>>) src(%dma_wait3A_1296 : memref<128x128xf32, #tpu.memory_space<hbm>>) dst(%arg11 : memref<128x128xf32, #tpu.memory_space<vmem>>)
      %dma_start3A_1297 = arith.constant 128 : i32
      %dma_start3A_1298 = tpu.memref_slice %arg9[%dma_start3A_1297] : memref<512xi32, #tpu.memory_space<vmem>> -> memref<128xi32, #tpu.memory_space<vmem>>
      %dma_start3A_1299 = arith.constant 0 : i32
      %dma_start3A_1300 = arith.constant 0 : i32
      %dma_start3A_1301 = tpu.memref_slice %arg12[%dma_start3A_1299, %dma_start3A_1300] : memref<10240x128xf32, #tpu.memory_space<vmem_shared>> -> memref<10240x128xf32, #tpu.memory_space<vmem_shared>>
      tpu.enqueue_indirect_dma source(%arg11 : memref<128x128xf32, #tpu.memory_space<vmem>>) target(%dma_start3A_1301 : memref<10240x128xf32, #tpu.memory_space<vmem_shared>>) offsets(%dma_start3A_1298 : memref<128xi32, #tpu.memory_space<vmem>>) semaphore(%arg20 : memref<!tpu.dma_semaphore, #tpu.memory_space<semaphore_mem>>) {add = true}
      %dma_wait3A_1302 = arith.constant 0 : i32
      %dma_wait3A_1303 = arith.constant 0 : i32
      %dma_wait3A_1304 = tpu.memref_slice %arg12[%dma_wait3A_1302, %dma_wait3A_1303] : memref<10240x128xf32, #tpu.memory_space<vmem_shared>> -> memref<128x128xf32, #tpu.memory_space<vmem_shared>>
      %dma_wait3A_1305 = arith.constant 0 : i32
      %dma_wait3A_1306 = arith.constant 0 : i32
      %dma_wait3A_1307 = tpu.memref_slice %arg12[%dma_wait3A_1305, %dma_wait3A_1306] : memref<10240x128xf32, #tpu.memory_space<vmem_shared>> -> memref<128x128xf32, #tpu.memory_space<vmem_shared>>
      tpu.wait_dma2 semaphore(%arg19 : memref<!tpu.dma_semaphore, #tpu.memory_space<semaphore_mem>>) src(%arg10 : memref<128x128xf32, #tpu.memory_space<vmem>>) dst(%dma_wait3A_1307 : memref<128x128xf32, #tpu.memory_space<vmem_shared>>)
      %dma_start3A_1308 = arith.constant 256 : i32
      %dma_start3A_1309 = tpu.memref_slice %arg7[%dma_start3A_1308] : memref<512xi32, #tpu.memory_space<vmem>> -> memref<128xi32, #tpu.memory_space<vmem>>
      %dma_start3A_1310 = arith.constant 0 : i32
      %dma_start3A_1311 = arith.constant 0 : i32
      %dma_start3A_1312 = tpu.memref_slice %arg2[%arg0, %dma_start3A_1310, %dma_start3A_1311] : memref<2x10000x128xf32, #tpu.memory_space<hbm>> -> memref<1x10000x128xf32, #tpu.memory_space<hbm>>
      %dma_start3A_1313 = tpu.memref_squeeze %dma_start3A_1312 : memref<1x10000x128xf32, #tpu.memory_space<hbm>> -> memref<10000x128xf32, #tpu.memory_space<hbm>>
      %dma_start3A_1314 = arith.constant 0 : i32
      %dma_start3A_1315 = arith.constant 0 : i32
      %dma_start3A_1316 = tpu.memref_slice %dma_start3A_1313[%dma_start3A_1314, %dma_start3A_1315] : memref<10000x128xf32, #tpu.memory_space<hbm>> -> memref<10000x128xf32, #tpu.memory_space<hbm>>
      tpu.enqueue_indirect_dma source(%dma_start3A_1316 : memref<10000x128xf32, #tpu.memory_space<hbm>>) target(%arg10 : memref<128x128xf32, #tpu.memory_space<vmem>>) offsets(%dma_start3A_1309 : memref<128xi32, #tpu.memory_space<vmem>>) semaphore(%arg17 : memref<!tpu.dma_semaphore, #tpu.memory_space<semaphore_mem>>)
      %dma_wait3A_1317 = arith.constant 0 : i32
      %dma_wait3A_1318 = arith.constant 0 : i32
      %dma_wait3A_1319 = tpu.memref_slice %arg12[%dma_wait3A_1317, %dma_wait3A_1318] : memref<10240x128xf32, #tpu.memory_space<vmem_shared>> -> memref<128x128xf32, #tpu.memory_space<vmem_shared>>
      %dma_wait3A_1320 = arith.constant 0 : i32
      %dma_wait3A_1321 = arith.constant 0 : i32
      %dma_wait3A_1322 = tpu.memref_slice %arg12[%dma_wait3A_1320, %dma_wait3A_1321] : memref<10240x128xf32, #tpu.memory_space<vmem_shared>> -> memref<128x128xf32, #tpu.memory_space<vmem_shared>>
      tpu.wait_dma2 semaphore(%arg20 : memref<!tpu.dma_semaphore, #tpu.memory_space<semaphore_mem>>) src(%arg11 : memref<128x128xf32, #tpu.memory_space<vmem>>) dst(%dma_wait3A_1322 : memref<128x128xf32, #tpu.memory_space<vmem_shared>>)
      %dma_start3A_1323 = arith.constant 384 : i32
      %dma_start3A_1324 = tpu.memref_slice %arg7[%dma_start3A_1323] : memref<512xi32, #tpu.memory_space<vmem>> -> memref<128xi32, #tpu.memory_space<vmem>>
      %dma_start3A_1325 = arith.constant 0 : i32
      %dma_start3A_1326 = arith.constant 0 : i32
      %dma_start3A_1327 = tpu.memref_slice %arg2[%arg0, %dma_start3A_1325, %dma_start3A_1326] : memref<2x10000x128xf32, #tpu.memory_space<hbm>> -> memref<1x10000x128xf32, #tpu.memory_space<hbm>>
      %dma_start3A_1328 = tpu.memref_squeeze %dma_start3A_1327 : memref<1x10000x128xf32, #tpu.memory_space<hbm>> -> memref<10000x128xf32, #tpu.memory_space<hbm>>
      %dma_start3A_1329 = arith.constant 0 : i32
      %dma_start3A_1330 = arith.constant 0 : i32
      %dma_start3A_1331 = tpu.memref_slice %dma_start3A_1328[%dma_start3A_1329, %dma_start3A_1330] : memref<10000x128xf32, #tpu.memory_space<hbm>> -> memref<10000x128xf32, #tpu.memory_space<hbm>>
      tpu.enqueue_indirect_dma source(%dma_start3A_1331 : memref<10000x128xf32, #tpu.memory_space<hbm>>) target(%arg11 : memref<128x128xf32, #tpu.memory_space<vmem>>) offsets(%dma_start3A_1324 : memref<128xi32, #tpu.memory_space<vmem>>) semaphore(%arg18 : memref<!tpu.dma_semaphore, #tpu.memory_space<semaphore_mem>>)
      %dma_wait3A_1332 = arith.constant 0 : i32
      %dma_wait3A_1333 = arith.constant 0 : i32
      %dma_wait3A_1334 = tpu.memref_slice %arg2[%arg0, %dma_wait3A_1332, %dma_wait3A_1333] : memref<2x10000x128xf32, #tpu.memory_space<hbm>> -> memref<1x10000x128xf32, #tpu.memory_space<hbm>>
      %dma_wait3A_1335 = tpu.memref_squeeze %dma_wait3A_1334 : memref<1x10000x128xf32, #tpu.memory_space<hbm>> -> memref<10000x128xf32, #tpu.memory_space<hbm>>
      %dma_wait3A_1336 = arith.constant 0 : i32
      %dma_wait3A_1337 = arith.constant 0 : i32
      %dma_wait3A_1338 = tpu.memref_slice %dma_wait3A_1335[%dma_wait3A_1336, %dma_wait3A_1337] : memref<10000x128xf32, #tpu.memory_space<hbm>> -> memref<128x128xf32, #tpu.memory_space<hbm>>
      %dma_wait3A_1339 = arith.constant 0 : i32
      %dma_wait3A_1340 = arith.constant 0 : i32
      %dma_wait3A_1341 = tpu.memref_slice %arg2[%arg0, %dma_wait3A_1339, %dma_wait3A_1340] : memref<2x10000x128xf32, #tpu.memory_space<hbm>> -> memref<1x10000x128xf32, #tpu.memory_space<hbm>>
      %dma_wait3A_1342 = tpu.memref_squeeze %dma_wait3A_1341 : memref<1x10000x128xf32, #tpu.memory_space<hbm>> -> memref<10000x128xf32, #tpu.memory_space<hbm>>
      %dma_wait3A_1343 = arith.constant 0 : i32
      %dma_wait3A_1344 = arith.constant 0 : i32
      %dma_wait3A_1345 = tpu.memref_slice %dma_wait3A_1342[%dma_wait3A_1343, %dma_wait3A_1344] : memref<10000x128xf32, #tpu.memory_space<hbm>> -> memref<128x128xf32, #tpu.memory_space<hbm>>
      tpu.wait_dma2 semaphore(%arg17 : memref<!tpu.dma_semaphore, #tpu.memory_space<semaphore_mem>>) src(%dma_wait3A_1345 : memref<128x128xf32, #tpu.memory_space<hbm>>) dst(%arg10 : memref<128x128xf32, #tpu.memory_space<vmem>>)
      %dma_start3A_1346 = arith.constant 256 : i32
      %dma_start3A_1347 = tpu.memref_slice %arg9[%dma_start3A_1346] : memref<512xi32, #tpu.memory_space<vmem>> -> memref<128xi32, #tpu.memory_space<vmem>>
      %dma_start3A_1348 = arith.constant 0 : i32
      %dma_start3A_1349 = arith.constant 0 : i32
      %dma_start3A_1350 = tpu.memref_slice %arg12[%dma_start3A_1348, %dma_start3A_1349] : memref<10240x128xf32, #tpu.memory_space<vmem_shared>> -> memref<10240x128xf32, #tpu.memory_space<vmem_shared>>
      tpu.enqueue_indirect_dma source(%arg10 : memref<128x128xf32, #tpu.memory_space<vmem>>) target(%dma_start3A_1350 : memref<10240x128xf32, #tpu.memory_space<vmem_shared>>) offsets(%dma_start3A_1347 : memref<128xi32, #tpu.memory_space<vmem>>) semaphore(%arg19 : memref<!tpu.dma_semaphore, #tpu.memory_space<semaphore_mem>>) {add = true}
      %dma_wait3A_1351 = arith.constant 0 : i32
      %dma_wait3A_1352 = arith.constant 0 : i32
      %dma_wait3A_1353 = tpu.memref_slice %arg2[%arg0, %dma_wait3A_1351, %dma_wait3A_1352] : memref<2x10000x128xf32, #tpu.memory_space<hbm>> -> memref<1x10000x128xf32, #tpu.memory_space<hbm>>
      %dma_wait3A_1354 = tpu.memref_squeeze %dma_wait3A_1353 : memref<1x10000x128xf32, #tpu.memory_space<hbm>> -> memref<10000x128xf32, #tpu.memory_space<hbm>>
      %dma_wait3A_1355 = arith.constant 0 : i32
      %dma_wait3A_1356 = arith.constant 0 : i32
      %dma_wait3A_1357 = tpu.memref_slice %dma_wait3A_1354[%dma_wait3A_1355, %dma_wait3A_1356] : memref<10000x128xf32, #tpu.memory_space<hbm>> -> memref<128x128xf32, #tpu.memory_space<hbm>>
      %dma_wait3A_1358 = arith.constant 0 : i32
      %dma_wait3A_1359 = arith.constant 0 : i32
      %dma_wait3A_1360 = tpu.memref_slice %arg2[%arg0, %dma_wait3A_1358, %dma_wait3A_1359] : memref<2x10000x128xf32, #tpu.memory_space<hbm>> -> memref<1x10000x128xf32, #tpu.memory_space<hbm>>
      %dma_wait3A_1361 = tpu.memref_squeeze %dma_wait3A_1360 : memref<1x10000x128xf32, #tpu.memory_space<hbm>> -> memref<10000x128xf32, #tpu.memory_space<hbm>>
      %dma_wait3A_1362 = arith.constant 0 : i32
      %dma_wait3A_1363 = arith.constant 0 : i32
      %dma_wait3A_1364 = tpu.memref_slice %dma_wait3A_1361[%dma_wait3A_1362, %dma_wait3A_1363] : memref<10000x128xf32, #tpu.memory_space<hbm>> -> memref<128x128xf32, #tpu.memory_space<hbm>>
      tpu.wait_dma2 semaphore(%arg18 : memref<!tpu.dma_semaphore, #tpu.memory_space<semaphore_mem>>) src(%dma_wait3A_1364 : memref<128x128xf32, #tpu.memory_space<hbm>>) dst(%arg11 : memref<128x128xf32, #tpu.memory_space<vmem>>)
      %dma_start3A_1365 = arith.constant 384 : i32
      %dma_start3A_1366 = tpu.memref_slice %arg9[%dma_start3A_1365] : memref<512xi32, #tpu.memory_space<vmem>> -> memref<128xi32, #tpu.memory_space<vmem>>
      %dma_start3A_1367 = arith.constant 0 : i32
      %dma_start3A_1368 = arith.constant 0 : i32
      %dma_start3A_1369 = tpu.memref_slice %arg12[%dma_start3A_1367, %dma_start3A_1368] : memref<10240x128xf32, #tpu.memory_space<vmem_shared>> -> memref<10240x128xf32, #tpu.memory_space<vmem_shared>>
      tpu.enqueue_indirect_dma source(%arg11 : memref<128x128xf32, #tpu.memory_space<vmem>>) target(%dma_start3A_1369 : memref<10240x128xf32, #tpu.memory_space<vmem_shared>>) offsets(%dma_start3A_1366 : memref<128xi32, #tpu.memory_space<vmem>>) semaphore(%arg20 : memref<!tpu.dma_semaphore, #tpu.memory_space<semaphore_mem>>) {add = true}
      %dma_wait3A_1370 = arith.constant 0 : i32
      %dma_wait3A_1371 = tpu.memref_slice %arg3[%dma_wait3A_1370] : memref<327680xi32, #tpu.memory_space<hbm>> -> memref<512xi32, #tpu.memory_space<hbm>>
      %dma_wait3A_1372 = arith.constant 0 : i32
      %dma_wait3A_1373 = tpu.memref_slice %arg3[%dma_wait3A_1372] : memref<327680xi32, #tpu.memory_space<hbm>> -> memref<512xi32, #tpu.memory_space<hbm>>
      tpu.wait_dma2 semaphore(%arg13 : memref<!tpu.dma_semaphore, #tpu.memory_space<semaphore_mem>>) src(%dma_wait3A_1373 : memref<512xi32, #tpu.memory_space<hbm>>) dst(%arg6 : memref<512xi32, #tpu.memory_space<vmem>>)
      %dma_wait3A_1374 = arith.constant 0 : i32
      %dma_wait3A_1375 = arith.constant 0 : i32
      %dma_wait3A_1376 = tpu.memref_slice %arg12[%dma_wait3A_1374, %dma_wait3A_1375] : memref<10240x128xf32, #tpu.memory_space<vmem_shared>> -> memref<128x128xf32, #tpu.memory_space<vmem_shared>>
      %dma_wait3A_1377 = arith.constant 0 : i32
      %dma_wait3A_1378 = arith.constant 0 : i32
      %dma_wait3A_1379 = tpu.memref_slice %arg12[%dma_wait3A_1377, %dma_wait3A_1378] : memref<10240x128xf32, #tpu.memory_space<vmem_shared>> -> memref<128x128xf32, #tpu.memory_space<vmem_shared>>
      tpu.wait_dma2 semaphore(%arg19 : memref<!tpu.dma_semaphore, #tpu.memory_space<semaphore_mem>>) src(%arg10 : memref<128x128xf32, #tpu.memory_space<vmem>>) dst(%dma_wait3A_1379 : memref<128x128xf32, #tpu.memory_space<vmem_shared>>)
      %dma_start3A_1380 = arith.constant 0 : i32
      %dma_start3A_1381 = tpu.memref_slice %arg6[%dma_start3A_1380] : memref<512xi32, #tpu.memory_space<vmem>> -> memref<128xi32, #tpu.memory_space<vmem>>
      %dma_start3A_1382 = arith.constant 0 : i32
      %dma_start3A_1383 = arith.constant 0 : i32
      %dma_start3A_1384 = tpu.memref_slice %arg2[%arg0, %dma_start3A_1382, %dma_start3A_1383] : memref<2x10000x128xf32, #tpu.memory_space<hbm>> -> memref<1x10000x128xf32, #tpu.memory_space<hbm>>
      %dma_start3A_1385 = tpu.memref_squeeze %dma_start3A_1384 : memref<1x10000x128xf32, #tpu.memory_space<hbm>> -> memref<10000x128xf32, #tpu.memory_space<hbm>>
      %dma_start3A_1386 = arith.constant 0 : i32
      %dma_start3A_1387 = arith.constant 0 : i32
      %dma_start3A_1388 = tpu.memref_slice %dma_start3A_1385[%dma_start3A_1386, %dma_start3A_1387] : memref<10000x128xf32, #tpu.memory_space<hbm>> -> memref<10000x128xf32, #tpu.memory_space<hbm>>
      tpu.enqueue_indirect_dma source(%dma_start3A_1388 : memref<10000x128xf32, #tpu.memory_space<hbm>>) target(%arg10 : memref<128x128xf32, #tpu.memory_space<vmem>>) offsets(%dma_start3A_1381 : memref<128xi32, #tpu.memory_space<vmem>>) semaphore(%arg17 : memref<!tpu.dma_semaphore, #tpu.memory_space<semaphore_mem>>)
      %dma_wait3A_1389 = arith.constant 0 : i32
      %dma_wait3A_1390 = arith.constant 0 : i32
      %dma_wait3A_1391 = tpu.memref_slice %arg12[%dma_wait3A_1389, %dma_wait3A_1390] : memref<10240x128xf32, #tpu.memory_space<vmem_shared>> -> memref<128x128xf32, #tpu.memory_space<vmem_shared>>
      %dma_wait3A_1392 = arith.constant 0 : i32
      %dma_wait3A_1393 = arith.constant 0 : i32
      %dma_wait3A_1394 = tpu.memref_slice %arg12[%dma_wait3A_1392, %dma_wait3A_1393] : memref<10240x128xf32, #tpu.memory_space<vmem_shared>> -> memref<128x128xf32, #tpu.memory_space<vmem_shared>>
      tpu.wait_dma2 semaphore(%arg20 : memref<!tpu.dma_semaphore, #tpu.memory_space<semaphore_mem>>) src(%arg11 : memref<128x128xf32, #tpu.memory_space<vmem>>) dst(%dma_wait3A_1394 : memref<128x128xf32, #tpu.memory_space<vmem_shared>>)
      %dma_start3A_1395 = arith.constant 128 : i32
      %dma_start3A_1396 = tpu.memref_slice %arg6[%dma_start3A_1395] : memref<512xi32, #tpu.memory_space<vmem>> -> memref<128xi32, #tpu.memory_space<vmem>>
      %dma_start3A_1397 = arith.constant 0 : i32
      %dma_start3A_1398 = arith.constant 0 : i32
      %dma_start3A_1399 = tpu.memref_slice %arg2[%arg0, %dma_start3A_1397, %dma_start3A_1398] : memref<2x10000x128xf32, #tpu.memory_space<hbm>> -> memref<1x10000x128xf32, #tpu.memory_space<hbm>>
      %dma_start3A_1400 = tpu.memref_squeeze %dma_start3A_1399 : memref<1x10000x128xf32, #tpu.memory_space<hbm>> -> memref<10000x128xf32, #tpu.memory_space<hbm>>
      %dma_start3A_1401 = arith.constant 0 : i32
      %dma_start3A_1402 = arith.constant 0 : i32
      %dma_start3A_1403 = tpu.memref_slice %dma_start3A_1400[%dma_start3A_1401, %dma_start3A_1402] : memref<10000x128xf32, #tpu.memory_space<hbm>> -> memref<10000x128xf32, #tpu.memory_space<hbm>>
      tpu.enqueue_indirect_dma source(%dma_start3A_1403 : memref<10000x128xf32, #tpu.memory_space<hbm>>) target(%arg11 : memref<128x128xf32, #tpu.memory_space<vmem>>) offsets(%dma_start3A_1396 : memref<128xi32, #tpu.memory_space<vmem>>) semaphore(%arg18 : memref<!tpu.dma_semaphore, #tpu.memory_space<semaphore_mem>>)
      %mul3A_1404 = arith.constant 128 : i32
      %mul3A_1405 = arith.muli %add3A_1259, %mul3A_1404 : i32
      %add3A_1406 = arith.addi %mul3A_4, %mul3A_1405 : i32
      %dma_start3A_1407 = tpu.memref_slice %arg3[%add3A_1406] : memref<327680xi32, #tpu.memory_space<hbm>> -> memref<512xi32, #tpu.memory_space<hbm>>
      %dma_start3A_1408 = tpu.memref_slice %arg3[%add3A_1406] : memref<327680xi32, #tpu.memory_space<hbm>> -> memref<512xi32, #tpu.memory_space<hbm>>
      tpu.enqueue_dma source(%dma_start3A_1408 : memref<512xi32, #tpu.memory_space<hbm>>) target(%arg7 : memref<512xi32, #tpu.memory_space<vmem>>) target_semaphore(%arg14 : memref<!tpu.dma_semaphore, #tpu.memory_space<semaphore_mem>>)
      %mul3A_1409 = arith.constant 128 : i32
      %mul3A_1410 = arith.muli %add3A_1259, %mul3A_1409 : i32
      %add3A_1411 = arith.addi %mul3A_4, %mul3A_1410 : i32
      %dma_start3A_1412 = tpu.memref_slice %arg4[%add3A_1411] : memref<327680xi32, #tpu.memory_space<hbm>> -> memref<512xi32, #tpu.memory_space<hbm>>
      %dma_start3A_1413 = tpu.memref_slice %arg4[%add3A_1411] : memref<327680xi32, #tpu.memory_space<hbm>> -> memref<512xi32, #tpu.memory_space<hbm>>
      tpu.enqueue_dma source(%dma_start3A_1413 : memref<512xi32, #tpu.memory_space<hbm>>) target(%arg9 : memref<512xi32, #tpu.memory_space<vmem>>) target_semaphore(%arg16 : memref<!tpu.dma_semaphore, #tpu.memory_space<semaphore_mem>>)
      %scan3A_1414 = arith.constant 0 : i32
      scf.yield %scan3A_1414 : i32
    }
    %scan3A_821 = arith.constant 9 : i32
    %dma_wait3A_822 = arith.constant 0 : i32
    %dma_wait3A_823 = tpu.memref_slice %arg4[%dma_wait3A_822] : memref<327680xi32, #tpu.memory_space<hbm>> -> memref<512xi32, #tpu.memory_space<hbm>>
    %dma_wait3A_824 = arith.constant 0 : i32
    %dma_wait3A_825 = tpu.memref_slice %arg4[%dma_wait3A_824] : memref<327680xi32, #tpu.memory_space<hbm>> -> memref<512xi32, #tpu.memory_space<hbm>>
    tpu.wait_dma2 semaphore(%arg15 : memref<!tpu.dma_semaphore, #tpu.memory_space<semaphore_mem>>) src(%dma_wait3A_825 : memref<512xi32, #tpu.memory_space<hbm>>) dst(%arg8 : memref<512xi32, #tpu.memory_space<vmem>>)
    %dma_wait3A_826 = arith.constant 0 : i32
    %dma_wait3A_827 = arith.constant 0 : i32
    %dma_wait3A_828 = tpu.memref_slice %arg2[%arg0, %dma_wait3A_826, %dma_wait3A_827] : memref<2x10000x128xf32, #tpu.memory_space<hbm>> -> memref<1x10000x128xf32, #tpu.memory_space<hbm>>
    %dma_wait3A_829 = tpu.memref_squeeze %dma_wait3A_828 : memref<1x10000x128xf32, #tpu.memory_space<hbm>> -> memref<10000x128xf32, #tpu.memory_space<hbm>>
    %dma_wait3A_830 = arith.constant 0 : i32
    %dma_wait3A_831 = arith.constant 0 : i32
    %dma_wait3A_832 = tpu.memref_slice %dma_wait3A_829[%dma_wait3A_830, %dma_wait3A_831] : memref<10000x128xf32, #tpu.memory_space<hbm>> -> memref<128x128xf32, #tpu.memory_space<hbm>>
    %dma_wait3A_833 = arith.constant 0 : i32
    %dma_wait3A_834 = arith.constant 0 : i32
    %dma_wait3A_835 = tpu.memref_slice %arg2[%arg0, %dma_wait3A_833, %dma_wait3A_834] : memref<2x10000x128xf32, #tpu.memory_space<hbm>> -> memref<1x10000x128xf32, #tpu.memory_space<hbm>>
    %dma_wait3A_836 = tpu.memref_squeeze %dma_wait3A_835 : memref<1x10000x128xf32, #tpu.memory_space<hbm>> -> memref<10000x128xf32, #tpu.memory_space<hbm>>
    %dma_wait3A_837 = arith.constant 0 : i32
    %dma_wait3A_838 = arith.constant 0 : i32
    %dma_wait3A_839 = tpu.memref_slice %dma_wait3A_836[%dma_wait3A_837, %dma_wait3A_838] : memref<10000x128xf32, #tpu.memory_space<hbm>> -> memref<128x128xf32, #tpu.memory_space<hbm>>
    tpu.wait_dma2 semaphore(%arg17 : memref<!tpu.dma_semaphore, #tpu.memory_space<semaphore_mem>>) src(%dma_wait3A_839 : memref<128x128xf32, #tpu.memory_space<hbm>>) dst(%arg10 : memref<128x128xf32, #tpu.memory_space<vmem>>)
    %dma_start3A_840 = arith.constant 0 : i32
    %dma_start3A_841 = tpu.memref_slice %arg8[%dma_start3A_840] : memref<512xi32, #tpu.memory_space<vmem>> -> memref<128xi32, #tpu.memory_space<vmem>>
    %dma_start3A_842 = arith.constant 0 : i32
    %dma_start3A_843 = arith.constant 0 : i32
    %dma_start3A_844 = tpu.memref_slice %arg12[%dma_start3A_842, %dma_start3A_843] : memref<10240x128xf32, #tpu.memory_space<vmem_shared>> -> memref<10240x128xf32, #tpu.memory_space<vmem_shared>>
    tpu.enqueue_indirect_dma source(%arg10 : memref<128x128xf32, #tpu.memory_space<vmem>>) target(%dma_start3A_844 : memref<10240x128xf32, #tpu.memory_space<vmem_shared>>) offsets(%dma_start3A_841 : memref<128xi32, #tpu.memory_space<vmem>>) semaphore(%arg19 : memref<!tpu.dma_semaphore, #tpu.memory_space<semaphore_mem>>) {add = true}
    %dma_wait3A_845 = arith.constant 0 : i32
    %dma_wait3A_846 = arith.constant 0 : i32
    %dma_wait3A_847 = tpu.memref_slice %arg2[%arg0, %dma_wait3A_845, %dma_wait3A_846] : memref<2x10000x128xf32, #tpu.memory_space<hbm>> -> memref<1x10000x128xf32, #tpu.memory_space<hbm>>
    %dma_wait3A_848 = tpu.memref_squeeze %dma_wait3A_847 : memref<1x10000x128xf32, #tpu.memory_space<hbm>> -> memref<10000x128xf32, #tpu.memory_space<hbm>>
    %dma_wait3A_849 = arith.constant 0 : i32
    %dma_wait3A_850 = arith.constant 0 : i32
    %dma_wait3A_851 = tpu.memref_slice %dma_wait3A_848[%dma_wait3A_849, %dma_wait3A_850] : memref<10000x128xf32, #tpu.memory_space<hbm>> -> memref<128x128xf32, #tpu.memory_space<hbm>>
    %dma_wait3A_852 = arith.constant 0 : i32
    %dma_wait3A_853 = arith.constant 0 : i32
    %dma_wait3A_854 = tpu.memref_slice %arg2[%arg0, %dma_wait3A_852, %dma_wait3A_853] : memref<2x10000x128xf32, #tpu.memory_space<hbm>> -> memref<1x10000x128xf32, #tpu.memory_space<hbm>>
    %dma_wait3A_855 = tpu.memref_squeeze %dma_wait3A_854 : memref<1x10000x128xf32, #tpu.memory_space<hbm>> -> memref<10000x128xf32, #tpu.memory_space<hbm>>
    %dma_wait3A_856 = arith.constant 0 : i32
    %dma_wait3A_857 = arith.constant 0 : i32
    %dma_wait3A_858 = tpu.memref_slice %dma_wait3A_855[%dma_wait3A_856, %dma_wait3A_857] : memref<10000x128xf32, #tpu.memory_space<hbm>> -> memref<128x128xf32, #tpu.memory_space<hbm>>
    tpu.wait_dma2 semaphore(%arg18 : memref<!tpu.dma_semaphore, #tpu.memory_space<semaphore_mem>>) src(%dma_wait3A_858 : memref<128x128xf32, #tpu.memory_space<hbm>>) dst(%arg11 : memref<128x128xf32, #tpu.memory_space<vmem>>)
    %dma_start3A_859 = arith.constant 128 : i32
    %dma_start3A_860 = tpu.memref_slice %arg8[%dma_start3A_859] : memref<512xi32, #tpu.memory_space<vmem>> -> memref<128xi32, #tpu.memory_space<vmem>>
    %dma_start3A_861 = arith.constant 0 : i32
    %dma_start3A_862 = arith.constant 0 : i32
    %dma_start3A_863 = tpu.memref_slice %arg12[%dma_start3A_861, %dma_start3A_862] : memref<10240x128xf32, #tpu.memory_space<vmem_shared>> -> memref<10240x128xf32, #tpu.memory_space<vmem_shared>>
    tpu.enqueue_indirect_dma source(%arg11 : memref<128x128xf32, #tpu.memory_space<vmem>>) target(%dma_start3A_863 : memref<10240x128xf32, #tpu.memory_space<vmem_shared>>) offsets(%dma_start3A_860 : memref<128xi32, #tpu.memory_space<vmem>>) semaphore(%arg20 : memref<!tpu.dma_semaphore, #tpu.memory_space<semaphore_mem>>) {add = true}
    %dma_wait3A_864 = arith.constant 0 : i32
    %dma_wait3A_865 = arith.constant 0 : i32
    %dma_wait3A_866 = tpu.memref_slice %arg12[%dma_wait3A_864, %dma_wait3A_865] : memref<10240x128xf32, #tpu.memory_space<vmem_shared>> -> memref<128x128xf32, #tpu.memory_space<vmem_shared>>
    %dma_wait3A_867 = arith.constant 0 : i32
    %dma_wait3A_868 = arith.constant 0 : i32
    %dma_wait3A_869 = tpu.memref_slice %arg12[%dma_wait3A_867, %dma_wait3A_868] : memref<10240x128xf32, #tpu.memory_space<vmem_shared>> -> memref<128x128xf32, #tpu.memory_space<vmem_shared>>
    tpu.wait_dma2 semaphore(%arg19 : memref<!tpu.dma_semaphore, #tpu.memory_space<semaphore_mem>>) src(%arg10 : memref<128x128xf32, #tpu.memory_space<vmem>>) dst(%dma_wait3A_869 : memref<128x128xf32, #tpu.memory_space<vmem_shared>>)
    %dma_start3A_870 = arith.constant 256 : i32
    %dma_start3A_871 = tpu.memref_slice %arg6[%dma_start3A_870] : memref<512xi32, #tpu.memory_space<vmem>> -> memref<128xi32, #tpu.memory_space<vmem>>
    %dma_start3A_872 = arith.constant 0 : i32
    %dma_start3A_873 = arith.constant 0 : i32
    %dma_start3A_874 = tpu.memref_slice %arg2[%arg0, %dma_start3A_872, %dma_start3A_873] : memref<2x10000x128xf32, #tpu.memory_space<hbm>> -> memref<1x10000x128xf32, #tpu.memory_space<hbm>>
    %dma_start3A_875 = tpu.memref_squeeze %dma_start3A_874 : memref<1x10000x128xf32, #tpu.memory_space<hbm>> -> memref<10000x128xf32, #tpu.memory_space<hbm>>
    %dma_start3A_876 = arith.constant 0 : i32
    %dma_start3A_877 = arith.constant 0 : i32
    %dma_start3A_878 = tpu.memref_slice %dma_start3A_875[%dma_start3A_876, %dma_start3A_877] : memref<10000x128xf32, #tpu.memory_space<hbm>> -> memref<10000x128xf32, #tpu.memory_space<hbm>>
    tpu.enqueue_indirect_dma source(%dma_start3A_878 : memref<10000x128xf32, #tpu.memory_space<hbm>>) target(%arg10 : memref<128x128xf32, #tpu.memory_space<vmem>>) offsets(%dma_start3A_871 : memref<128xi32, #tpu.memory_space<vmem>>) semaphore(%arg17 : memref<!tpu.dma_semaphore, #tpu.memory_space<semaphore_mem>>)
    %dma_wait3A_879 = arith.constant 0 : i32
    %dma_wait3A_880 = arith.constant 0 : i32
    %dma_wait3A_881 = tpu.memref_slice %arg12[%dma_wait3A_879, %dma_wait3A_880] : memref<10240x128xf32, #tpu.memory_space<vmem_shared>> -> memref<128x128xf32, #tpu.memory_space<vmem_shared>>
    %dma_wait3A_882 = arith.constant 0 : i32
    %dma_wait3A_883 = arith.constant 0 : i32
    %dma_wait3A_884 = tpu.memref_slice %arg12[%dma_wait3A_882, %dma_wait3A_883] : memref<10240x128xf32, #tpu.memory_space<vmem_shared>> -> memref<128x128xf32, #tpu.memory_space<vmem_shared>>
    tpu.wait_dma2 semaphore(%arg20 : memref<!tpu.dma_semaphore, #tpu.memory_space<semaphore_mem>>) src(%arg11 : memref<128x128xf32, #tpu.memory_space<vmem>>) dst(%dma_wait3A_884 : memref<128x128xf32, #tpu.memory_space<vmem_shared>>)
    %dma_start3A_885 = arith.constant 384 : i32
    %dma_start3A_886 = tpu.memref_slice %arg6[%dma_start3A_885] : memref<512xi32, #tpu.memory_space<vmem>> -> memref<128xi32, #tpu.memory_space<vmem>>
    %dma_start3A_887 = arith.constant 0 : i32
    %dma_start3A_888 = arith.constant 0 : i32
    %dma_start3A_889 = tpu.memref_slice %arg2[%arg0, %dma_start3A_887, %dma_start3A_888] : memref<2x10000x128xf32, #tpu.memory_space<hbm>> -> memref<1x10000x128xf32, #tpu.memory_space<hbm>>
    %dma_start3A_890 = tpu.memref_squeeze %dma_start3A_889 : memref<1x10000x128xf32, #tpu.memory_space<hbm>> -> memref<10000x128xf32, #tpu.memory_space<hbm>>
    %dma_start3A_891 = arith.constant 0 : i32
    %dma_start3A_892 = arith.constant 0 : i32
    %dma_start3A_893 = tpu.memref_slice %dma_start3A_890[%dma_start3A_891, %dma_start3A_892] : memref<10000x128xf32, #tpu.memory_space<hbm>> -> memref<10000x128xf32, #tpu.memory_space<hbm>>
    tpu.enqueue_indirect_dma source(%dma_start3A_893 : memref<10000x128xf32, #tpu.memory_space<hbm>>) target(%arg11 : memref<128x128xf32, #tpu.memory_space<vmem>>) offsets(%dma_start3A_886 : memref<128xi32, #tpu.memory_space<vmem>>) semaphore(%arg18 : memref<!tpu.dma_semaphore, #tpu.memory_space<semaphore_mem>>)
    %dma_wait3A_894 = arith.constant 0 : i32
    %dma_wait3A_895 = arith.constant 0 : i32
    %dma_wait3A_896 = tpu.memref_slice %arg2[%arg0, %dma_wait3A_894, %dma_wait3A_895] : memref<2x10000x128xf32, #tpu.memory_space<hbm>> -> memref<1x10000x128xf32, #tpu.memory_space<hbm>>
    %dma_wait3A_897 = tpu.memref_squeeze %dma_wait3A_896 : memref<1x10000x128xf32, #tpu.memory_space<hbm>> -> memref<10000x128xf32, #tpu.memory_space<hbm>>
    %dma_wait3A_898 = arith.constant 0 : i32
    %dma_wait3A_899 = arith.constant 0 : i32
    %dma_wait3A_900 = tpu.memref_slice %dma_wait3A_897[%dma_wait3A_898, %dma_wait3A_899] : memref<10000x128xf32, #tpu.memory_space<hbm>> -> memref<128x128xf32, #tpu.memory_space<hbm>>
    %dma_wait3A_901 = arith.constant 0 : i32
    %dma_wait3A_902 = arith.constant 0 : i32
    %dma_wait3A_903 = tpu.memref_slice %arg2[%arg0, %dma_wait3A_901, %dma_wait3A_902] : memref<2x10000x128xf32, #tpu.memory_space<hbm>> -> memref<1x10000x128xf32, #tpu.memory_space<hbm>>
    %dma_wait3A_904 = tpu.memref_squeeze %dma_wait3A_903 : memref<1x10000x128xf32, #tpu.memory_space<hbm>> -> memref<10000x128xf32, #tpu.memory_space<hbm>>
    %dma_wait3A_905 = arith.constant 0 : i32
    %dma_wait3A_906 = arith.constant 0 : i32
    %dma_wait3A_907 = tpu.memref_slice %dma_wait3A_904[%dma_wait3A_905, %dma_wait3A_906] : memref<10000x128xf32, #tpu.memory_space<hbm>> -> memref<128x128xf32, #tpu.memory_space<hbm>>
    tpu.wait_dma2 semaphore(%arg17 : memref<!tpu.dma_semaphore, #tpu.memory_space<semaphore_mem>>) src(%dma_wait3A_907 : memref<128x128xf32, #tpu.memory_space<hbm>>) dst(%arg10 : memref<128x128xf32, #tpu.memory_space<vmem>>)
    %dma_start3A_908 = arith.constant 256 : i32
    %dma_start3A_909 = tpu.memref_slice %arg8[%dma_start3A_908] : memref<512xi32, #tpu.memory_space<vmem>> -> memref<128xi32, #tpu.memory_space<vmem>>
    %dma_start3A_910 = arith.constant 0 : i32
    %dma_start3A_911 = arith.constant 0 : i32
    %dma_start3A_912 = tpu.memref_slice %arg12[%dma_start3A_910, %dma_start3A_911] : memref<10240x128xf32, #tpu.memory_space<vmem_shared>> -> memref<10240x128xf32, #tpu.memory_space<vmem_shared>>
    tpu.enqueue_indirect_dma source(%arg10 : memref<128x128xf32, #tpu.memory_space<vmem>>) target(%dma_start3A_912 : memref<10240x128xf32, #tpu.memory_space<vmem_shared>>) offsets(%dma_start3A_909 : memref<128xi32, #tpu.memory_space<vmem>>) semaphore(%arg19 : memref<!tpu.dma_semaphore, #tpu.memory_space<semaphore_mem>>) {add = true}
    %dma_wait3A_913 = arith.constant 0 : i32
    %dma_wait3A_914 = arith.constant 0 : i32
    %dma_wait3A_915 = tpu.memref_slice %arg2[%arg0, %dma_wait3A_913, %dma_wait3A_914] : memref<2x10000x128xf32, #tpu.memory_space<hbm>> -> memref<1x10000x128xf32, #tpu.memory_space<hbm>>
    %dma_wait3A_916 = tpu.memref_squeeze %dma_wait3A_915 : memref<1x10000x128xf32, #tpu.memory_space<hbm>> -> memref<10000x128xf32, #tpu.memory_space<hbm>>
    %dma_wait3A_917 = arith.constant 0 : i32
    %dma_wait3A_918 = arith.constant 0 : i32
    %dma_wait3A_919 = tpu.memref_slice %dma_wait3A_916[%dma_wait3A_917, %dma_wait3A_918] : memref<10000x128xf32, #tpu.memory_space<hbm>> -> memref<128x128xf32, #tpu.memory_space<hbm>>
    %dma_wait3A_920 = arith.constant 0 : i32
    %dma_wait3A_921 = arith.constant 0 : i32
    %dma_wait3A_922 = tpu.memref_slice %arg2[%arg0, %dma_wait3A_920, %dma_wait3A_921] : memref<2x10000x128xf32, #tpu.memory_space<hbm>> -> memref<1x10000x128xf32, #tpu.memory_space<hbm>>
    %dma_wait3A_923 = tpu.memref_squeeze %dma_wait3A_922 : memref<1x10000x128xf32, #tpu.memory_space<hbm>> -> memref<10000x128xf32, #tpu.memory_space<hbm>>
    %dma_wait3A_924 = arith.constant 0 : i32
    %dma_wait3A_925 = arith.constant 0 : i32
    %dma_wait3A_926 = tpu.memref_slice %dma_wait3A_923[%dma_wait3A_924, %dma_wait3A_925] : memref<10000x128xf32, #tpu.memory_space<hbm>> -> memref<128x128xf32, #tpu.memory_space<hbm>>
    tpu.wait_dma2 semaphore(%arg18 : memref<!tpu.dma_semaphore, #tpu.memory_space<semaphore_mem>>) src(%dma_wait3A_926 : memref<128x128xf32, #tpu.memory_space<hbm>>) dst(%arg11 : memref<128x128xf32, #tpu.memory_space<vmem>>)
    %dma_start3A_927 = arith.constant 384 : i32
    %dma_start3A_928 = tpu.memref_slice %arg8[%dma_start3A_927] : memref<512xi32, #tpu.memory_space<vmem>> -> memref<128xi32, #tpu.memory_space<vmem>>
    %dma_start3A_929 = arith.constant 0 : i32
    %dma_start3A_930 = arith.constant 0 : i32
    %dma_start3A_931 = tpu.memref_slice %arg12[%dma_start3A_929, %dma_start3A_930] : memref<10240x128xf32, #tpu.memory_space<vmem_shared>> -> memref<10240x128xf32, #tpu.memory_space<vmem_shared>>
    tpu.enqueue_indirect_dma source(%arg11 : memref<128x128xf32, #tpu.memory_space<vmem>>) target(%dma_start3A_931 : memref<10240x128xf32, #tpu.memory_space<vmem_shared>>) offsets(%dma_start3A_928 : memref<128xi32, #tpu.memory_space<vmem>>) semaphore(%arg20 : memref<!tpu.dma_semaphore, #tpu.memory_space<semaphore_mem>>) {add = true}
    %dma_wait3A_932 = arith.constant 0 : i32
    %dma_wait3A_933 = tpu.memref_slice %arg3[%dma_wait3A_932] : memref<327680xi32, #tpu.memory_space<hbm>> -> memref<512xi32, #tpu.memory_space<hbm>>
    %dma_wait3A_934 = arith.constant 0 : i32
    %dma_wait3A_935 = tpu.memref_slice %arg3[%dma_wait3A_934] : memref<327680xi32, #tpu.memory_space<hbm>> -> memref<512xi32, #tpu.memory_space<hbm>>
    tpu.wait_dma2 semaphore(%arg14 : memref<!tpu.dma_semaphore, #tpu.memory_space<semaphore_mem>>) src(%dma_wait3A_935 : memref<512xi32, #tpu.memory_space<hbm>>) dst(%arg7 : memref<512xi32, #tpu.memory_space<vmem>>)
    %dma_wait3A_936 = arith.constant 0 : i32
    %dma_wait3A_937 = arith.constant 0 : i32
    %dma_wait3A_938 = tpu.memref_slice %arg12[%dma_wait3A_936, %dma_wait3A_937] : memref<10240x128xf32, #tpu.memory_space<vmem_shared>> -> memref<128x128xf32, #tpu.memory_space<vmem_shared>>
    %dma_wait3A_939 = arith.constant 0 : i32
    %dma_wait3A_940 = arith.constant 0 : i32
    %dma_wait3A_941 = tpu.memref_slice %arg12[%dma_wait3A_939, %dma_wait3A_940] : memref<10240x128xf32, #tpu.memory_space<vmem_shared>> -> memref<128x128xf32, #tpu.memory_space<vmem_shared>>
    tpu.wait_dma2 semaphore(%arg19 : memref<!tpu.dma_semaphore, #tpu.memory_space<semaphore_mem>>) src(%arg10 : memref<128x128xf32, #tpu.memory_space<vmem>>) dst(%dma_wait3A_941 : memref<128x128xf32, #tpu.memory_space<vmem_shared>>)
    %dma_start3A_942 = arith.constant 0 : i32
    %dma_start3A_943 = tpu.memref_slice %arg7[%dma_start3A_942] : memref<512xi32, #tpu.memory_space<vmem>> -> memref<128xi32, #tpu.memory_space<vmem>>
    %dma_start3A_944 = arith.constant 0 : i32
    %dma_start3A_945 = arith.constant 0 : i32
    %dma_start3A_946 = tpu.memref_slice %arg2[%arg0, %dma_start3A_944, %dma_start3A_945] : memref<2x10000x128xf32, #tpu.memory_space<hbm>> -> memref<1x10000x128xf32, #tpu.memory_space<hbm>>
    %dma_start3A_947 = tpu.memref_squeeze %dma_start3A_946 : memref<1x10000x128xf32, #tpu.memory_space<hbm>> -> memref<10000x128xf32, #tpu.memory_space<hbm>>
    %dma_start3A_948 = arith.constant 0 : i32
    %dma_start3A_949 = arith.constant 0 : i32
    %dma_start3A_950 = tpu.memref_slice %dma_start3A_947[%dma_start3A_948, %dma_start3A_949] : memref<10000x128xf32, #tpu.memory_space<hbm>> -> memref<10000x128xf32, #tpu.memory_space<hbm>>
    tpu.enqueue_indirect_dma source(%dma_start3A_950 : memref<10000x128xf32, #tpu.memory_space<hbm>>) target(%arg10 : memref<128x128xf32, #tpu.memory_space<vmem>>) offsets(%dma_start3A_943 : memref<128xi32, #tpu.memory_space<vmem>>) semaphore(%arg17 : memref<!tpu.dma_semaphore, #tpu.memory_space<semaphore_mem>>)
    %dma_wait3A_951 = arith.constant 0 : i32
    %dma_wait3A_952 = arith.constant 0 : i32
    %dma_wait3A_953 = tpu.memref_slice %arg12[%dma_wait3A_951, %dma_wait3A_952] : memref<10240x128xf32, #tpu.memory_space<vmem_shared>> -> memref<128x128xf32, #tpu.memory_space<vmem_shared>>
    %dma_wait3A_954 = arith.constant 0 : i32
    %dma_wait3A_955 = arith.constant 0 : i32
    %dma_wait3A_956 = tpu.memref_slice %arg12[%dma_wait3A_954, %dma_wait3A_955] : memref<10240x128xf32, #tpu.memory_space<vmem_shared>> -> memref<128x128xf32, #tpu.memory_space<vmem_shared>>
    tpu.wait_dma2 semaphore(%arg20 : memref<!tpu.dma_semaphore, #tpu.memory_space<semaphore_mem>>) src(%arg11 : memref<128x128xf32, #tpu.memory_space<vmem>>) dst(%dma_wait3A_956 : memref<128x128xf32, #tpu.memory_space<vmem_shared>>)
    %dma_start3A_957 = arith.constant 128 : i32
    %dma_start3A_958 = tpu.memref_slice %arg7[%dma_start3A_957] : memref<512xi32, #tpu.memory_space<vmem>> -> memref<128xi32, #tpu.memory_space<vmem>>
    %dma_start3A_959 = arith.constant 0 : i32
    %dma_start3A_960 = arith.constant 0 : i32
    %dma_start3A_961 = tpu.memref_slice %arg2[%arg0, %dma_start3A_959, %dma_start3A_960] : memref<2x10000x128xf32, #tpu.memory_space<hbm>> -> memref<1x10000x128xf32, #tpu.memory_space<hbm>>
    %dma_start3A_962 = tpu.memref_squeeze %dma_start3A_961 : memref<1x10000x128xf32, #tpu.memory_space<hbm>> -> memref<10000x128xf32, #tpu.memory_space<hbm>>
    %dma_start3A_963 = arith.constant 0 : i32
    %dma_start3A_964 = arith.constant 0 : i32
    %dma_start3A_965 = tpu.memref_slice %dma_start3A_962[%dma_start3A_963, %dma_start3A_964] : memref<10000x128xf32, #tpu.memory_space<hbm>> -> memref<10000x128xf32, #tpu.memory_space<hbm>>
    tpu.enqueue_indirect_dma source(%dma_start3A_965 : memref<10000x128xf32, #tpu.memory_space<hbm>>) target(%arg11 : memref<128x128xf32, #tpu.memory_space<vmem>>) offsets(%dma_start3A_958 : memref<128xi32, #tpu.memory_space<vmem>>) semaphore(%arg18 : memref<!tpu.dma_semaphore, #tpu.memory_space<semaphore_mem>>)
    %dma_wait3A_966 = arith.constant 0 : i32
    %dma_wait3A_967 = tpu.memref_slice %arg4[%dma_wait3A_966] : memref<327680xi32, #tpu.memory_space<hbm>> -> memref<512xi32, #tpu.memory_space<hbm>>
    %dma_wait3A_968 = arith.constant 0 : i32
    %dma_wait3A_969 = tpu.memref_slice %arg4[%dma_wait3A_968] : memref<327680xi32, #tpu.memory_space<hbm>> -> memref<512xi32, #tpu.memory_space<hbm>>
    tpu.wait_dma2 semaphore(%arg16 : memref<!tpu.dma_semaphore, #tpu.memory_space<semaphore_mem>>) src(%dma_wait3A_969 : memref<512xi32, #tpu.memory_space<hbm>>) dst(%arg9 : memref<512xi32, #tpu.memory_space<vmem>>)
    %dma_wait3A_970 = arith.constant 0 : i32
    %dma_wait3A_971 = arith.constant 0 : i32
    %dma_wait3A_972 = tpu.memref_slice %arg2[%arg0, %dma_wait3A_970, %dma_wait3A_971] : memref<2x10000x128xf32, #tpu.memory_space<hbm>> -> memref<1x10000x128xf32, #tpu.memory_space<hbm>>
    %dma_wait3A_973 = tpu.memref_squeeze %dma_wait3A_972 : memref<1x10000x128xf32, #tpu.memory_space<hbm>> -> memref<10000x128xf32, #tpu.memory_space<hbm>>
    %dma_wait3A_974 = arith.constant 0 : i32
    %dma_wait3A_975 = arith.constant 0 : i32
    %dma_wait3A_976 = tpu.memref_slice %dma_wait3A_973[%dma_wait3A_974, %dma_wait3A_975] : memref<10000x128xf32, #tpu.memory_space<hbm>> -> memref<128x128xf32, #tpu.memory_space<hbm>>
    %dma_wait3A_977 = arith.constant 0 : i32
    %dma_wait3A_978 = arith.constant 0 : i32
    %dma_wait3A_979 = tpu.memref_slice %arg2[%arg0, %dma_wait3A_977, %dma_wait3A_978] : memref<2x10000x128xf32, #tpu.memory_space<hbm>> -> memref<1x10000x128xf32, #tpu.memory_space<hbm>>
    %dma_wait3A_980 = tpu.memref_squeeze %dma_wait3A_979 : memref<1x10000x128xf32, #tpu.memory_space<hbm>> -> memref<10000x128xf32, #tpu.memory_space<hbm>>
    %dma_wait3A_981 = arith.constant 0 : i32
    %dma_wait3A_982 = arith.constant 0 : i32
    %dma_wait3A_983 = tpu.memref_slice %dma_wait3A_980[%dma_wait3A_981, %dma_wait3A_982] : memref<10000x128xf32, #tpu.memory_space<hbm>> -> memref<128x128xf32, #tpu.memory_space<hbm>>
    tpu.wait_dma2 semaphore(%arg17 : memref<!tpu.dma_semaphore, #tpu.memory_space<semaphore_mem>>) src(%dma_wait3A_983 : memref<128x128xf32, #tpu.memory_space<hbm>>) dst(%arg10 : memref<128x128xf32, #tpu.memory_space<vmem>>)
    %dma_start3A_984 = arith.constant 0 : i32
    %dma_start3A_985 = tpu.memref_slice %arg9[%dma_start3A_984] : memref<512xi32, #tpu.memory_space<vmem>> -> memref<128xi32, #tpu.memory_space<vmem>>
    %dma_start3A_986 = arith.constant 0 : i32
    %dma_start3A_987 = arith.constant 0 : i32
    %dma_start3A_988 = tpu.memref_slice %arg12[%dma_start3A_986, %dma_start3A_987] : memref<10240x128xf32, #tpu.memory_space<vmem_shared>> -> memref<10240x128xf32, #tpu.memory_space<vmem_shared>>
    tpu.enqueue_indirect_dma source(%arg10 : memref<128x128xf32, #tpu.memory_space<vmem>>) target(%dma_start3A_988 : memref<10240x128xf32, #tpu.memory_space<vmem_shared>>) offsets(%dma_start3A_985 : memref<128xi32, #tpu.memory_space<vmem>>) semaphore(%arg19 : memref<!tpu.dma_semaphore, #tpu.memory_space<semaphore_mem>>) {add = true}
    %dma_wait3A_989 = arith.constant 0 : i32
    %dma_wait3A_990 = arith.constant 0 : i32
    %dma_wait3A_991 = tpu.memref_slice %arg2[%arg0, %dma_wait3A_989, %dma_wait3A_990] : memref<2x10000x128xf32, #tpu.memory_space<hbm>> -> memref<1x10000x128xf32, #tpu.memory_space<hbm>>
    %dma_wait3A_992 = tpu.memref_squeeze %dma_wait3A_991 : memref<1x10000x128xf32, #tpu.memory_space<hbm>> -> memref<10000x128xf32, #tpu.memory_space<hbm>>
    %dma_wait3A_993 = arith.constant 0 : i32
    %dma_wait3A_994 = arith.constant 0 : i32
    %dma_wait3A_995 = tpu.memref_slice %dma_wait3A_992[%dma_wait3A_993, %dma_wait3A_994] : memref<10000x128xf32, #tpu.memory_space<hbm>> -> memref<128x128xf32, #tpu.memory_space<hbm>>
    %dma_wait3A_996 = arith.constant 0 : i32
    %dma_wait3A_997 = arith.constant 0 : i32
    %dma_wait3A_998 = tpu.memref_slice %arg2[%arg0, %dma_wait3A_996, %dma_wait3A_997] : memref<2x10000x128xf32, #tpu.memory_space<hbm>> -> memref<1x10000x128xf32, #tpu.memory_space<hbm>>
    %dma_wait3A_999 = tpu.memref_squeeze %dma_wait3A_998 : memref<1x10000x128xf32, #tpu.memory_space<hbm>> -> memref<10000x128xf32, #tpu.memory_space<hbm>>
    %dma_wait3A_1000 = arith.constant 0 : i32
    %dma_wait3A_1001 = arith.constant 0 : i32
    %dma_wait3A_1002 = tpu.memref_slice %dma_wait3A_999[%dma_wait3A_1000, %dma_wait3A_1001] : memref<10000x128xf32, #tpu.memory_space<hbm>> -> memref<128x128xf32, #tpu.memory_space<hbm>>
    tpu.wait_dma2 semaphore(%arg18 : memref<!tpu.dma_semaphore, #tpu.memory_space<semaphore_mem>>) src(%dma_wait3A_1002 : memref<128x128xf32, #tpu.memory_space<hbm>>) dst(%arg11 : memref<128x128xf32, #tpu.memory_space<vmem>>)
    %dma_start3A_1003 = arith.constant 128 : i32
    %dma_start3A_1004 = tpu.memref_slice %arg9[%dma_start3A_1003] : memref<512xi32, #tpu.memory_space<vmem>> -> memref<128xi32, #tpu.memory_space<vmem>>
    %dma_start3A_1005 = arith.constant 0 : i32
    %dma_start3A_1006 = arith.constant 0 : i32
    %dma_start3A_1007 = tpu.memref_slice %arg12[%dma_start3A_1005, %dma_start3A_1006] : memref<10240x128xf32, #tpu.memory_space<vmem_shared>> -> memref<10240x128xf32, #tpu.memory_space<vmem_shared>>
    tpu.enqueue_indirect_dma source(%arg11 : memref<128x128xf32, #tpu.memory_space<vmem>>) target(%dma_start3A_1007 : memref<10240x128xf32, #tpu.memory_space<vmem_shared>>) offsets(%dma_start3A_1004 : memref<128xi32, #tpu.memory_space<vmem>>) semaphore(%arg20 : memref<!tpu.dma_semaphore, #tpu.memory_space<semaphore_mem>>) {add = true}
    %dma_wait3A_1008 = arith.constant 0 : i32
    %dma_wait3A_1009 = arith.constant 0 : i32
    %dma_wait3A_1010 = tpu.memref_slice %arg12[%dma_wait3A_1008, %dma_wait3A_1009] : memref<10240x128xf32, #tpu.memory_space<vmem_shared>> -> memref<128x128xf32, #tpu.memory_space<vmem_shared>>
    %dma_wait3A_1011 = arith.constant 0 : i32
    %dma_wait3A_1012 = arith.constant 0 : i32
    %dma_wait3A_1013 = tpu.memref_slice %arg12[%dma_wait3A_1011, %dma_wait3A_1012] : memref<10240x128xf32, #tpu.memory_space<vmem_shared>> -> memref<128x128xf32, #tpu.memory_space<vmem_shared>>
    tpu.wait_dma2 semaphore(%arg19 : memref<!tpu.dma_semaphore, #tpu.memory_space<semaphore_mem>>) src(%arg10 : memref<128x128xf32, #tpu.memory_space<vmem>>) dst(%dma_wait3A_1013 : memref<128x128xf32, #tpu.memory_space<vmem_shared>>)
    %dma_start3A_1014 = arith.constant 256 : i32
    %dma_start3A_1015 = tpu.memref_slice %arg7[%dma_start3A_1014] : memref<512xi32, #tpu.memory_space<vmem>> -> memref<128xi32, #tpu.memory_space<vmem>>
    %dma_start3A_1016 = arith.constant 0 : i32
    %dma_start3A_1017 = arith.constant 0 : i32
    %dma_start3A_1018 = tpu.memref_slice %arg2[%arg0, %dma_start3A_1016, %dma_start3A_1017] : memref<2x10000x128xf32, #tpu.memory_space<hbm>> -> memref<1x10000x128xf32, #tpu.memory_space<hbm>>
    %dma_start3A_1019 = tpu.memref_squeeze %dma_start3A_1018 : memref<1x10000x128xf32, #tpu.memory_space<hbm>> -> memref<10000x128xf32, #tpu.memory_space<hbm>>
    %dma_start3A_1020 = arith.constant 0 : i32
    %dma_start3A_1021 = arith.constant 0 : i32
    %dma_start3A_1022 = tpu.memref_slice %dma_start3A_1019[%dma_start3A_1020, %dma_start3A_1021] : memref<10000x128xf32, #tpu.memory_space<hbm>> -> memref<10000x128xf32, #tpu.memory_space<hbm>>
    tpu.enqueue_indirect_dma source(%dma_start3A_1022 : memref<10000x128xf32, #tpu.memory_space<hbm>>) target(%arg10 : memref<128x128xf32, #tpu.memory_space<vmem>>) offsets(%dma_start3A_1015 : memref<128xi32, #tpu.memory_space<vmem>>) semaphore(%arg17 : memref<!tpu.dma_semaphore, #tpu.memory_space<semaphore_mem>>)
    %dma_wait3A_1023 = arith.constant 0 : i32
    %dma_wait3A_1024 = arith.constant 0 : i32
    %dma_wait3A_1025 = tpu.memref_slice %arg12[%dma_wait3A_1023, %dma_wait3A_1024] : memref<10240x128xf32, #tpu.memory_space<vmem_shared>> -> memref<128x128xf32, #tpu.memory_space<vmem_shared>>
    %dma_wait3A_1026 = arith.constant 0 : i32
    %dma_wait3A_1027 = arith.constant 0 : i32
    %dma_wait3A_1028 = tpu.memref_slice %arg12[%dma_wait3A_1026, %dma_wait3A_1027] : memref<10240x128xf32, #tpu.memory_space<vmem_shared>> -> memref<128x128xf32, #tpu.memory_space<vmem_shared>>
    tpu.wait_dma2 semaphore(%arg20 : memref<!tpu.dma_semaphore, #tpu.memory_space<semaphore_mem>>) src(%arg11 : memref<128x128xf32, #tpu.memory_space<vmem>>) dst(%dma_wait3A_1028 : memref<128x128xf32, #tpu.memory_space<vmem_shared>>)
    %dma_start3A_1029 = arith.constant 384 : i32
    %dma_start3A_1030 = tpu.memref_slice %arg7[%dma_start3A_1029] : memref<512xi32, #tpu.memory_space<vmem>> -> memref<128xi32, #tpu.memory_space<vmem>>
    %dma_start3A_1031 = arith.constant 0 : i32
    %dma_start3A_1032 = arith.constant 0 : i32
    %dma_start3A_1033 = tpu.memref_slice %arg2[%arg0, %dma_start3A_1031, %dma_start3A_1032] : memref<2x10000x128xf32, #tpu.memory_space<hbm>> -> memref<1x10000x128xf32, #tpu.memory_space<hbm>>
    %dma_start3A_1034 = tpu.memref_squeeze %dma_start3A_1033 : memref<1x10000x128xf32, #tpu.memory_space<hbm>> -> memref<10000x128xf32, #tpu.memory_space<hbm>>
    %dma_start3A_1035 = arith.constant 0 : i32
    %dma_start3A_1036 = arith.constant 0 : i32
    %dma_start3A_1037 = tpu.memref_slice %dma_start3A_1034[%dma_start3A_1035, %dma_start3A_1036] : memref<10000x128xf32, #tpu.memory_space<hbm>> -> memref<10000x128xf32, #tpu.memory_space<hbm>>
    tpu.enqueue_indirect_dma source(%dma_start3A_1037 : memref<10000x128xf32, #tpu.memory_space<hbm>>) target(%arg11 : memref<128x128xf32, #tpu.memory_space<vmem>>) offsets(%dma_start3A_1030 : memref<128xi32, #tpu.memory_space<vmem>>) semaphore(%arg18 : memref<!tpu.dma_semaphore, #tpu.memory_space<semaphore_mem>>)
    %dma_wait3A_1038 = arith.constant 0 : i32
    %dma_wait3A_1039 = arith.constant 0 : i32
    %dma_wait3A_1040 = tpu.memref_slice %arg2[%arg0, %dma_wait3A_1038, %dma_wait3A_1039] : memref<2x10000x128xf32, #tpu.memory_space<hbm>> -> memref<1x10000x128xf32, #tpu.memory_space<hbm>>
    %dma_wait3A_1041 = tpu.memref_squeeze %dma_wait3A_1040 : memref<1x10000x128xf32, #tpu.memory_space<hbm>> -> memref<10000x128xf32, #tpu.memory_space<hbm>>
    %dma_wait3A_1042 = arith.constant 0 : i32
    %dma_wait3A_1043 = arith.constant 0 : i32
    %dma_wait3A_1044 = tpu.memref_slice %dma_wait3A_1041[%dma_wait3A_1042, %dma_wait3A_1043] : memref<10000x128xf32, #tpu.memory_space<hbm>> -> memref<128x128xf32, #tpu.memory_space<hbm>>
    %dma_wait3A_1045 = arith.constant 0 : i32
    %dma_wait3A_1046 = arith.constant 0 : i32
    %dma_wait3A_1047 = tpu.memref_slice %arg2[%arg0, %dma_wait3A_1045, %dma_wait3A_1046] : memref<2x10000x128xf32, #tpu.memory_space<hbm>> -> memref<1x10000x128xf32, #tpu.memory_space<hbm>>
    %dma_wait3A_1048 = tpu.memref_squeeze %dma_wait3A_1047 : memref<1x10000x128xf32, #tpu.memory_space<hbm>> -> memref<10000x128xf32, #tpu.memory_space<hbm>>
    %dma_wait3A_1049 = arith.constant 0 : i32
    %dma_wait3A_1050 = arith.constant 0 : i32
    %dma_wait3A_1051 = tpu.memref_slice %dma_wait3A_1048[%dma_wait3A_1049, %dma_wait3A_1050] : memref<10000x128xf32, #tpu.memory_space<hbm>> -> memref<128x128xf32, #tpu.memory_space<hbm>>
    tpu.wait_dma2 semaphore(%arg17 : memref<!tpu.dma_semaphore, #tpu.memory_space<semaphore_mem>>) src(%dma_wait3A_1051 : memref<128x128xf32, #tpu.memory_space<hbm>>) dst(%arg10 : memref<128x128xf32, #tpu.memory_space<vmem>>)
    %dma_start3A_1052 = arith.constant 256 : i32
    %dma_start3A_1053 = tpu.memref_slice %arg9[%dma_start3A_1052] : memref<512xi32, #tpu.memory_space<vmem>> -> memref<128xi32, #tpu.memory_space<vmem>>
    %dma_start3A_1054 = arith.constant 0 : i32
    %dma_start3A_1055 = arith.constant 0 : i32
    %dma_start3A_1056 = tpu.memref_slice %arg12[%dma_start3A_1054, %dma_start3A_1055] : memref<10240x128xf32, #tpu.memory_space<vmem_shared>> -> memref<10240x128xf32, #tpu.memory_space<vmem_shared>>
    tpu.enqueue_indirect_dma source(%arg10 : memref<128x128xf32, #tpu.memory_space<vmem>>) target(%dma_start3A_1056 : memref<10240x128xf32, #tpu.memory_space<vmem_shared>>) offsets(%dma_start3A_1053 : memref<128xi32, #tpu.memory_space<vmem>>) semaphore(%arg19 : memref<!tpu.dma_semaphore, #tpu.memory_space<semaphore_mem>>) {add = true}
    %dma_wait3A_1057 = arith.constant 0 : i32
    %dma_wait3A_1058 = arith.constant 0 : i32
    %dma_wait3A_1059 = tpu.memref_slice %arg2[%arg0, %dma_wait3A_1057, %dma_wait3A_1058] : memref<2x10000x128xf32, #tpu.memory_space<hbm>> -> memref<1x10000x128xf32, #tpu.memory_space<hbm>>
    %dma_wait3A_1060 = tpu.memref_squeeze %dma_wait3A_1059 : memref<1x10000x128xf32, #tpu.memory_space<hbm>> -> memref<10000x128xf32, #tpu.memory_space<hbm>>
    %dma_wait3A_1061 = arith.constant 0 : i32
    %dma_wait3A_1062 = arith.constant 0 : i32
    %dma_wait3A_1063 = tpu.memref_slice %dma_wait3A_1060[%dma_wait3A_1061, %dma_wait3A_1062] : memref<10000x128xf32, #tpu.memory_space<hbm>> -> memref<128x128xf32, #tpu.memory_space<hbm>>
    %dma_wait3A_1064 = arith.constant 0 : i32
    %dma_wait3A_1065 = arith.constant 0 : i32
    %dma_wait3A_1066 = tpu.memref_slice %arg2[%arg0, %dma_wait3A_1064, %dma_wait3A_1065] : memref<2x10000x128xf32, #tpu.memory_space<hbm>> -> memref<1x10000x128xf32, #tpu.memory_space<hbm>>
    %dma_wait3A_1067 = tpu.memref_squeeze %dma_wait3A_1066 : memref<1x10000x128xf32, #tpu.memory_space<hbm>> -> memref<10000x128xf32, #tpu.memory_space<hbm>>
    %dma_wait3A_1068 = arith.constant 0 : i32
    %dma_wait3A_1069 = arith.constant 0 : i32
    %dma_wait3A_1070 = tpu.memref_slice %dma_wait3A_1067[%dma_wait3A_1068, %dma_wait3A_1069] : memref<10000x128xf32, #tpu.memory_space<hbm>> -> memref<128x128xf32, #tpu.memory_space<hbm>>
    tpu.wait_dma2 semaphore(%arg18 : memref<!tpu.dma_semaphore, #tpu.memory_space<semaphore_mem>>) src(%dma_wait3A_1070 : memref<128x128xf32, #tpu.memory_space<hbm>>) dst(%arg11 : memref<128x128xf32, #tpu.memory_space<vmem>>)
    %dma_start3A_1071 = arith.constant 384 : i32
    %dma_start3A_1072 = tpu.memref_slice %arg9[%dma_start3A_1071] : memref<512xi32, #tpu.memory_space<vmem>> -> memref<128xi32, #tpu.memory_space<vmem>>
    %dma_start3A_1073 = arith.constant 0 : i32
    %dma_start3A_1074 = arith.constant 0 : i32
    %dma_start3A_1075 = tpu.memref_slice %arg12[%dma_start3A_1073, %dma_start3A_1074] : memref<10240x128xf32, #tpu.memory_space<vmem_shared>> -> memref<10240x128xf32, #tpu.memory_space<vmem_shared>>
    tpu.enqueue_indirect_dma source(%arg11 : memref<128x128xf32, #tpu.memory_space<vmem>>) target(%dma_start3A_1075 : memref<10240x128xf32, #tpu.memory_space<vmem_shared>>) offsets(%dma_start3A_1072 : memref<128xi32, #tpu.memory_space<vmem>>) semaphore(%arg20 : memref<!tpu.dma_semaphore, #tpu.memory_space<semaphore_mem>>) {add = true}
    %dma_wait3A_1076 = arith.constant 0 : i32
    %dma_wait3A_1077 = arith.constant 0 : i32
    %dma_wait3A_1078 = tpu.memref_slice %arg12[%dma_wait3A_1076, %dma_wait3A_1077] : memref<10240x128xf32, #tpu.memory_space<vmem_shared>> -> memref<128x128xf32, #tpu.memory_space<vmem_shared>>
    %dma_wait3A_1079 = arith.constant 0 : i32
    %dma_wait3A_1080 = arith.constant 0 : i32
    %dma_wait3A_1081 = tpu.memref_slice %arg12[%dma_wait3A_1079, %dma_wait3A_1080] : memref<10240x128xf32, #tpu.memory_space<vmem_shared>> -> memref<128x128xf32, #tpu.memory_space<vmem_shared>>
    tpu.wait_dma2 semaphore(%arg19 : memref<!tpu.dma_semaphore, #tpu.memory_space<semaphore_mem>>) src(%arg10 : memref<128x128xf32, #tpu.memory_space<vmem>>) dst(%dma_wait3A_1081 : memref<128x128xf32, #tpu.memory_space<vmem_shared>>)
    %dma_wait3A_1082 = arith.constant 0 : i32
    %dma_wait3A_1083 = arith.constant 0 : i32
    %dma_wait3A_1084 = tpu.memref_slice %arg12[%dma_wait3A_1082, %dma_wait3A_1083] : memref<10240x128xf32, #tpu.memory_space<vmem_shared>> -> memref<128x128xf32, #tpu.memory_space<vmem_shared>>
    %dma_wait3A_1085 = arith.constant 0 : i32
    %dma_wait3A_1086 = arith.constant 0 : i32
    %dma_wait3A_1087 = tpu.memref_slice %arg12[%dma_wait3A_1085, %dma_wait3A_1086] : memref<10240x128xf32, #tpu.memory_space<vmem_shared>> -> memref<128x128xf32, #tpu.memory_space<vmem_shared>>
    tpu.wait_dma2 semaphore(%arg20 : memref<!tpu.dma_semaphore, #tpu.memory_space<semaphore_mem>>) src(%arg11 : memref<128x128xf32, #tpu.memory_space<vmem>>) dst(%dma_wait3A_1087 : memref<128x128xf32, #tpu.memory_space<vmem_shared>>)
    %barrier3A_1088 = arith.constant 0 : index
    tpu.barrier barrier_id(%barrier3A_1088)
    %scan3A_1089 = arith.constant 0 : i32
    %scan3A_1090 = arith.constant 0 : i32
    %scan3A_1091 = arith.constant 5 : i32
    %scan3A_1092 = arith.addi %scan3A_1090, %scan3A_1091 : i32
    %scan3A_1093 = arith.constant 1 : i32
    %scan3A_1094 = scf.for %scan3A_1096 = %scan3A_1090 to %scan3A_1092 step %scan3A_1093 iter_args(%scan3A_1097 = %scan3A_1089) -> (i32)  : i32 {
      %mul3A_1098 = arith.constant 640 : i32
      %mul3A_1099 = arith.muli %arg1, %mul3A_1098 : i32
      %mul3A_1100 = arith.constant 128 : i32
      %mul3A_1101 = arith.muli %scan3A_1096, %mul3A_1100 : i32
      %add3A_1102 = arith.addi %mul3A_1099, %mul3A_1101 : i32
      "tpu.region"() ({
        %run_scoped3A = tpu.sem_alloc : memref<!tpu.dma_semaphore, #tpu.memory_space<semaphore_mem>>
        %dma_start3A_1104 = arith.constant 0 : i32
        %dma_start3A_1105 = tpu.memref_slice %arg12[%add3A_1102, %dma_start3A_1104] : memref<10240x128xf32, #tpu.memory_space<vmem_shared>> -> memref<128x128xf32, #tpu.memory_space<vmem_shared>>
        %dma_start3A_1106 = arith.constant 0 : i32
        %dma_start3A_1107 = tpu.memref_slice %arg12[%add3A_1102, %dma_start3A_1106] : memref<10240x128xf32, #tpu.memory_space<vmem_shared>> -> memref<128x128xf32, #tpu.memory_space<vmem_shared>>
        tpu.enqueue_dma source(%dma_start3A_1107 : memref<128x128xf32, #tpu.memory_space<vmem_shared>>) target(%arg10 : memref<128x128xf32, #tpu.memory_space<vmem>>) target_semaphore(%run_scoped3A : memref<!tpu.dma_semaphore, #tpu.memory_space<semaphore_mem>>)
        %dma_wait3A_1108 = arith.constant 0 : i32
        %dma_wait3A_1109 = tpu.memref_slice %arg12[%add3A_1102, %dma_wait3A_1108] : memref<10240x128xf32, #tpu.memory_space<vmem_shared>> -> memref<128x128xf32, #tpu.memory_space<vmem_shared>>
        %dma_wait3A_1110 = arith.constant 0 : i32
        %dma_wait3A_1111 = tpu.memref_slice %arg12[%add3A_1102, %dma_wait3A_1110] : memref<10240x128xf32, #tpu.memory_space<vmem_shared>> -> memref<128x128xf32, #tpu.memory_space<vmem_shared>>
        tpu.wait_dma2 semaphore(%run_scoped3A : memref<!tpu.dma_semaphore, #tpu.memory_space<semaphore_mem>>) src(%dma_wait3A_1111 : memref<128x128xf32, #tpu.memory_space<vmem_shared>>) dst(%arg10 : memref<128x128xf32, #tpu.memory_space<vmem>>)
        tpu.yield
      }) : () -> ()
      "tpu.region"() ({
        %run_scoped3A = tpu.sem_alloc : memref<!tpu.dma_semaphore, #tpu.memory_space<semaphore_mem>>
        %dma_start3A_1104 = arith.constant 0 : i32
        %dma_start3A_1105 = tpu.memref_slice %arg5[%arg0, %add3A_1102, %dma_start3A_1104] : memref<2x10240x128xf32, #tpu.memory_space<hbm>> -> memref<1x128x128xf32, #tpu.memory_space<hbm>>
        %dma_start3A_1106 = tpu.memref_squeeze %dma_start3A_1105 : memref<1x128x128xf32, #tpu.memory_space<hbm>> -> memref<128x128xf32, #tpu.memory_space<hbm>>
        %dma_start3A_1107 = arith.constant 0 : i32
        %dma_start3A_1108 = tpu.memref_slice %arg5[%arg0, %add3A_1102, %dma_start3A_1107] : memref<2x10240x128xf32, #tpu.memory_space<hbm>> -> memref<1x128x128xf32, #tpu.memory_space<hbm>>
        %dma_start3A_1109 = tpu.memref_squeeze %dma_start3A_1108 : memref<1x128x128xf32, #tpu.memory_space<hbm>> -> memref<128x128xf32, #tpu.memory_space<hbm>>
        tpu.enqueue_dma source(%arg10 : memref<128x128xf32, #tpu.memory_space<vmem>>) target(%dma_start3A_1109 : memref<128x128xf32, #tpu.memory_space<hbm>>) target_semaphore(%run_scoped3A : memref<!tpu.dma_semaphore, #tpu.memory_space<semaphore_mem>>)
        %dma_wait3A_1110 = arith.constant 0 : i32
        %dma_wait3A_1111 = tpu.memref_slice %arg5[%arg0, %add3A_1102, %dma_wait3A_1110] : memref<2x10240x128xf32, #tpu.memory_space<hbm>> -> memref<1x128x128xf32, #tpu.memory_space<hbm>>
        %dma_wait3A_1112 = tpu.memref_squeeze %dma_wait3A_1111 : memref<1x128x128xf32, #tpu.memory_space<hbm>> -> memref<128x128xf32, #tpu.memory_space<hbm>>
        %dma_wait3A_1113 = arith.constant 0 : i32
        %dma_wait3A_1114 = tpu.memref_slice %arg5[%arg0, %add3A_1102, %dma_wait3A_1113] : memref<2x10240x128xf32, #tpu.memory_space<hbm>> -> memref<1x128x128xf32, #tpu.memory_space<hbm>>
        %dma_wait3A_1115 = tpu.memref_squeeze %dma_wait3A_1114 : memref<1x128x128xf32, #tpu.memory_space<hbm>> -> memref<128x128xf32, #tpu.memory_space<hbm>>
        tpu.wait_dma2 semaphore(%run_scoped3A : memref<!tpu.dma_semaphore, #tpu.memory_space<semaphore_mem>>) src(%arg10 : memref<128x128xf32, #tpu.memory_space<vmem>>) dst(%dma_wait3A_1115 : memref<128x128xf32, #tpu.memory_space<hbm>>)
        tpu.yield
      }) : () -> ()
      %scan3A_1103 = arith.constant 0 : i32
      scf.yield %scan3A_1103 : i32
    }
    %scan3A_1095 = arith.constant 5 : i32
    return
  }
}

#map = affine_map<(d0, d1) -> (0, 0, 0)>
#map1 = affine_map<(d0, d1) -> (0)>
module attributes {stable_mosaic.version = 14 : i64} {
  func.func @deg_kernel(%arg0: i32, %arg1: i32, %arg2: memref<32x80x128xi32, #tpu.memory_space<hbm>>, %arg3: memref<20480xf32, #tpu.memory_space<hbm>>, %arg4: memref<80x128xi32, #tpu.memory_space<vmem>>, %arg5: memref<128xf32, #tpu.memory_space<vmem>>, %arg6: memref<640xf32, #tpu.memory_space<vmem>>, %arg7: memref<10240xf32, #tpu.memory_space<vmem_shared>>) attributes {dimension_semantics = [#tpu.dimension_semantics<core_parallel>, #tpu.dimension_semantics<subcore_parallel>], iteration_bounds = array<i64: 2, 16>, scalar_prefetch = 0 : i64, scratch_operands = 4 : i64, tpu.core_type = #tpu.core_type<sc_vector_subcore>, window_params = [{transform_indices = #map}, {transform_indices = #map1}]} {
    %mul3A = arith.constant 2 : i32
    %mul3A_0 = arith.muli %arg1, %mul3A : i32
    %add3A = arith.addi %mul3A_0, %arg0 : i32
    %broadcast_in_dim3A = arith.constant 1.000000e+00 : f32
    %broadcast_in_dim3A_1 = vector.broadcast %broadcast_in_dim3A : f32 to vector<16xf32>
    %broadcast_in_dim3A_2 = arith.constant 0.000000e+00 : f32
    %broadcast_in_dim3A_3 = vector.broadcast %broadcast_in_dim3A_2 : f32 to vector<16xf32>
    %swap3A = arith.constant 0 : index
    %swap3A_4 = tpu.vector_load %arg5[%swap3A] {strides = array<i32>} : memref<128xf32, #tpu.memory_space<vmem>>, vector<16xf32>,
    %swap3A_5 = vector.shape_cast %swap3A_4 : vector<16xf32> to vector<16xf32>
    %swap3A_6 = vector.shape_cast %broadcast_in_dim3A_1 : vector<16xf32> to vector<16xf32>
    tpu.vector_store %arg5[%swap3A], %swap3A_6 {strides = array<i32>} : memref<128xf32, #tpu.memory_space<vmem>>, vector<16xf32>,
    %swap3A_7 = arith.constant 16 : index
    %swap3A_8 = tpu.vector_load %arg5[%swap3A_7] {strides = array<i32>} : memref<128xf32, #tpu.memory_space<vmem>>, vector<16xf32>,
    %swap3A_9 = vector.shape_cast %swap3A_8 : vector<16xf32> to vector<16xf32>
    %swap3A_10 = vector.shape_cast %broadcast_in_dim3A_1 : vector<16xf32> to vector<16xf32>
    tpu.vector_store %arg5[%swap3A_7], %swap3A_10 {strides = array<i32>} : memref<128xf32, #tpu.memory_space<vmem>>, vector<16xf32>,
    %swap3A_11 = arith.constant 32 : index
    %swap3A_12 = tpu.vector_load %arg5[%swap3A_11] {strides = array<i32>} : memref<128xf32, #tpu.memory_space<vmem>>, vector<16xf32>,
    %swap3A_13 = vector.shape_cast %swap3A_12 : vector<16xf32> to vector<16xf32>
    %swap3A_14 = vector.shape_cast %broadcast_in_dim3A_1 : vector<16xf32> to vector<16xf32>
    tpu.vector_store %arg5[%swap3A_11], %swap3A_14 {strides = array<i32>} : memref<128xf32, #tpu.memory_space<vmem>>, vector<16xf32>,
    %swap3A_15 = arith.constant 48 : index
    %swap3A_16 = tpu.vector_load %arg5[%swap3A_15] {strides = array<i32>} : memref<128xf32, #tpu.memory_space<vmem>>, vector<16xf32>,
    %swap3A_17 = vector.shape_cast %swap3A_16 : vector<16xf32> to vector<16xf32>
    %swap3A_18 = vector.shape_cast %broadcast_in_dim3A_1 : vector<16xf32> to vector<16xf32>
    tpu.vector_store %arg5[%swap3A_15], %swap3A_18 {strides = array<i32>} : memref<128xf32, #tpu.memory_space<vmem>>, vector<16xf32>,
    %swap3A_19 = arith.constant 64 : index
    %swap3A_20 = tpu.vector_load %arg5[%swap3A_19] {strides = array<i32>} : memref<128xf32, #tpu.memory_space<vmem>>, vector<16xf32>,
    %swap3A_21 = vector.shape_cast %swap3A_20 : vector<16xf32> to vector<16xf32>
    %swap3A_22 = vector.shape_cast %broadcast_in_dim3A_1 : vector<16xf32> to vector<16xf32>
    tpu.vector_store %arg5[%swap3A_19], %swap3A_22 {strides = array<i32>} : memref<128xf32, #tpu.memory_space<vmem>>, vector<16xf32>,
    %swap3A_23 = arith.constant 80 : index
    %swap3A_24 = tpu.vector_load %arg5[%swap3A_23] {strides = array<i32>} : memref<128xf32, #tpu.memory_space<vmem>>, vector<16xf32>,
    %swap3A_25 = vector.shape_cast %swap3A_24 : vector<16xf32> to vector<16xf32>
    %swap3A_26 = vector.shape_cast %broadcast_in_dim3A_1 : vector<16xf32> to vector<16xf32>
    tpu.vector_store %arg5[%swap3A_23], %swap3A_26 {strides = array<i32>} : memref<128xf32, #tpu.memory_space<vmem>>, vector<16xf32>,
    %swap3A_27 = arith.constant 96 : index
    %swap3A_28 = tpu.vector_load %arg5[%swap3A_27] {strides = array<i32>} : memref<128xf32, #tpu.memory_space<vmem>>, vector<16xf32>,
    %swap3A_29 = vector.shape_cast %swap3A_28 : vector<16xf32> to vector<16xf32>
    %swap3A_30 = vector.shape_cast %broadcast_in_dim3A_1 : vector<16xf32> to vector<16xf32>
    tpu.vector_store %arg5[%swap3A_27], %swap3A_30 {strides = array<i32>} : memref<128xf32, #tpu.memory_space<vmem>>, vector<16xf32>,
    %swap3A_31 = arith.constant 112 : index
    %swap3A_32 = tpu.vector_load %arg5[%swap3A_31] {strides = array<i32>} : memref<128xf32, #tpu.memory_space<vmem>>, vector<16xf32>,
    %swap3A_33 = vector.shape_cast %swap3A_32 : vector<16xf32> to vector<16xf32>
    %swap3A_34 = vector.shape_cast %broadcast_in_dim3A_1 : vector<16xf32> to vector<16xf32>
    tpu.vector_store %arg5[%swap3A_31], %swap3A_34 {strides = array<i32>} : memref<128xf32, #tpu.memory_space<vmem>>, vector<16xf32>,
    %swap3A_35 = arith.constant 0 : index
    %swap3A_36 = tpu.vector_load %arg6[%swap3A_35] {strides = array<i32>} : memref<640xf32, #tpu.memory_space<vmem>>, vector<16xf32>,
    %swap3A_37 = vector.shape_cast %swap3A_36 : vector<16xf32> to vector<16xf32>
    %swap3A_38 = vector.shape_cast %broadcast_in_dim3A_3 : vector<16xf32> to vector<16xf32>
    tpu.vector_store %arg6[%swap3A_35], %swap3A_38 {strides = array<i32>} : memref<640xf32, #tpu.memory_space<vmem>>, vector<16xf32>,
    %swap3A_39 = arith.constant 16 : index
    %swap3A_40 = tpu.vector_load %arg6[%swap3A_39] {strides = array<i32>} : memref<640xf32, #tpu.memory_space<vmem>>, vector<16xf32>,
    %swap3A_41 = vector.shape_cast %swap3A_40 : vector<16xf32> to vector<16xf32>
    %swap3A_42 = vector.shape_cast %broadcast_in_dim3A_3 : vector<16xf32> to vector<16xf32>
    tpu.vector_store %arg6[%swap3A_39], %swap3A_42 {strides = array<i32>} : memref<640xf32, #tpu.memory_space<vmem>>, vector<16xf32>,
    %swap3A_43 = arith.constant 32 : index
    %swap3A_44 = tpu.vector_load %arg6[%swap3A_43] {strides = array<i32>} : memref<640xf32, #tpu.memory_space<vmem>>, vector<16xf32>,
    %swap3A_45 = vector.shape_cast %swap3A_44 : vector<16xf32> to vector<16xf32>
    %swap3A_46 = vector.shape_cast %broadcast_in_dim3A_3 : vector<16xf32> to vector<16xf32>
    tpu.vector_store %arg6[%swap3A_43], %swap3A_46 {strides = array<i32>} : memref<640xf32, #tpu.memory_space<vmem>>, vector<16xf32>,
    %swap3A_47 = arith.constant 48 : index
    %swap3A_48 = tpu.vector_load %arg6[%swap3A_47] {strides = array<i32>} : memref<640xf32, #tpu.memory_space<vmem>>, vector<16xf32>,
    %swap3A_49 = vector.shape_cast %swap3A_48 : vector<16xf32> to vector<16xf32>
    %swap3A_50 = vector.shape_cast %broadcast_in_dim3A_3 : vector<16xf32> to vector<16xf32>
    tpu.vector_store %arg6[%swap3A_47], %swap3A_50 {strides = array<i32>} : memref<640xf32, #tpu.memory_space<vmem>>, vector<16xf32>,
    %swap3A_51 = arith.constant 64 : index
    %swap3A_52 = tpu.vector_load %arg6[%swap3A_51] {strides = array<i32>} : memref<640xf32, #tpu.memory_space<vmem>>, vector<16xf32>,
    %swap3A_53 = vector.shape_cast %swap3A_52 : vector<16xf32> to vector<16xf32>
    %swap3A_54 = vector.shape_cast %broadcast_in_dim3A_3 : vector<16xf32> to vector<16xf32>
    tpu.vector_store %arg6[%swap3A_51], %swap3A_54 {strides = array<i32>} : memref<640xf32, #tpu.memory_space<vmem>>, vector<16xf32>,
    %swap3A_55 = arith.constant 80 : index
    %swap3A_56 = tpu.vector_load %arg6[%swap3A_55] {strides = array<i32>} : memref<640xf32, #tpu.memory_space<vmem>>, vector<16xf32>,
    %swap3A_57 = vector.shape_cast %swap3A_56 : vector<16xf32> to vector<16xf32>
    %swap3A_58 = vector.shape_cast %broadcast_in_dim3A_3 : vector<16xf32> to vector<16xf32>
    tpu.vector_store %arg6[%swap3A_55], %swap3A_58 {strides = array<i32>} : memref<640xf32, #tpu.memory_space<vmem>>, vector<16xf32>,
    %swap3A_59 = arith.constant 96 : index
    %swap3A_60 = tpu.vector_load %arg6[%swap3A_59] {strides = array<i32>} : memref<640xf32, #tpu.memory_space<vmem>>, vector<16xf32>,
    %swap3A_61 = vector.shape_cast %swap3A_60 : vector<16xf32> to vector<16xf32>
    %swap3A_62 = vector.shape_cast %broadcast_in_dim3A_3 : vector<16xf32> to vector<16xf32>
    tpu.vector_store %arg6[%swap3A_59], %swap3A_62 {strides = array<i32>} : memref<640xf32, #tpu.memory_space<vmem>>, vector<16xf32>,
    %swap3A_63 = arith.constant 112 : index
    %swap3A_64 = tpu.vector_load %arg6[%swap3A_63] {strides = array<i32>} : memref<640xf32, #tpu.memory_space<vmem>>, vector<16xf32>,
    %swap3A_65 = vector.shape_cast %swap3A_64 : vector<16xf32> to vector<16xf32>
    %swap3A_66 = vector.shape_cast %broadcast_in_dim3A_3 : vector<16xf32> to vector<16xf32>
    tpu.vector_store %arg6[%swap3A_63], %swap3A_66 {strides = array<i32>} : memref<640xf32, #tpu.memory_space<vmem>>, vector<16xf32>,
    %swap3A_67 = arith.constant 128 : index
    %swap3A_68 = tpu.vector_load %arg6[%swap3A_67] {strides = array<i32>} : memref<640xf32, #tpu.memory_space<vmem>>, vector<16xf32>,
    %swap3A_69 = vector.shape_cast %swap3A_68 : vector<16xf32> to vector<16xf32>
    %swap3A_70 = vector.shape_cast %broadcast_in_dim3A_3 : vector<16xf32> to vector<16xf32>
    tpu.vector_store %arg6[%swap3A_67], %swap3A_70 {strides = array<i32>} : memref<640xf32, #tpu.memory_space<vmem>>, vector<16xf32>,
    %swap3A_71 = arith.constant 144 : index
    %swap3A_72 = tpu.vector_load %arg6[%swap3A_71] {strides = array<i32>} : memref<640xf32, #tpu.memory_space<vmem>>, vector<16xf32>,
    %swap3A_73 = vector.shape_cast %swap3A_72 : vector<16xf32> to vector<16xf32>
    %swap3A_74 = vector.shape_cast %broadcast_in_dim3A_3 : vector<16xf32> to vector<16xf32>
    tpu.vector_store %arg6[%swap3A_71], %swap3A_74 {strides = array<i32>} : memref<640xf32, #tpu.memory_space<vmem>>, vector<16xf32>,
    %swap3A_75 = arith.constant 160 : index
    %swap3A_76 = tpu.vector_load %arg6[%swap3A_75] {strides = array<i32>} : memref<640xf32, #tpu.memory_space<vmem>>, vector<16xf32>,
    %swap3A_77 = vector.shape_cast %swap3A_76 : vector<16xf32> to vector<16xf32>
    %swap3A_78 = vector.shape_cast %broadcast_in_dim3A_3 : vector<16xf32> to vector<16xf32>
    tpu.vector_store %arg6[%swap3A_75], %swap3A_78 {strides = array<i32>} : memref<640xf32, #tpu.memory_space<vmem>>, vector<16xf32>,
    %swap3A_79 = arith.constant 176 : index
    %swap3A_80 = tpu.vector_load %arg6[%swap3A_79] {strides = array<i32>} : memref<640xf32, #tpu.memory_space<vmem>>, vector<16xf32>,
    %swap3A_81 = vector.shape_cast %swap3A_80 : vector<16xf32> to vector<16xf32>
    %swap3A_82 = vector.shape_cast %broadcast_in_dim3A_3 : vector<16xf32> to vector<16xf32>
    tpu.vector_store %arg6[%swap3A_79], %swap3A_82 {strides = array<i32>} : memref<640xf32, #tpu.memory_space<vmem>>, vector<16xf32>,
    %swap3A_83 = arith.constant 192 : index
    %swap3A_84 = tpu.vector_load %arg6[%swap3A_83] {strides = array<i32>} : memref<640xf32, #tpu.memory_space<vmem>>, vector<16xf32>,
    %swap3A_85 = vector.shape_cast %swap3A_84 : vector<16xf32> to vector<16xf32>
    %swap3A_86 = vector.shape_cast %broadcast_in_dim3A_3 : vector<16xf32> to vector<16xf32>
    tpu.vector_store %arg6[%swap3A_83], %swap3A_86 {strides = array<i32>} : memref<640xf32, #tpu.memory_space<vmem>>, vector<16xf32>,
    %swap3A_87 = arith.constant 208 : index
    %swap3A_88 = tpu.vector_load %arg6[%swap3A_87] {strides = array<i32>} : memref<640xf32, #tpu.memory_space<vmem>>, vector<16xf32>,
    %swap3A_89 = vector.shape_cast %swap3A_88 : vector<16xf32> to vector<16xf32>
    %swap3A_90 = vector.shape_cast %broadcast_in_dim3A_3 : vector<16xf32> to vector<16xf32>
    tpu.vector_store %arg6[%swap3A_87], %swap3A_90 {strides = array<i32>} : memref<640xf32, #tpu.memory_space<vmem>>, vector<16xf32>,
    %swap3A_91 = arith.constant 224 : index
    %swap3A_92 = tpu.vector_load %arg6[%swap3A_91] {strides = array<i32>} : memref<640xf32, #tpu.memory_space<vmem>>, vector<16xf32>,
    %swap3A_93 = vector.shape_cast %swap3A_92 : vector<16xf32> to vector<16xf32>
    %swap3A_94 = vector.shape_cast %broadcast_in_dim3A_3 : vector<16xf32> to vector<16xf32>
    tpu.vector_store %arg6[%swap3A_91], %swap3A_94 {strides = array<i32>} : memref<640xf32, #tpu.memory_space<vmem>>, vector<16xf32>,
    %swap3A_95 = arith.constant 240 : index
    %swap3A_96 = tpu.vector_load %arg6[%swap3A_95] {strides = array<i32>} : memref<640xf32, #tpu.memory_space<vmem>>, vector<16xf32>,
    %swap3A_97 = vector.shape_cast %swap3A_96 : vector<16xf32> to vector<16xf32>
    %swap3A_98 = vector.shape_cast %broadcast_in_dim3A_3 : vector<16xf32> to vector<16xf32>
    tpu.vector_store %arg6[%swap3A_95], %swap3A_98 {strides = array<i32>} : memref<640xf32, #tpu.memory_space<vmem>>, vector<16xf32>,
    %swap3A_99 = arith.constant 256 : index
    %swap3A_100 = tpu.vector_load %arg6[%swap3A_99] {strides = array<i32>} : memref<640xf32, #tpu.memory_space<vmem>>, vector<16xf32>,
    %swap3A_101 = vector.shape_cast %swap3A_100 : vector<16xf32> to vector<16xf32>
    %swap3A_102 = vector.shape_cast %broadcast_in_dim3A_3 : vector<16xf32> to vector<16xf32>
    tpu.vector_store %arg6[%swap3A_99], %swap3A_102 {strides = array<i32>} : memref<640xf32, #tpu.memory_space<vmem>>, vector<16xf32>,
    %swap3A_103 = arith.constant 272 : index
    %swap3A_104 = tpu.vector_load %arg6[%swap3A_103] {strides = array<i32>} : memref<640xf32, #tpu.memory_space<vmem>>, vector<16xf32>,
    %swap3A_105 = vector.shape_cast %swap3A_104 : vector<16xf32> to vector<16xf32>
    %swap3A_106 = vector.shape_cast %broadcast_in_dim3A_3 : vector<16xf32> to vector<16xf32>
    tpu.vector_store %arg6[%swap3A_103], %swap3A_106 {strides = array<i32>} : memref<640xf32, #tpu.memory_space<vmem>>, vector<16xf32>,
    %swap3A_107 = arith.constant 288 : index
    %swap3A_108 = tpu.vector_load %arg6[%swap3A_107] {strides = array<i32>} : memref<640xf32, #tpu.memory_space<vmem>>, vector<16xf32>,
    %swap3A_109 = vector.shape_cast %swap3A_108 : vector<16xf32> to vector<16xf32>
    %swap3A_110 = vector.shape_cast %broadcast_in_dim3A_3 : vector<16xf32> to vector<16xf32>
    tpu.vector_store %arg6[%swap3A_107], %swap3A_110 {strides = array<i32>} : memref<640xf32, #tpu.memory_space<vmem>>, vector<16xf32>,
    %swap3A_111 = arith.constant 304 : index
    %swap3A_112 = tpu.vector_load %arg6[%swap3A_111] {strides = array<i32>} : memref<640xf32, #tpu.memory_space<vmem>>, vector<16xf32>,
    %swap3A_113 = vector.shape_cast %swap3A_112 : vector<16xf32> to vector<16xf32>
    %swap3A_114 = vector.shape_cast %broadcast_in_dim3A_3 : vector<16xf32> to vector<16xf32>
    tpu.vector_store %arg6[%swap3A_111], %swap3A_114 {strides = array<i32>} : memref<640xf32, #tpu.memory_space<vmem>>, vector<16xf32>,
    %swap3A_115 = arith.constant 320 : index
    %swap3A_116 = tpu.vector_load %arg6[%swap3A_115] {strides = array<i32>} : memref<640xf32, #tpu.memory_space<vmem>>, vector<16xf32>,
    %swap3A_117 = vector.shape_cast %swap3A_116 : vector<16xf32> to vector<16xf32>
    %swap3A_118 = vector.shape_cast %broadcast_in_dim3A_3 : vector<16xf32> to vector<16xf32>
    tpu.vector_store %arg6[%swap3A_115], %swap3A_118 {strides = array<i32>} : memref<640xf32, #tpu.memory_space<vmem>>, vector<16xf32>,
    %swap3A_119 = arith.constant 336 : index
    %swap3A_120 = tpu.vector_load %arg6[%swap3A_119] {strides = array<i32>} : memref<640xf32, #tpu.memory_space<vmem>>, vector<16xf32>,
    %swap3A_121 = vector.shape_cast %swap3A_120 : vector<16xf32> to vector<16xf32>
    %swap3A_122 = vector.shape_cast %broadcast_in_dim3A_3 : vector<16xf32> to vector<16xf32>
    tpu.vector_store %arg6[%swap3A_119], %swap3A_122 {strides = array<i32>} : memref<640xf32, #tpu.memory_space<vmem>>, vector<16xf32>,
    %swap3A_123 = arith.constant 352 : index
    %swap3A_124 = tpu.vector_load %arg6[%swap3A_123] {strides = array<i32>} : memref<640xf32, #tpu.memory_space<vmem>>, vector<16xf32>,
    %swap3A_125 = vector.shape_cast %swap3A_124 : vector<16xf32> to vector<16xf32>
    %swap3A_126 = vector.shape_cast %broadcast_in_dim3A_3 : vector<16xf32> to vector<16xf32>
    tpu.vector_store %arg6[%swap3A_123], %swap3A_126 {strides = array<i32>} : memref<640xf32, #tpu.memory_space<vmem>>, vector<16xf32>,
    %swap3A_127 = arith.constant 368 : index
    %swap3A_128 = tpu.vector_load %arg6[%swap3A_127] {strides = array<i32>} : memref<640xf32, #tpu.memory_space<vmem>>, vector<16xf32>,
    %swap3A_129 = vector.shape_cast %swap3A_128 : vector<16xf32> to vector<16xf32>
    %swap3A_130 = vector.shape_cast %broadcast_in_dim3A_3 : vector<16xf32> to vector<16xf32>
    tpu.vector_store %arg6[%swap3A_127], %swap3A_130 {strides = array<i32>} : memref<640xf32, #tpu.memory_space<vmem>>, vector<16xf32>,
    %swap3A_131 = arith.constant 384 : index
    %swap3A_132 = tpu.vector_load %arg6[%swap3A_131] {strides = array<i32>} : memref<640xf32, #tpu.memory_space<vmem>>, vector<16xf32>,
    %swap3A_133 = vector.shape_cast %swap3A_132 : vector<16xf32> to vector<16xf32>
    %swap3A_134 = vector.shape_cast %broadcast_in_dim3A_3 : vector<16xf32> to vector<16xf32>
    tpu.vector_store %arg6[%swap3A_131], %swap3A_134 {strides = array<i32>} : memref<640xf32, #tpu.memory_space<vmem>>, vector<16xf32>,
    %swap3A_135 = arith.constant 400 : index
    %swap3A_136 = tpu.vector_load %arg6[%swap3A_135] {strides = array<i32>} : memref<640xf32, #tpu.memory_space<vmem>>, vector<16xf32>,
    %swap3A_137 = vector.shape_cast %swap3A_136 : vector<16xf32> to vector<16xf32>
    %swap3A_138 = vector.shape_cast %broadcast_in_dim3A_3 : vector<16xf32> to vector<16xf32>
    tpu.vector_store %arg6[%swap3A_135], %swap3A_138 {strides = array<i32>} : memref<640xf32, #tpu.memory_space<vmem>>, vector<16xf32>,
    %swap3A_139 = arith.constant 416 : index
    %swap3A_140 = tpu.vector_load %arg6[%swap3A_139] {strides = array<i32>} : memref<640xf32, #tpu.memory_space<vmem>>, vector<16xf32>,
    %swap3A_141 = vector.shape_cast %swap3A_140 : vector<16xf32> to vector<16xf32>
    %swap3A_142 = vector.shape_cast %broadcast_in_dim3A_3 : vector<16xf32> to vector<16xf32>
    tpu.vector_store %arg6[%swap3A_139], %swap3A_142 {strides = array<i32>} : memref<640xf32, #tpu.memory_space<vmem>>, vector<16xf32>,
    %swap3A_143 = arith.constant 432 : index
    %swap3A_144 = tpu.vector_load %arg6[%swap3A_143] {strides = array<i32>} : memref<640xf32, #tpu.memory_space<vmem>>, vector<16xf32>,
    %swap3A_145 = vector.shape_cast %swap3A_144 : vector<16xf32> to vector<16xf32>
    %swap3A_146 = vector.shape_cast %broadcast_in_dim3A_3 : vector<16xf32> to vector<16xf32>
    tpu.vector_store %arg6[%swap3A_143], %swap3A_146 {strides = array<i32>} : memref<640xf32, #tpu.memory_space<vmem>>, vector<16xf32>,
    %swap3A_147 = arith.constant 448 : index
    %swap3A_148 = tpu.vector_load %arg6[%swap3A_147] {strides = array<i32>} : memref<640xf32, #tpu.memory_space<vmem>>, vector<16xf32>,
    %swap3A_149 = vector.shape_cast %swap3A_148 : vector<16xf32> to vector<16xf32>
    %swap3A_150 = vector.shape_cast %broadcast_in_dim3A_3 : vector<16xf32> to vector<16xf32>
    tpu.vector_store %arg6[%swap3A_147], %swap3A_150 {strides = array<i32>} : memref<640xf32, #tpu.memory_space<vmem>>, vector<16xf32>,
    %swap3A_151 = arith.constant 464 : index
    %swap3A_152 = tpu.vector_load %arg6[%swap3A_151] {strides = array<i32>} : memref<640xf32, #tpu.memory_space<vmem>>, vector<16xf32>,
    %swap3A_153 = vector.shape_cast %swap3A_152 : vector<16xf32> to vector<16xf32>
    %swap3A_154 = vector.shape_cast %broadcast_in_dim3A_3 : vector<16xf32> to vector<16xf32>
    tpu.vector_store %arg6[%swap3A_151], %swap3A_154 {strides = array<i32>} : memref<640xf32, #tpu.memory_space<vmem>>, vector<16xf32>,
    %swap3A_155 = arith.constant 480 : index
    %swap3A_156 = tpu.vector_load %arg6[%swap3A_155] {strides = array<i32>} : memref<640xf32, #tpu.memory_space<vmem>>, vector<16xf32>,
    %swap3A_157 = vector.shape_cast %swap3A_156 : vector<16xf32> to vector<16xf32>
    %swap3A_158 = vector.shape_cast %broadcast_in_dim3A_3 : vector<16xf32> to vector<16xf32>
    tpu.vector_store %arg6[%swap3A_155], %swap3A_158 {strides = array<i32>} : memref<640xf32, #tpu.memory_space<vmem>>, vector<16xf32>,
    %swap3A_159 = arith.constant 496 : index
    %swap3A_160 = tpu.vector_load %arg6[%swap3A_159] {strides = array<i32>} : memref<640xf32, #tpu.memory_space<vmem>>, vector<16xf32>,
    %swap3A_161 = vector.shape_cast %swap3A_160 : vector<16xf32> to vector<16xf32>
    %swap3A_162 = vector.shape_cast %broadcast_in_dim3A_3 : vector<16xf32> to vector<16xf32>
    tpu.vector_store %arg6[%swap3A_159], %swap3A_162 {strides = array<i32>} : memref<640xf32, #tpu.memory_space<vmem>>, vector<16xf32>,
    %swap3A_163 = arith.constant 512 : index
    %swap3A_164 = tpu.vector_load %arg6[%swap3A_163] {strides = array<i32>} : memref<640xf32, #tpu.memory_space<vmem>>, vector<16xf32>,
    %swap3A_165 = vector.shape_cast %swap3A_164 : vector<16xf32> to vector<16xf32>
    %swap3A_166 = vector.shape_cast %broadcast_in_dim3A_3 : vector<16xf32> to vector<16xf32>
    tpu.vector_store %arg6[%swap3A_163], %swap3A_166 {strides = array<i32>} : memref<640xf32, #tpu.memory_space<vmem>>, vector<16xf32>,
    %swap3A_167 = arith.constant 528 : index
    %swap3A_168 = tpu.vector_load %arg6[%swap3A_167] {strides = array<i32>} : memref<640xf32, #tpu.memory_space<vmem>>, vector<16xf32>,
    %swap3A_169 = vector.shape_cast %swap3A_168 : vector<16xf32> to vector<16xf32>
    %swap3A_170 = vector.shape_cast %broadcast_in_dim3A_3 : vector<16xf32> to vector<16xf32>
    tpu.vector_store %arg6[%swap3A_167], %swap3A_170 {strides = array<i32>} : memref<640xf32, #tpu.memory_space<vmem>>, vector<16xf32>,
    %swap3A_171 = arith.constant 544 : index
    %swap3A_172 = tpu.vector_load %arg6[%swap3A_171] {strides = array<i32>} : memref<640xf32, #tpu.memory_space<vmem>>, vector<16xf32>,
    %swap3A_173 = vector.shape_cast %swap3A_172 : vector<16xf32> to vector<16xf32>
    %swap3A_174 = vector.shape_cast %broadcast_in_dim3A_3 : vector<16xf32> to vector<16xf32>
    tpu.vector_store %arg6[%swap3A_171], %swap3A_174 {strides = array<i32>} : memref<640xf32, #tpu.memory_space<vmem>>, vector<16xf32>,
    %swap3A_175 = arith.constant 560 : index
    %swap3A_176 = tpu.vector_load %arg6[%swap3A_175] {strides = array<i32>} : memref<640xf32, #tpu.memory_space<vmem>>, vector<16xf32>,
    %swap3A_177 = vector.shape_cast %swap3A_176 : vector<16xf32> to vector<16xf32>
    %swap3A_178 = vector.shape_cast %broadcast_in_dim3A_3 : vector<16xf32> to vector<16xf32>
    tpu.vector_store %arg6[%swap3A_175], %swap3A_178 {strides = array<i32>} : memref<640xf32, #tpu.memory_space<vmem>>, vector<16xf32>,
    %swap3A_179 = arith.constant 576 : index
    %swap3A_180 = tpu.vector_load %arg6[%swap3A_179] {strides = array<i32>} : memref<640xf32, #tpu.memory_space<vmem>>, vector<16xf32>,
    %swap3A_181 = vector.shape_cast %swap3A_180 : vector<16xf32> to vector<16xf32>
    %swap3A_182 = vector.shape_cast %broadcast_in_dim3A_3 : vector<16xf32> to vector<16xf32>
    tpu.vector_store %arg6[%swap3A_179], %swap3A_182 {strides = array<i32>} : memref<640xf32, #tpu.memory_space<vmem>>, vector<16xf32>,
    %swap3A_183 = arith.constant 592 : index
    %swap3A_184 = tpu.vector_load %arg6[%swap3A_183] {strides = array<i32>} : memref<640xf32, #tpu.memory_space<vmem>>, vector<16xf32>,
    %swap3A_185 = vector.shape_cast %swap3A_184 : vector<16xf32> to vector<16xf32>
    %swap3A_186 = vector.shape_cast %broadcast_in_dim3A_3 : vector<16xf32> to vector<16xf32>
    tpu.vector_store %arg6[%swap3A_183], %swap3A_186 {strides = array<i32>} : memref<640xf32, #tpu.memory_space<vmem>>, vector<16xf32>,
    %swap3A_187 = arith.constant 608 : index
    %swap3A_188 = tpu.vector_load %arg6[%swap3A_187] {strides = array<i32>} : memref<640xf32, #tpu.memory_space<vmem>>, vector<16xf32>,
    %swap3A_189 = vector.shape_cast %swap3A_188 : vector<16xf32> to vector<16xf32>
    %swap3A_190 = vector.shape_cast %broadcast_in_dim3A_3 : vector<16xf32> to vector<16xf32>
    tpu.vector_store %arg6[%swap3A_187], %swap3A_190 {strides = array<i32>} : memref<640xf32, #tpu.memory_space<vmem>>, vector<16xf32>,
    %swap3A_191 = arith.constant 624 : index
    %swap3A_192 = tpu.vector_load %arg6[%swap3A_191] {strides = array<i32>} : memref<640xf32, #tpu.memory_space<vmem>>, vector<16xf32>,
    %swap3A_193 = vector.shape_cast %swap3A_192 : vector<16xf32> to vector<16xf32>
    %swap3A_194 = vector.shape_cast %broadcast_in_dim3A_3 : vector<16xf32> to vector<16xf32>
    tpu.vector_store %arg6[%swap3A_191], %swap3A_194 {strides = array<i32>} : memref<640xf32, #tpu.memory_space<vmem>>, vector<16xf32>,
    "tpu.region"() ({
      %run_scoped3A = tpu.sem_alloc : memref<!tpu.dma_semaphore, #tpu.memory_space<semaphore_mem>>
      %dma_start3A = arith.constant 0 : i32
      %dma_start3A_211 = arith.constant 0 : i32
      %dma_start3A_212 = tpu.memref_slice %arg2[%add3A, %dma_start3A, %dma_start3A_211] : memref<32x80x128xi32, #tpu.memory_space<hbm>> -> memref<1x80x128xi32, #tpu.memory_space<hbm>>
      %dma_start3A_213 = tpu.memref_squeeze %dma_start3A_212 : memref<1x80x128xi32, #tpu.memory_space<hbm>> -> memref<80x128xi32, #tpu.memory_space<hbm>>
      %dma_start3A_214 = arith.constant 0 : i32
      %dma_start3A_215 = arith.constant 0 : i32
      %dma_start3A_216 = tpu.memref_slice %arg2[%add3A, %dma_start3A_214, %dma_start3A_215] : memref<32x80x128xi32, #tpu.memory_space<hbm>> -> memref<1x80x128xi32, #tpu.memory_space<hbm>>
      %dma_start3A_217 = tpu.memref_squeeze %dma_start3A_216 : memref<1x80x128xi32, #tpu.memory_space<hbm>> -> memref<80x128xi32, #tpu.memory_space<hbm>>
      tpu.enqueue_dma source(%dma_start3A_217 : memref<80x128xi32, #tpu.memory_space<hbm>>) target(%arg4 : memref<80x128xi32, #tpu.memory_space<vmem>>) target_semaphore(%run_scoped3A : memref<!tpu.dma_semaphore, #tpu.memory_space<semaphore_mem>>)
      %dma_wait3A = arith.constant 0 : i32
      %dma_wait3A_218 = arith.constant 0 : i32
      %dma_wait3A_219 = tpu.memref_slice %arg2[%add3A, %dma_wait3A, %dma_wait3A_218] : memref<32x80x128xi32, #tpu.memory_space<hbm>> -> memref<1x80x128xi32, #tpu.memory_space<hbm>>
      %dma_wait3A_220 = tpu.memref_squeeze %dma_wait3A_219 : memref<1x80x128xi32, #tpu.memory_space<hbm>> -> memref<80x128xi32, #tpu.memory_space<hbm>>
      %dma_wait3A_221 = arith.constant 0 : i32
      %dma_wait3A_222 = arith.constant 0 : i32
      %dma_wait3A_223 = tpu.memref_slice %arg2[%add3A, %dma_wait3A_221, %dma_wait3A_222] : memref<32x80x128xi32, #tpu.memory_space<hbm>> -> memref<1x80x128xi32, #tpu.memory_space<hbm>>
      %dma_wait3A_224 = tpu.memref_squeeze %dma_wait3A_223 : memref<1x80x128xi32, #tpu.memory_space<hbm>> -> memref<80x128xi32, #tpu.memory_space<hbm>>
      tpu.wait_dma2 semaphore(%run_scoped3A : memref<!tpu.dma_semaphore, #tpu.memory_space<semaphore_mem>>) src(%dma_wait3A_224 : memref<80x128xi32, #tpu.memory_space<hbm>>) dst(%arg4 : memref<80x128xi32, #tpu.memory_space<vmem>>)
      tpu.yield
    }) : () -> ()
    %mul3A_195 = arith.constant 640 : i32
    %mul3A_196 = arith.muli %arg1, %mul3A_195 : i32
    "tpu.region"() ({
      %run_scoped3A = tpu.sem_alloc : memref<!tpu.dma_semaphore, #tpu.memory_space<semaphore_mem>>
      %dma_start3A = tpu.memref_slice %arg7[%mul3A_196] : memref<10240xf32, #tpu.memory_space<vmem_shared>> -> memref<640xf32, #tpu.memory_space<vmem_shared>>
      %dma_start3A_211 = tpu.memref_slice %arg7[%mul3A_196] : memref<10240xf32, #tpu.memory_space<vmem_shared>> -> memref<640xf32, #tpu.memory_space<vmem_shared>>
      tpu.enqueue_dma source(%arg6 : memref<640xf32, #tpu.memory_space<vmem>>) target(%dma_start3A_211 : memref<640xf32, #tpu.memory_space<vmem_shared>>) target_semaphore(%run_scoped3A : memref<!tpu.dma_semaphore, #tpu.memory_space<semaphore_mem>>)
      %dma_wait3A = tpu.memref_slice %arg7[%mul3A_196] : memref<10240xf32, #tpu.memory_space<vmem_shared>> -> memref<640xf32, #tpu.memory_space<vmem_shared>>
      %dma_wait3A_212 = tpu.memref_slice %arg7[%mul3A_196] : memref<10240xf32, #tpu.memory_space<vmem_shared>> -> memref<640xf32, #tpu.memory_space<vmem_shared>>
      tpu.wait_dma2 semaphore(%run_scoped3A : memref<!tpu.dma_semaphore, #tpu.memory_space<semaphore_mem>>) src(%arg6 : memref<640xf32, #tpu.memory_space<vmem>>) dst(%dma_wait3A_212 : memref<640xf32, #tpu.memory_space<vmem_shared>>)
      tpu.yield
    }) : () -> ()
    %barrier3A = arith.constant 0 : index
    tpu.barrier barrier_id(%barrier3A)
    %scan3A = arith.constant 0 : i32
    %scan3A_197 = arith.constant 0 : i32
    %scan3A_198 = arith.constant 80 : i32
    %scan3A_199 = arith.addi %scan3A_197, %scan3A_198 : i32
    %scan3A_200 = arith.constant 1 : i32
    %scan3A_201 = scf.for %scan3A_211 = %scan3A_197 to %scan3A_199 step %scan3A_200 iter_args(%scan3A_212 = %scan3A) -> (i32)  : i32 {
      "tpu.region"() ({
        %run_scoped3A = tpu.sem_alloc : memref<!tpu.dma_semaphore, #tpu.memory_space<semaphore_mem>>
        %dma_start3A = arith.constant 0 : i32
        %dma_start3A_214 = tpu.memref_slice %arg4[%scan3A_211, %dma_start3A] : memref<80x128xi32, #tpu.memory_space<vmem>> -> memref<1x128xi32, #tpu.memory_space<vmem>>
        %dma_start3A_215 = tpu.memref_squeeze %dma_start3A_214 : memref<1x128xi32, #tpu.memory_space<vmem>> -> memref<128xi32, #tpu.memory_space<vmem>>
        %dma_start3A_216 = arith.constant 0 : i32
        %dma_start3A_217 = tpu.memref_slice %arg7[%dma_start3A_216] : memref<10240xf32, #tpu.memory_space<vmem_shared>> -> memref<10240xf32, #tpu.memory_space<vmem_shared>>
        tpu.enqueue_indirect_dma source(%arg5 : memref<128xf32, #tpu.memory_space<vmem>>) target(%dma_start3A_217 : memref<10240xf32, #tpu.memory_space<vmem_shared>>) offsets(%dma_start3A_215 : memref<128xi32, #tpu.memory_space<vmem>>) semaphore(%run_scoped3A : memref<!tpu.dma_semaphore, #tpu.memory_space<semaphore_mem>>) {add = true}
        %dma_wait3A = arith.constant 0 : i32
        %dma_wait3A_218 = tpu.memref_slice %arg4[%scan3A_211, %dma_wait3A] : memref<80x128xi32, #tpu.memory_space<vmem>> -> memref<1x128xi32, #tpu.memory_space<vmem>>
        %dma_wait3A_219 = tpu.memref_squeeze %dma_wait3A_218 : memref<1x128xi32, #tpu.memory_space<vmem>> -> memref<128xi32, #tpu.memory_space<vmem>>
        %dma_wait3A_220 = arith.constant 0 : i32
        %dma_wait3A_221 = tpu.memref_slice %arg7[%dma_wait3A_220] : memref<10240xf32, #tpu.memory_space<vmem_shared>> -> memref<10240xf32, #tpu.memory_space<vmem_shared>>
        tpu.wait_indirect_dma semaphore(%run_scoped3A : memref<!tpu.dma_semaphore, #tpu.memory_space<semaphore_mem>>) src(%arg5 : memref<128xf32, #tpu.memory_space<vmem>>) dst(%dma_wait3A_221 : memref<10240xf32, #tpu.memory_space<vmem_shared>>)
        tpu.yield
      }) : () -> ()
      %scan3A_213 = arith.constant 0 : i32
      scf.yield %scan3A_213 : i32
    }
    %scan3A_202 = arith.constant 80 : i32
    %barrier3A_203 = arith.constant 0 : index
    tpu.barrier barrier_id(%barrier3A_203)
    %mul3A_204 = arith.constant 640 : i32
    %mul3A_205 = arith.muli %arg1, %mul3A_204 : i32
    "tpu.region"() ({
      %run_scoped3A = tpu.sem_alloc : memref<!tpu.dma_semaphore, #tpu.memory_space<semaphore_mem>>
      %dma_start3A = tpu.memref_slice %arg7[%mul3A_205] : memref<10240xf32, #tpu.memory_space<vmem_shared>> -> memref<640xf32, #tpu.memory_space<vmem_shared>>
      %dma_start3A_211 = tpu.memref_slice %arg7[%mul3A_205] : memref<10240xf32, #tpu.memory_space<vmem_shared>> -> memref<640xf32, #tpu.memory_space<vmem_shared>>
      tpu.enqueue_dma source(%dma_start3A_211 : memref<640xf32, #tpu.memory_space<vmem_shared>>) target(%arg6 : memref<640xf32, #tpu.memory_space<vmem>>) target_semaphore(%run_scoped3A : memref<!tpu.dma_semaphore, #tpu.memory_space<semaphore_mem>>)
      %dma_wait3A = tpu.memref_slice %arg7[%mul3A_205] : memref<10240xf32, #tpu.memory_space<vmem_shared>> -> memref<640xf32, #tpu.memory_space<vmem_shared>>
      %dma_wait3A_212 = tpu.memref_slice %arg7[%mul3A_205] : memref<10240xf32, #tpu.memory_space<vmem_shared>> -> memref<640xf32, #tpu.memory_space<vmem_shared>>
      tpu.wait_dma2 semaphore(%run_scoped3A : memref<!tpu.dma_semaphore, #tpu.memory_space<semaphore_mem>>) src(%dma_wait3A_212 : memref<640xf32, #tpu.memory_space<vmem_shared>>) dst(%arg6 : memref<640xf32, #tpu.memory_space<vmem>>)
      tpu.yield
    }) : () -> ()
    %mul3A_206 = arith.constant 10240 : i32
    %mul3A_207 = arith.muli %arg0, %mul3A_206 : i32
    %mul3A_208 = arith.constant 640 : i32
    %mul3A_209 = arith.muli %arg1, %mul3A_208 : i32
    %add3A_210 = arith.addi %mul3A_207, %mul3A_209 : i32
    "tpu.region"() ({
      %run_scoped3A = tpu.sem_alloc : memref<!tpu.dma_semaphore, #tpu.memory_space<semaphore_mem>>
      %dma_start3A = tpu.memref_slice %arg3[%add3A_210] : memref<20480xf32, #tpu.memory_space<hbm>> -> memref<640xf32, #tpu.memory_space<hbm>>
      %dma_start3A_211 = tpu.memref_slice %arg3[%add3A_210] : memref<20480xf32, #tpu.memory_space<hbm>> -> memref<640xf32, #tpu.memory_space<hbm>>
      tpu.enqueue_dma source(%arg6 : memref<640xf32, #tpu.memory_space<vmem>>) target(%dma_start3A_211 : memref<640xf32, #tpu.memory_space<hbm>>) target_semaphore(%run_scoped3A : memref<!tpu.dma_semaphore, #tpu.memory_space<semaphore_mem>>)
      %dma_wait3A = tpu.memref_slice %arg3[%add3A_210] : memref<20480xf32, #tpu.memory_space<hbm>> -> memref<640xf32, #tpu.memory_space<hbm>>
      %dma_wait3A_212 = tpu.memref_slice %arg3[%add3A_210] : memref<20480xf32, #tpu.memory_space<hbm>> -> memref<640xf32, #tpu.memory_space<hbm>>
      tpu.wait_dma2 semaphore(%run_scoped3A : memref<!tpu.dma_semaphore, #tpu.memory_space<semaphore_mem>>) src(%arg6 : memref<640xf32, #tpu.memory_space<vmem>>) dst(%dma_wait3A_212 : memref<640xf32, #tpu.memory_space<hbm>>)
      tpu.yield
    }) : () -> ()
    return
  }
}

module attributes {stable_mosaic.version = 14 : i64} {
  func.func @_tcab_body(%arg0: memref<10000x128xf32, #tpu.memory_space<vmem>>, %arg1: memref<128xf32, #tpu.memory_space<vmem>>, %arg2: memref<128xf32, #tpu.memory_space<vmem>>, %arg3: memref<128x128xf32, #tpu.memory_space<vmem>>, %arg4: memref<2x10240x1xf32, #tpu.memory_space<vmem>>, %arg5: memref<2x10000x128xf32, #tpu.memory_space<vmem>>, %arg6: memref<10000x1xf32, #tpu.memory_space<vmem>>) attributes {dimension_semantics = [], scalar_prefetch = 0 : i64, scratch_operands = 0 : i64, tpu.core_type = #tpu.core_type<tc>} {
    %get3A = arith.constant 0 : index
    %get3A_0 = arith.constant 0 : index
    %get3A_1 = vector.load %arg0[%get3A, %get3A_0] : memref<10000x128xf32, #tpu.memory_space<vmem>>, vector<10000x128xf32>
    %reduce_sum3A = arith.constant dense<0.000000e+00> : vector<128xf32>
    %reduce_sum3A_2 = vector.multi_reduction <add>, %get3A_1, %reduce_sum3A [0] : vector<10000x128xf32> to vector<128xf32>
    %broadcast_in_dim3A = vector.shape_cast %reduce_sum3A_2 : vector<128xf32> to vector<1x128xf32>
    %div3A = arith.constant 1.000000e+04 : f32
    %div3A_3 = vector.broadcast %div3A : f32 to vector<1x128xf32>
    %div3A_4 = arith.divf %broadcast_in_dim3A, %div3A_3 : vector<1x128xf32>
    %sub3A = vector.broadcast %div3A_4 : vector<1x128xf32> to vector<10000x128xf32>
    %sub3A_5 = arith.subf %get3A_1, %sub3A : vector<10000x128xf32>
    %mul3A = arith.mulf %sub3A_5, %sub3A_5 : vector<10000x128xf32>
    %reduce_sum3A_6 = arith.constant dense<0.000000e+00> : vector<128xf32>
    %reduce_sum3A_7 = vector.multi_reduction <add>, %mul3A, %reduce_sum3A_6 [0] : vector<10000x128xf32> to vector<128xf32>
    %broadcast_in_dim3A_8 = vector.shape_cast %reduce_sum3A_7 : vector<128xf32> to vector<1x128xf32>
    %div3A_9 = arith.constant 1.000000e+04 : f32
    %div3A_10 = vector.broadcast %div3A_9 : f32 to vector<1x128xf32>
    %div3A_11 = arith.divf %broadcast_in_dim3A_8, %div3A_10 : vector<1x128xf32>
    %get3A_12 = arith.constant 0 : index
    %get3A_13 = vector.load %arg1[%get3A_12] : memref<128xf32, #tpu.memory_space<vmem>>, vector<128xf32>
    %broadcast_in_dim3A_14 = vector.shape_cast %get3A_13 : vector<128xf32> to vector<1x128xf32>
    %mul3A_15 = vector.broadcast %broadcast_in_dim3A_14 : vector<1x128xf32> to vector<10000x128xf32>
    %mul3A_16 = arith.mulf %mul3A_15, %sub3A_5 : vector<10000x128xf32>
    %add3A = arith.constant 9.99999974E-6 : f32
    %add3A_17 = vector.broadcast %add3A : f32 to vector<1x128xf32>
    %add3A_18 = arith.addf %div3A_11, %add3A_17 : vector<1x128xf32>
    %rsqrt3A = math.rsqrt %add3A_18 : vector<1x128xf32>
    %mul3A_19 = vector.broadcast %rsqrt3A : vector<1x128xf32> to vector<10000x128xf32>
    %mul3A_20 = arith.mulf %mul3A_16, %mul3A_19 : vector<10000x128xf32>
    %get3A_21 = arith.constant 0 : index
    %get3A_22 = vector.load %arg2[%get3A_21] : memref<128xf32, #tpu.memory_space<vmem>>, vector<128xf32>
    %broadcast_in_dim3A_23 = vector.shape_cast %get3A_22 : vector<128xf32> to vector<1x128xf32>
    %add3A_24 = vector.broadcast %broadcast_in_dim3A_23 : vector<1x128xf32> to vector<10000x128xf32>
    %add3A_25 = arith.addf %mul3A_20, %add3A_24 : vector<10000x128xf32>
    %get3A_26 = arith.constant 0 : index
    %get3A_27 = arith.constant 0 : index
    %get3A_28 = arith.constant 0 : index
    %get3A_29 = vector.load %arg4[%get3A_26, %get3A_27, %get3A_28] : memref<2x10240x1xf32, #tpu.memory_space<vmem>>, vector<1x10000x1xf32>
    %get3A_30 = vector.shape_cast %get3A_29 : vector<1x10000x1xf32> to vector<10000x1xf32>
    %get3A_31 = arith.constant 1 : index
    %get3A_32 = arith.constant 0 : index
    %get3A_33 = arith.constant 0 : index
    %get3A_34 = vector.load %arg4[%get3A_31, %get3A_32, %get3A_33] : memref<2x10240x1xf32, #tpu.memory_space<vmem>>, vector<1x10000x1xf32>
    %get3A_35 = vector.shape_cast %get3A_34 : vector<1x10000x1xf32> to vector<10000x1xf32>
    %add3A_36 = arith.addf %get3A_30, %get3A_35 : vector<10000x1xf32>
    %add3A_37 = arith.constant 1.000000e+00 : f32
    %add3A_38 = vector.broadcast %add3A_37 : f32 to vector<10000x1xf32>
    %add3A_39 = arith.addf %add3A_36, %add3A_38 : vector<10000x1xf32>
    %rsqrt3A_40 = math.rsqrt %add3A_39 : vector<10000x1xf32>
    %swap3A = arith.constant 0 : index
    %swap3A_41 = arith.constant 0 : index
    %swap3A_42 = vector.load %arg6[%swap3A, %swap3A_41] : memref<10000x1xf32, #tpu.memory_space<vmem>>, vector<10000x1xf32>
    tpu.vector_store %arg6[%swap3A, %swap3A_41], %rsqrt3A_40 {strides = array<i32>} : memref<10000x1xf32, #tpu.memory_space<vmem>>, vector<10000x1xf32>,
    %mul3A_43 = vector.broadcast %rsqrt3A_40 : vector<10000x1xf32> to vector<10000x128xf32>
    %mul3A_44 = arith.mulf %add3A_25, %mul3A_43 : vector<10000x128xf32>
    %get3A_45 = arith.constant 0 : index
    %get3A_46 = arith.constant 0 : index
    %get3A_47 = vector.load %arg3[%get3A_45, %get3A_46] : memref<128x128xf32, #tpu.memory_space<vmem>>, vector<128x128xf32>
    %dot_general3A = arith.constant dense<0.000000e+00> : vector<10000x128xf32>
    %dot_general3A_48 = tpu.matmul %mul3A_44, %get3A_47, %dot_general3A {dimension_numbers = #tpu.dot_dimension_numbers<[1], [0], [0], [1], [0, 0, 1, 1], [], []>, transpose_lhs_hint = false} : vector<10000x128xf32>, vector<128x128xf32>, vector<10000x128xf32> -> vector<10000x128xf32>
    %swap3A_49 = arith.constant 0 : index
    %swap3A_50 = arith.constant 0 : index
    %swap3A_51 = arith.constant 0 : index
    %swap3A_52 = vector.load %arg5[%swap3A_49, %swap3A_50, %swap3A_51] : memref<2x10000x128xf32, #tpu.memory_space<vmem>>, vector<1x10000x128xf32>
    %swap3A_53 = vector.shape_cast %swap3A_52 : vector<1x10000x128xf32> to vector<10000x128xf32>
    %swap3A_54 = vector.shape_cast %dot_general3A_48 : vector<10000x128xf32> to vector<1x10000x128xf32>
    tpu.vector_store %arg5[%swap3A_49, %swap3A_50, %swap3A_51], %swap3A_54 {strides = array<i32>} : memref<2x10000x128xf32, #tpu.memory_space<vmem>>, vector<1x10000x128xf32>,
    %swap3A_55 = arith.constant 1 : index
    %swap3A_56 = arith.constant 0 : index
    %swap3A_57 = arith.constant 0 : index
    %swap3A_58 = vector.load %arg5[%swap3A_55, %swap3A_56, %swap3A_57] : memref<2x10000x128xf32, #tpu.memory_space<vmem>>, vector<1x10000x128xf32>
    %swap3A_59 = vector.shape_cast %swap3A_58 : vector<1x10000x128xf32> to vector<10000x128xf32>
    %swap3A_60 = vector.shape_cast %dot_general3A_48 : vector<10000x128xf32> to vector<1x10000x128xf32>
    tpu.vector_store %arg5[%swap3A_55, %swap3A_56, %swap3A_57], %swap3A_60 {strides = array<i32>} : memref<2x10000x128xf32, #tpu.memory_space<vmem>>, vector<1x10000x128xf32>,
    return
  }
}

module attributes {stable_mosaic.version = 14 : i64} {
  func.func @_tcc_body(%arg0: i32, %arg1: memref<2x1000x128xf32, #tpu.memory_space<vmem>>, %arg2: memref<1x1000x128xf32, #tpu.memory_space<vmem>>, %arg3: memref<1000x1xf32, #tpu.memory_space<vmem>>, %arg4: memref<128xf32, #tpu.memory_space<vmem>>, %arg5: memref<1000x128xf32, #tpu.memory_space<vmem>>) attributes {dimension_semantics = [#tpu.dimension_semantics<arbitrary>], iteration_bounds = array<i64: 10>, scalar_prefetch = 0 : i64, scratch_operands = 0 : i64, tpu.core_type = #tpu.core_type<tc>, window_params = [{transform_indices = @transform_0, window_bounds = array<i64: 2, 1000, 128>}, {transform_indices = @transform_1, window_bounds = array<i64: 1, 1000, 128>}, {transform_indices = @transform_2, window_bounds = array<i64: 1000, 1>}, {pipeline_mode = #tpu.pipeline_mode<synchronous>, transform_indices = @transform_3, window_bounds = array<i64: 128>}, {transform_indices = @transform_4, window_bounds = array<i64: 1000, 128>}]} {
    %get3A = arith.constant 0 : index
    %get3A_0 = arith.constant 0 : index
    %get3A_1 = arith.constant 0 : index
    %get3A_2 = vector.load %arg1[%get3A, %get3A_0, %get3A_1] : memref<2x1000x128xf32, #tpu.memory_space<vmem>>, vector<1x1000x128xf32>
    %get3A_3 = vector.shape_cast %get3A_2 : vector<1x1000x128xf32> to vector<1000x128xf32>
    %get3A_4 = arith.constant 1 : index
    %get3A_5 = arith.constant 0 : index
    %get3A_6 = arith.constant 0 : index
    %get3A_7 = vector.load %arg1[%get3A_4, %get3A_5, %get3A_6] : memref<2x1000x128xf32, #tpu.memory_space<vmem>>, vector<1x1000x128xf32>
    %get3A_8 = vector.shape_cast %get3A_7 : vector<1x1000x128xf32> to vector<1000x128xf32>
    %add3A = arith.addf %get3A_3, %get3A_8 : vector<1000x128xf32>
    %get3A_9 = arith.constant 0 : index
    %get3A_10 = arith.constant 0 : index
    %get3A_11 = arith.constant 0 : index
    %get3A_12 = vector.load %arg2[%get3A_9, %get3A_10, %get3A_11] : memref<1x1000x128xf32, #tpu.memory_space<vmem>>, vector<1x1000x128xf32>
    %get3A_13 = vector.shape_cast %get3A_12 : vector<1x1000x128xf32> to vector<1000x128xf32>
    %add3A_14 = arith.addf %add3A, %get3A_13 : vector<1000x128xf32>
    %get3A_15 = arith.constant 0 : index
    %get3A_16 = arith.constant 0 : index
    %get3A_17 = vector.load %arg3[%get3A_15, %get3A_16] : memref<1000x1xf32, #tpu.memory_space<vmem>>, vector<1000x1xf32>
    %mul3A = vector.broadcast %get3A_17 : vector<1000x1xf32> to vector<1000x128xf32>
    %mul3A_18 = arith.mulf %mul3A, %add3A_14 : vector<1000x128xf32>
    %get3A_19 = arith.constant 0 : index
    %get3A_20 = vector.load %arg4[%get3A_19] : memref<128xf32, #tpu.memory_space<vmem>>, vector<128xf32>
    %broadcast_in_dim3A = vector.shape_cast %get3A_20 : vector<128xf32> to vector<1x128xf32>
    %add3A_21 = vector.broadcast %broadcast_in_dim3A : vector<1x128xf32> to vector<1000x128xf32>
    %add3A_22 = arith.addf %mul3A_18, %add3A_21 : vector<1000x128xf32>
    %max3A = arith.constant 0.000000e+00 : f32
    %max3A_23 = vector.broadcast %max3A : f32 to vector<1000x128xf32>
    %max3A_24 = arith.maximumf %add3A_22, %max3A_23 : vector<1000x128xf32>
    %swap3A = arith.constant 0 : index
    %swap3A_25 = arith.constant 0 : index
    %swap3A_26 = vector.load %arg5[%swap3A, %swap3A_25] : memref<1000x128xf32, #tpu.memory_space<vmem>>, vector<1000x128xf32>
    tpu.vector_store %arg5[%swap3A, %swap3A_25], %max3A_24 {strides = array<i32>} : memref<1000x128xf32, #tpu.memory_space<vmem>>, vector<1000x128xf32>,
    return
  }
  func.func @transform_0(%arg0: i32) -> (i32, i32, i32) {
    %c0_i32 = arith.constant 0 : i32
    %c0_i32_0 = arith.constant 0 : i32
    %c0_i32_1 = arith.constant 0 : i32
    return %c0_i32, %arg0, %c0_i32_0 : i32, i32, i32
  }
  func.func @transform_1(%arg0: i32) -> (i32, i32, i32) {
    %c0_i32 = arith.constant 0 : i32
    %c0_i32_0 = arith.constant 0 : i32
    %c0_i32_1 = arith.constant 0 : i32
    return %c0_i32, %arg0, %c0_i32_0 : i32, i32, i32
  }
  func.func @transform_2(%arg0: i32) -> (i32, i32) {
    %c0_i32 = arith.constant 0 : i32
    %c0_i32_0 = arith.constant 0 : i32
    return %arg0, %c0_i32 : i32, i32
  }
  func.func @transform_3(%arg0: i32) -> i32 {
    %c0_i32 = arith.constant 0 : i32
    %c0_i32_0 = arith.constant 0 : i32
    return %c0_i32 : i32
  }
  func.func @transform_4(%arg0: i32) -> (i32, i32) {
    %c0_i32 = arith.constant 0 : i32
    %c0_i32_0 = arith.constant 0 : i32
    return %arg0, %c0_i32 : i32, i32
  }
}

</mosaic_0001>

<sc_bundles>
// kernel: kernel.6.cloned.1.call-start
scs
__scs_entry_jumppad:
0x0: {  	(pc) =	sbr.rel $0x88, $3  }
0x1: {  	(tag) =	ssettag $0x0;
	lr =	simm.s32 $0x1  }
0x2: {  	[smem:$0x3F9B] =	sst lr;
	_ =	strace $0xD0000000  }
0x3: {  	_ = 	snop  }
0x4: {  	_ = 	snop  }
0x5: {  	_ = 	snop  }
0x6: {  	_ = 	snop  }
0x7: {  	_ = 	snop  }
__scs_overlays_trampoline_lowered:
0x8: {  	[smem:$0x3FAA] =	sst s0  }
0x9: {  	[smem:$0x3FAB] =	sst s1  }
0xa: {  	[smem:$0x3FAC] =	sst s2  }
0xb: {  	[smem:$0x3FAD] =	sst s3  }
0xc: {  	[smem:$0x3FAE] =	sst s4  }
0xd: {  	[smem:$0x3FAF] =	sst s5  }
0xe: {  	[smem:$0x3FB0] =	sst s6  }
0xf: {  	[smem:$0x3FB1] =	sst s7  }
0x10: {  	[smem:$0x3FB2] =	sst s8  }
0x11: {  	[smem:$0x3FB3] =	sst s9;
	s0 =	simm.s32 @!p0 $0x0  }
0x12: {  	s1 =	sld [smem:$0x3F99];
	s0 =	simm.s32 @p0 $0x1  }
0x13: {  	[smem:$0x3FB4] =	sst s0;
	s0 =	simm.s32 @!p1 $0x0  }
0x14: {  	s2 =	sld [smem:$0x3F98];
	s0 =	simm.s32 @p1 $0x1  }
0x15: {  	[smem:$0x3FB5] =	sst s0;
	s0 =	simm.s32 @!p2 $0x0  }
0x16: {  	s3 =	sld [smem:$0x3FDB];
	s0 =	simm.s32 @p2 $0x1  }
0x17: {  	s4 =	simm.s32 $0x1BF5;
	[smem:$0x3FB7] =	sst s0  }
0x18: {  	s0 =	sld [smem:$0x3F9A];
	_ =	swait.ge [sflag:s4], $0x0  }
0x19: {  	s7 =	sld [smem:$0x3F9B]  }
0x1a: {  	s8 =	sadd.s32 $0xFFFFE003, lr  }
0x1b: {  	s9 =	sadd.s32 $0xFFFFFEF7, lr;
	s5 =	simm.s32 $0xFFFFFFFF;
	p2 =	slt.u32 s8, $0xFFFFF086  }
0x1c: {  	p1 =	slt.u32 s9, $0xF7A;
	s5 =	simm.s32 @!p2 $0x0  }
0x1d: {  	s5 =	simm.s32 @p1 $0x1;
	p0 =	seq.s32 s7, s2  }
0x1e: {  	s7 =	smul.u32 @!p0 $0xF7A, s2;
	p2 =	seq.s32 @!p0 s5, $0x0  }
0x1f: {  	s9 =	smul.u32 $0xF7A, s1;
	s8 =	simm.s32 @!p0 $0x1BF5;
	p2 =	por !p2, p0  }
0x20: {  	[sflag:s8] =	ssyncset.s32 @!p0 $0xFFFFF086;
	s6 =	sadd.s32 @!p0 s3, s7;
	s7 =	simm.s32 @!p0 $0x108  }
0x21: {  	s3 =	sadd.s32 s3, s9;
	s6 =	sadd.s32 @!p0 $0x88, s6;
	s7 =	simm.s32 @p2 $0x1082  }
0x22: {  	[simem:s7], [sflag:s8] =	dma.local @!p0 [hbm:s6], $0xF7A  }
0x23: {  	s9 =	sor.u32 $0xD0000000, s2;
	s6 =	simm.s32 $0x108;
	_ =	swait.ge @!p0 [sflag:s8], $0x0  }
0x24: {  	s3 =	sadd.s32 $0x88, s3;
	s6 =	simm.s32 @!p1 $0x1082;
	[sflag:s4] =	ssyncset.s32 $0xFFFFF086  }
0x25: {  	[simem:s6], [sflag:s4] =	dma.local [hbm:s3], $0xF7A  }
0x26: {  	[smem:$0x3F9B] =	sst s1;
	(tag) =	ssettag s2;
	_ =	strace s9  }
0x27: {  	s1 =	sld [smem:$0x3FAB]  }
0x28: {  	s2 =	sld [smem:$0x3FAC]  }
0x29: {  	s4 =	sld [smem:$0x3FAE]  }
0x2a: {  	p0 =	seq.s32 s5, $0x0;
	s5 =	sld [smem:$0x3FAF]  }
0x2b: {  	s6 =	sld [smem:$0x3FB0]  }
0x2c: {  	s7 =	sld [smem:$0x3FB1]  }
0x2d: {  	s3 =	simm.s32 $0x108;
	s8 =	sld [smem:$0x3FB2]  }
0x2e: {  	s3 =	simm.s32 @!p0 $0x1082;
	s9 =	sld [smem:$0x3FB3]  }
0x2f: {  	lr =	sadd.s32 s0, s3;
	s0 =	sld [smem:$0x3FAA]  }
0x30: {  	s3 =	sld [smem:$0x3FAD]  }
0x31: {  	[smem:$0x3FB6] =	sst s10  }
0x32: {  	s10 =	sld [smem:$0x3FB4];
	_ =	sdelay $0x3  }
0x33: {  	p0 =	seq.s32 s10, $0x1;
	s10 =	sld [smem:$0x3FB6];
	_ =	sdelay $0x3  }
0x34: {  	[smem:$0x3FB6] =	sst s10  }
0x35: {  	s10 =	sld [smem:$0x3FB5];
	_ =	sdelay $0x3  }
0x36: {  	p1 =	seq.s32 s10, $0x1;
	s10 =	sld [smem:$0x3FB6];
	_ =	sdelay $0x3  }
0x37: {  	[smem:$0x3FB6] =	sst s10  }
0x38: {  	s10 =	sld [smem:$0x3FB7]  }
0x39: {  	_ = 	snop;
	(pc) =	sbr.ind lr, $3  }
0x3a: {  	_ = 	snop  }
0x3b: {  	_ = 	snop  }
0x3c: {  	p2 =	seq.s32 s10, $0x1;
	s10 =	sld [smem:$0x3FB6]  }
0x3d: {  	_ =	shalt  }
0x3e: {  	_ =	shalt  }
0x3f: {  	_ =	shalt  }
0x40: {  	_ =	shalt  }
0x41: {  	_ =	shalt  }
0x42: {  	_ =	shalt  }
0x43: {  	_ =	shalt  }
0x44: {  	_ =	shalt  }
0x45: {  	_ =	shalt  }
0x46: {  	_ =	shalt  }
0x47: {  	_ =	shalt  }
0x48: {  	_ =	shalt  }
0x49: {  	_ =	shalt  }
0x4a: {  	_ =	shalt  }
0x4b: {  	_ =	shalt  }
0x4c: {  	_ =	shalt  }
0x4d: {  	_ =	shalt  }
0x4e: {  	_ =	shalt  }
0x4f: {  	_ =	shalt  }
0x50: {  	_ =	shalt  }
0x51: {  	_ =	shalt  }
0x52: {  	_ =	shalt  }
0x53: {  	_ =	shalt  }
0x54: {  	_ =	shalt  }
0x55: {  	_ =	shalt  }
0x56: {  	_ =	shalt  }
0x57: {  	_ =	shalt  }
0x58: {  	_ =	shalt  }
0x59: {  	_ =	shalt  }
0x5a: {  	_ =	shalt  }
0x5b: {  	_ =	shalt  }
0x5c: {  	_ =	shalt  }
0x5d: {  	_ =	shalt  }
0x5e: {  	_ =	shalt  }
0x5f: {  	_ =	shalt  }
0x60: {  	_ =	shalt  }
0x61: {  	_ =	shalt  }
0x62: {  	_ =	shalt  }
0x63: {  	_ =	shalt  }
0x64: {  	_ =	shalt  }
0x65: {  	_ =	shalt  }
0x66: {  	_ =	shalt  }
0x67: {  	_ =	shalt  }
0x68: {  	_ =	shalt  }
0x69: {  	_ =	shalt  }
0x6a: {  	_ =	shalt  }
0x6b: {  	_ =	shalt  }
0x6c: {  	_ =	shalt  }
0x6d: {  	_ =	shalt  }
0x6e: {  	_ =	shalt  }
0x6f: {  	_ =	shalt  }
0x70: {  	_ =	shalt  }
0x71: {  	_ =	shalt  }
0x72: {  	_ =	shalt  }
0x73: {  	_ =	shalt  }
0x74: {  	_ =	shalt  }
0x75: {  	_ =	shalt  }
0x76: {  	_ =	shalt  }
0x77: {  	_ =	shalt  }
0x78: {  	_ =	shalt  }
0x79: {  	_ =	shalt  }
0x7a: {  	_ =	shalt  }
0x7b: {  	_ =	shalt  }
0x7c: {  	_ =	shalt  }
0x7d: {  	_ =	shalt  }
0x7e: {  	_ =	shalt  }
0x7f: {  	_ =	shalt  }
0x80: {  	_ =	shalt  }
0x81: {  	_ =	shalt  }
0x82: {  	_ =	shalt  }
0x83: {  	_ =	shalt  }
0x84: {  	_ =	shalt  }
0x85: {  	_ =	shalt  }
0x86: {  	_ =	shalt  }
0x87: {  	_ =	shalt  }
.Lfunc_end0:
.L_simem_size_0:
called_computation_lowered:
.L_overlay_start_0:
0x88: {  	s2 =	sld [smem:$0x3FD9]  }
0x89: {  	s3 =	sld [smem:$0x3FFE];
	_ =	sdelay $0x1  }
0x8a: {  	s1 =	srdreg.scid  }
0x8b: {  	s0 =	sand.u32 $0x1, s1  }
0x8c: {  	s17 =	sshll.u32 s0, $0xA;
	s2 =	sadd.s32 s3, s2  }
0x8d: {  	s2 =	sadd.s32 s2, s17  }
0x8e: {  	[smem:$0x3FC2] =	sst s2  }
0x8f: {  	_ = 	snop  }
0x90: {  	s2 =	sld [smem:$0x3FD0];
	(tm) =	ssettm $0x1  }
0x91: {  	s18 =	sld [smem:$0x3FFB];
	_ =	sdelay $0x3  }
0x92: {  	_ =	strace s18  }
0x93: {  	s3 =	sld [smem:$0x3FFC];
	_ =	sdelay $0x3  }
0x94: {  	_ =	strace s3  }
0x95: {  	s3 =	sld [smem:$0x3FFD];
	_ =	sdelay $0x3  }
0x96: {  	_ =	strace s3  }
0x97: {  	_ =	strace $0x8FFFFFFF  }
0x98: {  	s19 =	sld [smem:$0x3FDB];
	_ =	sdelay $0x1  }
0x99: {  	s4 =	simm.s32 $_scs_section_size  }
0x9a: {  	s5 =	simm.s32 $_size__tile_overlayer_lowered;
	s6 =	simm.s32 $_tile_overlayer_lowered  }
0x9b: {  	s22 =	simm.s32 $0x1BFF;
	s21 =	sshll.u32 s6, $0x1;
	s3 =	sadd.s32 s4, s19  }
0x9c: {  	s7 =	simm.s32 $0x0;
	s20 =	sshll.u32 s5, $0x1;
	s5 =	sadd.s32 s21, s3  }
0x9d: {  	[timem:s7], [sflag:s22] =	dma.local [hbm:s5], s20  }
0x9e: {  	_ =	swait.ge [sflag:s22], s20  }
0x9f: {  	s4 =	ssub.s32 $0x0, s20;
	[sflag:s22] =	ssyncset.done $0x0  }
0xa0: {  	[sflag:s22] =	ssyncadd.s32 s4;
	_ =	sdelay $0x1  }
0xa1: {  	s23 =	simm.s32 $0x1B8B  }
0xa2: {  	_ =	swait.ge [sflag:s23], $0x1  }
0xa3: {  	[sflag:s23] =	ssyncset.done $0x0  }
0xa4: {  	s25 =	simm.s32 $0x1B8E;
	s24 =	sld [smem:$0x3FFE];
	[sflag:s23] =	ssyncadd.s32 $0xFFFFFFFF  }
0xa5: {  	s26 =	simm.s32 $execute0_lowered;
	[smem:$0x3FD2] =	sst s25  }
0xa6: {  	s5 =	sshll.u32 s26, $0x1;
	_ =	strace $0x80000046;
	[dreg:$0x1] =	wrdreg $0xFFFFFFFF  }
0xa7: {  	s28 =	simm.s32 $_size_execute0_lowered;
	s3 =	sadd.s32 s3, s5;
	[dreg:$0x0] =	wrdreg $0x0  }
0xa8: {  	s5 =	sshll.u32 s28, $0x1;
	[dreg:$0x2] =	wrdreg s3  }
0xa9: {  	[dreg:$0x3] =	wrdreg s5  }
0xaa: {  	[dreg:$0x4] =	wrdreg $0xC0  }
0xab: {  	_ =	task [dreg:s7], $0x5FFFF  }
0xac: {  	[dreg:$0x1] =	wrdreg $0xFFFFFFFF  }
0xad: {  	[dreg:$0x0] =	wrdreg $0x60  }
0xae: {  	[dreg:$0x2] =	wrdreg s2  }
0xaf: {  	[dreg:$0x3] =	wrdreg s24  }
0xb0: {  	[dreg:$0x4] =	wrdreg $0x2B000  }
0xb1: {  	[dreg:$0x5] =	wrdreg $0x9  }
0xb2: {  	_ =	task.clear_ibuf [dreg:s7], $0x6FFFF;
	_ =	strace $0x90000046  }
0xb3: {  	s29 =	simm.s32 $0x9;
	_ =	strace $0x80000048  }
0xb4: {  	_ =	swait.ge [sflag:s29], $0x1  }
0xb5: {  	[sflag:s29] =	ssyncadd.s32 $0xFFFFFFFF  }
0xb6: {  	_ =	strace $0x90000048  }
0xb7: {  	_ =	sfence  }
0xb8: {  	s30 =	sld [smem:$0x0];
	_ =	sdelay $0x2  }
0xb9: {  	s31 =	sshll.u32 s1, $0xD;
	s1 =	sshrl.u32 s1, $0x2  }
0xba: {  	s3 =	sand.u32 $0x4000, s31;
	s1 =	sadd.s32 s1, s30  }
0xbb: {  	s0 =	sor.u32 s3, s0;
	s1 =	sshll.u32 s1, $0x11  }
0xbc: {  	s0 =	sor.u32 s1, s0  }
0xbd: {  	s0 =	sadd.s32 $0x8F2B, s0  }
0xbe: {  	[sflag:s0] =	ssyncadd.remote.s32 $0x1  }
0xbf: {  	_ =	sfence.sel $0xFFFF  }
0xc0: {  	[dreg:$0x0] =	wrdreg $0xFFFFFFFF;
	(pc) =	sbr.abs _section_cstart, $3  }
0xc1: {  	[dreg:$0x1] =	wrdreg $0xFFFFFFFF  }
0xc2: {  	_ =	task.clear_ibuf [dreg:s7], $0x2FFFF;
	_ =	strace $0x9FFFFFFF  }
0xc3: {  	(tm) =	ssettm $0x7FFFFFFF  }
tec
execute0_lowered:
.L_overlay_start_1:
0x0: {  	(tag) =	ssettag $0x1  }
0x1: {  	s4 =	rddreg [dreg:$0x0]  }
0x2: {  	s5 =	rddreg [dreg:$0x1];
	s1 =	srdreg.scid  }
0x3: {  	s0 =	stileid.u32;
	s2 =	rddreg [dreg:$0x2];
	s3 =	simm.s32 $0x0  }
0x4: {  	s11 =	simm.s32 $0x2800;
	s12 =	simm.s32 $0x0;
	s6 =	sand.u32 $0x1, s1  }
0x5: {  	s7 =	smul.u32 $0x280, s0;
	s1 =	rddreg [dreg:$0x3];
	s9 =	sshll.u32 s0, $0x1  }
0x6: {  	s8 =	smul.u32 $0x2800, s6;
	s10 =	ssub.s32 $0x2, s6;
	s6 =	sor.u32 s6, s9  }
0x7: {  	[smem:$0x7FF] =	sst s3;
	s31 =	sshrl.u32 s10, $0x1;
	s6 =	smul.u32 $0x500, s6  }
0x8: {  	_ =	strace $0x80000047;
	s8 =	sadd.s32 s7, s8;
	s9 =	ssub.s32 s10, s31  }
0x9: {  	s10 =	simm.s32 $0x80;
	s8 =	sshrl.u32 s8, $0x3;
	s4 =	sadd.s32 s4, s6  }
0xa: {  	s8 =	sadd.s32 s8, s5;
	s5 =	sadd.s32 s7, s2;
	s7 =	smax.u32 s9, $0x1  }
0xb: {  	v0 =	vimm.f32 $1.000000000e+00;
	v1 =	vimm.f32 $0.0e+00;
	s9 =	simm.s32 $0x2880;
	s6 =	sadd.s32 $0x2000, s8;
	s8 =	simm.s32 $0x1  }
.LBB2_1:
0xc: {  	[tilespmem:$0x2800] =	vst v0  }
0xd: {  	[tilespmem:$0x2810] =	vst v0  }
0xe: {  	[tilespmem:$0x2820] =	vst v0  }
0xf: {  	[tilespmem:$0x2830] =	vst v0  }
0x10: {  	[tilespmem:$0x2840] =	vst v0  }
0x11: {  	[tilespmem:$0x2850] =	vst v0  }
0x12: {  	[tilespmem:$0x2860] =	vst v0  }
0x13: {  	[tilespmem:$0x2870] =	vst v0  }
0x14: {  	[tilespmem:$0x2880] =	vst v1  }
0x15: {  	[tilespmem:$0x2890] =	vst v1  }
0x16: {  	[tilespmem:$0x28A0] =	vst v1  }
0x17: {  	[tilespmem:$0x28B0] =	vst v1  }
0x18: {  	[tilespmem:$0x28C0] =	vst v1  }
0x19: {  	[tilespmem:$0x28D0] =	vst v1  }
0x1a: {  	[tilespmem:$0x28E0] =	vst v1  }
0x1b: {  	[tilespmem:$0x28F0] =	vst v1  }
0x1c: {  	[tilespmem:$0x2900] =	vst v1  }
0x1d: {  	[tilespmem:$0x2910] =	vst v1  }
0x1e: {  	[tilespmem:$0x2920] =	vst v1  }
0x1f: {  	[tilespmem:$0x2930] =	vst v1  }
0x20: {  	[tilespmem:$0x2940] =	vst v1  }
0x21: {  	[tilespmem:$0x2950] =	vst v1  }
0x22: {  	[tilespmem:$0x2960] =	vst v1  }
0x23: {  	[tilespmem:$0x2970] =	vst v1  }
0x24: {  	[tilespmem:$0x2980] =	vst v1  }
0x25: {  	[tilespmem:$0x2990] =	vst v1  }
0x26: {  	[tilespmem:$0x29A0] =	vst v1  }
0x27: {  	[tilespmem:$0x29B0] =	vst v1  }
0x28: {  	[tilespmem:$0x29C0] =	vst v1  }
0x29: {  	[tilespmem:$0x29D0] =	vst v1  }
0x2a: {  	[tilespmem:$0x29E0] =	vst v1  }
0x2b: {  	[tilespmem:$0x29F0] =	vst v1  }
0x2c: {  	[tilespmem:$0x2A00] =	vst v1  }
0x2d: {  	[tilespmem:$0x2A10] =	vst v1  }
0x2e: {  	[tilespmem:$0x2A20] =	vst v1  }
0x2f: {  	[tilespmem:$0x2A30] =	vst v1  }
0x30: {  	[tilespmem:$0x2A40] =	vst v1  }
0x31: {  	[tilespmem:$0x2A50] =	vst v1  }
0x32: {  	[tilespmem:$0x2A60] =	vst v1  }
0x33: {  	[tilespmem:$0x2A70] =	vst v1  }
0x34: {  	[tilespmem:$0x2A80] =	vst v1  }
0x35: {  	[tilespmem:$0x2A90] =	vst v1  }
0x36: {  	[tilespmem:$0x2AA0] =	vst v1  }
0x37: {  	[tilespmem:$0x2AB0] =	vst v1  }
0x38: {  	[tilespmem:$0x2AC0] =	vst v1  }
0x39: {  	[tilespmem:$0x2AD0] =	vst v1  }
0x3a: {  	[tilespmem:$0x2AE0] =	vst v1  }
0x3b: {  	[tilespmem:$0x2AF0] =	vst v1  }
0x3c: {  	[tilespmem:s3], [sflag:$0x1] =	stream.linear.gather [hbm4b:s4+s3], $0x2800, $0x38;
	[tilespmem:$0x2D80] =	vst v63  }
0x3d: {  	_ =	swait.ge [sflag:s8], $0x2800  }
0x3e: {  	[sflag:s8] =	ssyncset.done $0x0  }
0x3f: {  	[sflag:s8] =	ssyncadd.s32 $0xFFFFD800  }
0x40: {  	[spmem:s5] =	stream.linear.scatter [tilespmem:s9], [sflag:$0x1], $0x280, $0x38;
	[tilespmem:$0x2D80] =	vst v63  }
0x41: {  	_ =	swait.ge [sflag:s8], $0x280  }
0x42: {  	[sflag:s8] =	ssyncset.done $0x0  }
0x43: {  	[sflag:s8] =	ssyncadd.s32 $0xFFFFFD80  }
0x44: {  	s13 =	simm.s32 $0x0;
	[bflag:$0x0] =	sbarrier.arrive $0xFFFF  }
0x45: {  	[spmem:s2] =	stream.indirect.scatter.add.f32 [tilespmem:s11], [sflag:$0x1], $0x1, s13, s10, $0xb8;
	[tilespmem:$0x2D80] =	vst v63  }
0x46: {  	_ =	swait.ge [sflag:s8], $0x80  }
0x47: {  	s13 =	simm.s32 $0x200;
	[sflag:s8] =	ssyncset.done $0x0  }
.LBB2_2:
0x48: {  	s14 =	sshra.s32 s13, $0x2;
	[sflag:s8] =	ssyncadd.s32 $0xFFFFFF80;
	p0 =	sne.s32 s13, $0x9E00  }
0x49: {  	[spmem:s2] =	stream.indirect.scatter.add.f32 [tilespmem:s11], [sflag:$0x1], $0x1, s14, s10, $0xb8;
	[tilespmem:$0x2D80] =	vst v63  }
.Ltmp0:
0x4a: {  	_ = 	snop;
	(pc) =	sbr.rel @p0 .LBB2_2-.Ltmp0, $4  }
0x4b: {  	_ = 	snop  }
0x4c: {  	s13 =	sadd.s32 $0x200, s13  }
0x4d: {  	_ =	swait.ge [sflag:s8], $0x80  }
0x4e: {  	[sflag:s8] =	ssyncset.done $0x0  }
0x4f: {  	[sflag:s8] =	ssyncadd.s32 $0xFFFFFF80  }
0x50: {  	[bflag:$0x0] =	sbarrier.arrive $0xFFFF  }
0x51: {  	[tilespmem:s9], [sflag:$0x1] =	stream.linear.gather [spmem:s5], $0x280, $0x38;
	[tilespmem:$0x2D80] =	vst v63  }
0x52: {  	s12 =	sadd.s32 $0x1, s12;
	_ =	swait.ge [sflag:s8], $0x280  }
0x53: {  	p0 =	sne.s32 s12, s7;
	[sflag:s8] =	ssyncset.done $0x0  }
.Ltmp1:
0x54: {  	[sflag:s8] =	ssyncadd.s32 $0xFFFFFD80;
	(pc) =	sbr.rel @p0 .LBB2_1-.Ltmp1, $4  }
0x55: {  	[hbm4b:s6+s3] =	stream.linear.scatter [tilespmem:s9], [sflag:$0x1], $0x280, $0x38;
	[tilespmem:$0x2D80] =	vst v63  }
0x56: {  	_ =	swait.ge [sflag:s8], $0x280  }
0x57: {  	[sflag:s8] =	ssyncset.done $0x0  }
0x58: {  	[sflag:s8] =	ssyncadd.s32 $0xFFFFFD80  }
0x59: {  	_ =	sfence.sel $0x180000  }
0x5a: {  	[bflag:$0x0] =	sbarrier.arrive $0xFFFF  }
0x5b: {  	p0 =	sne.s32 s0, $0x0;
	_ =	strace $0x90000047  }
0x5c: {  	s0 =	sadd.s32 @!p0 $0x100000, s1;
	[bflag:$0x2] =	sbarrier.arrive $0xFFFF  }
0x5d: {  	[sflag:s0] =	ssyncadd.tile.s32 @!p0 $0x1;
	_ =	shalt  }
.Lfunc_end2:
_tile_overlayer_lowered:
.L_overlay_start_2:
0x5e: {  	(tag) =	ssettag $0x2  }
0x5f: {  	s0 =	rddreg [dreg:$0x0];
	s2 =	stileid.u32  }
0x60: {  	s1 =	rddreg [dreg:$0x1];
	p0 =	sne.s32 s2, $0x0  }
0x61: {  	s3 =	rddreg [dreg:$0x2];
	[bflag:$0x3] =	sbarrier.arrive $0xFFFF;
	s2 =	simm.s32 @!p0 $0x1C01  }
0x62: {  	[timem:s3], [sflag:s2] =	dma.local @!p0 [hbm:s0], s1  }
0x63: {  	s0 =	simm.s32 @!p0 $0x1  }
0x64: {  	_ =	swait.ge @!p0 [sflag:s0], s1  }
0x65: {  	s1 =	ssub.s32 @!p0 $0x0, s1;
	[sflag:s0] =	ssyncset.done @!p0 $0x0  }
0x66: {  	[sflag:s0] =	ssyncadd.s32 @!p0 s1  }
0x67: {  	[bflag:$0x3] =	sbarrier.arrive $0xFFFF  }
0x68: {  	_ =	shalt  }

// kernel: kernel.9.cloned.1.call-start
scs
__scs_entry_jumppad:
0x0: {  	(pc) =	sbr.rel $0x88, $3  }
0x1: {  	(tag) =	ssettag $0x0;
	lr =	simm.s32 $0x1  }
0x2: {  	[smem:$0x3F9B] =	sst lr;
	_ =	strace $0xD0000000  }
0x3: {  	_ = 	snop  }
0x4: {  	_ = 	snop  }
0x5: {  	_ = 	snop  }
0x6: {  	_ = 	snop  }
0x7: {  	_ = 	snop  }
__scs_overlays_trampoline_lowered:
0x8: {  	[smem:$0x3FAA] =	sst s0  }
0x9: {  	[smem:$0x3FAB] =	sst s1  }
0xa: {  	[smem:$0x3FAC] =	sst s2  }
0xb: {  	[smem:$0x3FAD] =	sst s3  }
0xc: {  	[smem:$0x3FAE] =	sst s4  }
0xd: {  	[smem:$0x3FAF] =	sst s5  }
0xe: {  	[smem:$0x3FB0] =	sst s6  }
0xf: {  	[smem:$0x3FB1] =	sst s7  }
0x10: {  	[smem:$0x3FB2] =	sst s8  }
0x11: {  	[smem:$0x3FB3] =	sst s9;
	s0 =	simm.s32 @!p0 $0x0  }
0x12: {  	s1 =	sld [smem:$0x3F99];
	s0 =	simm.s32 @p0 $0x1  }
0x13: {  	[smem:$0x3FB4] =	sst s0;
	s0 =	simm.s32 @!p1 $0x0  }
0x14: {  	s2 =	sld [smem:$0x3F98];
	s0 =	simm.s32 @p1 $0x1  }
0x15: {  	[smem:$0x3FB5] =	sst s0;
	s0 =	simm.s32 @!p2 $0x0  }
0x16: {  	s3 =	sld [smem:$0x3FDB];
	s0 =	simm.s32 @p2 $0x1  }
0x17: {  	s4 =	simm.s32 $0x1BF5;
	[smem:$0x3FB7] =	sst s0  }
0x18: {  	s0 =	sld [smem:$0x3F9A];
	_ =	swait.ge [sflag:s4], $0x0  }
0x19: {  	s7 =	sld [smem:$0x3F9B]  }
0x1a: {  	s8 =	sadd.s32 $0xFFFFE003, lr  }
0x1b: {  	s9 =	sadd.s32 $0xFFFFFEF7, lr;
	s5 =	simm.s32 $0xFFFFFFFF;
	p2 =	slt.u32 s8, $0xFFFFF086  }
0x1c: {  	p1 =	slt.u32 s9, $0xF7A;
	s5 =	simm.s32 @!p2 $0x0  }
0x1d: {  	s5 =	simm.s32 @p1 $0x1;
	p0 =	seq.s32 s7, s2  }
0x1e: {  	s7 =	smul.u32 @!p0 $0xF7A, s2;
	p2 =	seq.s32 @!p0 s5, $0x0  }
0x1f: {  	s9 =	smul.u32 $0xF7A, s1;
	s8 =	simm.s32 @!p0 $0x1BF5;
	p2 =	por !p2, p0  }
0x20: {  	[sflag:s8] =	ssyncset.s32 @!p0 $0xFFFFF086;
	s6 =	sadd.s32 @!p0 s3, s7;
	s7 =	simm.s32 @!p0 $0x108  }
0x21: {  	s3 =	sadd.s32 s3, s9;
	s6 =	sadd.s32 @!p0 $0x88, s6;
	s7 =	simm.s32 @p2 $0x1082  }
0x22: {  	[simem:s7], [sflag:s8] =	dma.local @!p0 [hbm:s6], $0xF7A  }
0x23: {  	s9 =	sor.u32 $0xD0000000, s2;
	s6 =	simm.s32 $0x108;
	_ =	swait.ge @!p0 [sflag:s8], $0x0  }
0x24: {  	s3 =	sadd.s32 $0x88, s3;
	s6 =	simm.s32 @!p1 $0x1082;
	[sflag:s4] =	ssyncset.s32 $0xFFFFF086  }
0x25: {  	[simem:s6], [sflag:s4] =	dma.local [hbm:s3], $0xF7A  }
0x26: {  	[smem:$0x3F9B] =	sst s1;
	(tag) =	ssettag s2;
	_ =	strace s9  }
0x27: {  	s1 =	sld [smem:$0x3FAB]  }
0x28: {  	s2 =	sld [smem:$0x3FAC]  }
0x29: {  	s4 =	sld [smem:$0x3FAE]  }
0x2a: {  	p0 =	seq.s32 s5, $0x0;
	s5 =	sld [smem:$0x3FAF]  }
0x2b: {  	s6 =	sld [smem:$0x3FB0]  }
0x2c: {  	s7 =	sld [smem:$0x3FB1]  }
0x2d: {  	s3 =	simm.s32 $0x108;
	s8 =	sld [smem:$0x3FB2]  }
0x2e: {  	s3 =	simm.s32 @!p0 $0x1082;
	s9 =	sld [smem:$0x3FB3]  }
0x2f: {  	lr =	sadd.s32 s0, s3;
	s0 =	sld [smem:$0x3FAA]  }
0x30: {  	s3 =	sld [smem:$0x3FAD]  }
0x31: {  	[smem:$0x3FB6] =	sst s10  }
0x32: {  	s10 =	sld [smem:$0x3FB4];
	_ =	sdelay $0x3  }
0x33: {  	p0 =	seq.s32 s10, $0x1;
	s10 =	sld [smem:$0x3FB6];
	_ =	sdelay $0x3  }
0x34: {  	[smem:$0x3FB6] =	sst s10  }
0x35: {  	s10 =	sld [smem:$0x3FB5];
	_ =	sdelay $0x3  }
0x36: {  	p1 =	seq.s32 s10, $0x1;
	s10 =	sld [smem:$0x3FB6];
	_ =	sdelay $0x3  }
0x37: {  	[smem:$0x3FB6] =	sst s10  }
0x38: {  	s10 =	sld [smem:$0x3FB7]  }
0x39: {  	_ = 	snop;
	(pc) =	sbr.ind lr, $3  }
0x3a: {  	_ = 	snop  }
0x3b: {  	_ = 	snop  }
0x3c: {  	p2 =	seq.s32 s10, $0x1;
	s10 =	sld [smem:$0x3FB6]  }
0x3d: {  	_ =	shalt  }
0x3e: {  	_ =	shalt  }
0x3f: {  	_ =	shalt  }
0x40: {  	_ =	shalt  }
0x41: {  	_ =	shalt  }
0x42: {  	_ =	shalt  }
0x43: {  	_ =	shalt  }
0x44: {  	_ =	shalt  }
0x45: {  	_ =	shalt  }
0x46: {  	_ =	shalt  }
0x47: {  	_ =	shalt  }
0x48: {  	_ =	shalt  }
0x49: {  	_ =	shalt  }
0x4a: {  	_ =	shalt  }
0x4b: {  	_ =	shalt  }
0x4c: {  	_ =	shalt  }
0x4d: {  	_ =	shalt  }
0x4e: {  	_ =	shalt  }
0x4f: {  	_ =	shalt  }
0x50: {  	_ =	shalt  }
0x51: {  	_ =	shalt  }
0x52: {  	_ =	shalt  }
0x53: {  	_ =	shalt  }
0x54: {  	_ =	shalt  }
0x55: {  	_ =	shalt  }
0x56: {  	_ =	shalt  }
0x57: {  	_ =	shalt  }
0x58: {  	_ =	shalt  }
0x59: {  	_ =	shalt  }
0x5a: {  	_ =	shalt  }
0x5b: {  	_ =	shalt  }
0x5c: {  	_ =	shalt  }
0x5d: {  	_ =	shalt  }
0x5e: {  	_ =	shalt  }
0x5f: {  	_ =	shalt  }
0x60: {  	_ =	shalt  }
0x61: {  	_ =	shalt  }
0x62: {  	_ =	shalt  }
0x63: {  	_ =	shalt  }
0x64: {  	_ =	shalt  }
0x65: {  	_ =	shalt  }
0x66: {  	_ =	shalt  }
0x67: {  	_ =	shalt  }
0x68: {  	_ =	shalt  }
0x69: {  	_ =	shalt  }
0x6a: {  	_ =	shalt  }
0x6b: {  	_ =	shalt  }
0x6c: {  	_ =	shalt  }
0x6d: {  	_ =	shalt  }
0x6e: {  	_ =	shalt  }
0x6f: {  	_ =	shalt  }
0x70: {  	_ =	shalt  }
0x71: {  	_ =	shalt  }
0x72: {  	_ =	shalt  }
0x73: {  	_ =	shalt  }
0x74: {  	_ =	shalt  }
0x75: {  	_ =	shalt  }
0x76: {  	_ =	shalt  }
0x77: {  	_ =	shalt  }
0x78: {  	_ =	shalt  }
0x79: {  	_ =	shalt  }
0x7a: {  	_ =	shalt  }
0x7b: {  	_ =	shalt  }
0x7c: {  	_ =	shalt  }
0x7d: {  	_ =	shalt  }
0x7e: {  	_ =	shalt  }
0x7f: {  	_ =	shalt  }
0x80: {  	_ =	shalt  }
0x81: {  	_ =	shalt  }
0x82: {  	_ =	shalt  }
0x83: {  	_ =	shalt  }
0x84: {  	_ =	shalt  }
0x85: {  	_ =	shalt  }
0x86: {  	_ =	shalt  }
0x87: {  	_ =	shalt  }
.Lfunc_end0:
.L_simem_size_0:
called_computation.1_lowered:
.L_overlay_start_0:
0x88: {  	s2 =	sld [smem:$0x3FD9]  }
0x89: {  	s3 =	sld [smem:$0x3FFE];
	_ =	sdelay $0x1  }
0x8a: {  	s1 =	srdreg.scid  }
0x8b: {  	s0 =	sand.u32 $0x1, s1  }
0x8c: {  	s17 =	sshll.u32 s0, $0xA;
	s2 =	sadd.s32 s3, s2  }
0x8d: {  	s2 =	sadd.s32 s2, s17  }
0x8e: {  	[smem:$0x3FC2] =	sst s2  }
0x8f: {  	_ = 	snop  }
0x90: {  	s2 =	sld [smem:$0x3FD0];
	(tm) =	ssettm $0x1  }
0x91: {  	s18 =	sld [smem:$0x3FFB];
	_ =	sdelay $0x3  }
0x92: {  	_ =	strace s18  }
0x93: {  	s3 =	sld [smem:$0x3FFC];
	_ =	sdelay $0x3  }
0x94: {  	_ =	strace s3  }
0x95: {  	s3 =	sld [smem:$0x3FFD];
	_ =	sdelay $0x3  }
0x96: {  	_ =	strace s3  }
0x97: {  	_ =	strace $0x8FFFFFFF  }
0x98: {  	s19 =	sld [smem:$0x3FDB];
	_ =	sdelay $0x1  }
0x99: {  	s4 =	simm.s32 $_scs_section_size  }
0x9a: {  	s5 =	simm.s32 $_size__tile_overlayer_lowered;
	s6 =	simm.s32 $_tile_overlayer_lowered  }
0x9b: {  	s22 =	simm.s32 $0x1BFF;
	s21 =	sshll.u32 s6, $0x1;
	s3 =	sadd.s32 s4, s19  }
0x9c: {  	s7 =	simm.s32 $0x0;
	s20 =	sshll.u32 s5, $0x1;
	s5 =	sadd.s32 s21, s3  }
0x9d: {  	[timem:s7], [sflag:s22] =	dma.local [hbm:s5], s20  }
0x9e: {  	_ =	swait.ge [sflag:s22], s20  }
0x9f: {  	s4 =	ssub.s32 $0x0, s20;
	[sflag:s22] =	ssyncset.done $0x0  }
0xa0: {  	[sflag:s22] =	ssyncadd.s32 s4;
	_ =	sdelay $0x1  }
0xa1: {  	s23 =	simm.s32 $0x1B8B  }
0xa2: {  	_ =	swait.ge [sflag:s23], $0x1  }
0xa3: {  	[sflag:s23] =	ssyncset.done $0x0  }
0xa4: {  	s25 =	simm.s32 $0x1B8E;
	s24 =	sld [smem:$0x3FFE];
	[sflag:s23] =	ssyncadd.s32 $0xFFFFFFFF  }
0xa5: {  	s26 =	simm.s32 $execute0_lowered;
	[smem:$0x3FD2] =	sst s25  }
0xa6: {  	s5 =	sshll.u32 s26, $0x1;
	_ =	strace $0x80000049;
	[dreg:$0x1] =	wrdreg $0xFFFFFFFF  }
0xa7: {  	s28 =	simm.s32 $_size_execute0_lowered;
	s3 =	sadd.s32 s3, s5;
	[dreg:$0x0] =	wrdreg $0x0  }
0xa8: {  	s5 =	sshll.u32 s28, $0x1;
	[dreg:$0x2] =	wrdreg s3  }
0xa9: {  	[dreg:$0x3] =	wrdreg s5  }
0xaa: {  	[dreg:$0x4] =	wrdreg $0xC0  }
0xab: {  	_ =	task [dreg:s7], $0x5FFFF  }
0xac: {  	[dreg:$0x1] =	wrdreg $0xFFFFFFFF  }
0xad: {  	[dreg:$0x0] =	wrdreg $0x60  }
0xae: {  	[dreg:$0x2] =	wrdreg s24  }
0xaf: {  	[dreg:$0x3] =	wrdreg s2  }
0xb0: {  	[dreg:$0x4] =	wrdreg $0x88000  }
0xb1: {  	[dreg:$0x5] =	wrdreg $0x9  }
0xb2: {  	_ =	task.clear_ibuf [dreg:s7], $0x6FFFF;
	_ =	strace $0x90000049  }
0xb3: {  	s29 =	simm.s32 $0x9;
	_ =	strace $0x8000004B  }
0xb4: {  	_ =	swait.ge [sflag:s29], $0x1  }
0xb5: {  	[sflag:s29] =	ssyncadd.s32 $0xFFFFFFFF  }
0xb6: {  	_ =	strace $0x9000004B  }
0xb7: {  	_ =	sfence  }
0xb8: {  	s30 =	sld [smem:$0x0];
	_ =	sdelay $0x2  }
0xb9: {  	s31 =	sshll.u32 s1, $0xD;
	s1 =	sshrl.u32 s1, $0x2  }
0xba: {  	s3 =	sand.u32 $0x4000, s31;
	s1 =	sadd.s32 s1, s30  }
0xbb: {  	s0 =	sor.u32 s3, s0;
	s1 =	sshll.u32 s1, $0x11  }
0xbc: {  	s0 =	sor.u32 s1, s0  }
0xbd: {  	s0 =	sadd.s32 $0x8F2B, s0  }
0xbe: {  	[sflag:s0] =	ssyncadd.remote.s32 $0x1  }
0xbf: {  	_ =	sfence.sel $0xFFFF  }
0xc0: {  	[dreg:$0x0] =	wrdreg $0xFFFFFFFF;
	(pc) =	sbr.abs _section_cstart, $3  }
0xc1: {  	[dreg:$0x1] =	wrdreg $0xFFFFFFFF  }
0xc2: {  	_ =	task.clear_ibuf [dreg:s7], $0x2FFFF;
	_ =	strace $0x9FFFFFFF  }
0xc3: {  	(tm) =	ssettm $0x7FFFFFFF  }
tec
execute0_lowered:
.L_overlay_start_1:
0x0: {  	(tag) =	ssettag $0x1  }
0x1: {  	s2 =	rddreg [dreg:$0x0]  }
0x2: {  	s0 =	rddreg [dreg:$0x1];
	s3 =	srdreg.scid  }
0x3: {  	s1 =	rddreg [dreg:$0x2];
	s14 =	stileid.u32  }
0x4: {  	s28 =	simm.s32 $0x4800;
	s29 =	simm.s32 $0x3;
	s10 =	smul.u32 $0x50000, s14  }
0x5: {  	s30 =	simm.s32 $0x5;
	s31 =	simm.s32 $0x6;
	s13 =	smul.u32 $0x14000, s14  }
0x6: {  	s4 =	sand.u32 $0x1, s3;
	s3 =	simm.s32 $0x0;
	s15 =	smul.u32 $0x2800, s14  }
0x7: {  	s7 =	sadd.s32 $0x2A00, s2;
	s5 =	smul.u32 $0x27100, s4;
	[smem:$0x7FF] =	sst s3  }
0x8: {  	s6 =	sshll.u32 s4, $0x4;
	s8 =	ssub.s32 $0x2, s4;
	s12 =	smul.u32 $0x140000, s4  }
0x9: {  	s4 =	smul.u32 $0x28000, s4;
	_ =	strace $0x8000004A;
	s6 =	sor.u32 s14, s6  }
0xa: {  	s9 =	sshrl.u32 s8, $0x1;
	s22 =	sshrl.u32 s10, $0x2;
	s25 =	sadd.s32 $0x4000, s13  }
0xb: {  	s17 =	sadd.s32 $0xC000, s13;
	s14 =	simm.s32 $0x280;
	s5 =	sadd.s32 s5, s2  }
0xc: {  	s6 =	smul.u32 $0x2800, s6;
	s2 =	sadd.s32 $0x5AC00, s2;
	s11 =	ssub.s32 s8, s9  }
0xd: {  	s23 =	sadd.s32 s12, s13;
	s10 =	sadd.s32 s12, s25;
	s18 =	sadd.s32 s12, s17  }
0xe: {  	s4 =	sadd.s32 s15, s4;
	s15 =	simm.s32 $0x680;
	s9 =	sadd.s32 $0xCA00, s5  }
0xf: {  	s24 =	sshrl.u32 s23, $0x3;
	s26 =	smax.u32 s11, $0x1;
	s11 =	sadd.s32 $0x8000, s13  }
0x10: {  	s6 =	sshrl.u32 s6, $0x3;
	[dreg:$0xc] =	wrdreg s26;
	s5 =	sadd.s32 s2, s24  }
0x11: {  	s16 =	sadd.s32 s11, s1;
	s19 =	sadd.s32 s7, s6;
	[dreg:$0xd] =	wrdreg s5  }
0x12: {  	s20 =	sor.u32 $0x40, s6;
	s6 =	sadd.s32 s0, s6;
	[dreg:$0x10] =	wrdreg s16  }
0x13: {  	s5 =	sshrl.u32 s10, $0x3;
	s10 =	sadd.s32 s17, s1;
	[dreg:$0x8] =	wrdreg s19  }
0x14: {  	s16 =	simm.s32 $0x300;
	s17 =	simm.s32 $0x380;
	[dreg:$0x9] =	wrdreg s6  }
0x15: {  	s21 =	sadd.s32 s7, s20;
	s8 =	sadd.s32 s0, s20;
	[dreg:$0x12] =	wrdreg s10  }
0x16: {  	s6 =	sadd.s32 s25, s1;
	s5 =	sadd.s32 s2, s5;
	[dreg:$0xa] =	wrdreg s21  }
0x17: {  	s19 =	sshrl.u32 s18, $0x3;
	s10 =	simm.s32 $0x500;
	[dreg:$0xb] =	wrdreg s8  }
0x18: {  	s18 =	simm.s32 $0x700;
	s8 =	sadd.s32 s22, s1;
	[dreg:$0xe] =	wrdreg s6  }
0x19: {  	[dreg:$0xf] =	wrdreg s5;
	s5 =	sadd.s32 s12, s11;
	s6 =	sor.u32 $0x600, s4  }
0x1a: {  	s21 =	sadd.s32 $0x10000, s13;
	s4 =	sor.u32 $0x400, s4;
	s11 =	simm.s32 $0x2  }
0x1b: {  	s13 =	simm.s32 $0x4;
	s5 =	sshrl.u32 s5, $0x3;
	s20 =	sshrl.u32 s6, $0x3  }
0x1c: {  	s4 =	sshrl.u32 s4, $0x3;
	s23 =	sadd.s32 s12, s21;
	s26 =	sadd.s32 s21, s1  }
0x1d: {  	s21 =	simm.s32 $0x200;
	s6 =	simm.s32 $0x100;
	[dreg:$0x16] =	wrdreg s8  }
0x1e: {  	s12 =	simm.s32 $0x580;
	s5 =	sadd.s32 s2, s5;
	s22 =	sadd.s32 s20, s0  }
0x1f: {  	s0 =	sadd.s32 s4, s0;
	s24 =	sshrl.u32 s23, $0x3;
	[dreg:$0x14] =	wrdreg s26  }
0x20: {  	s25 =	sadd.s32 s4, s7;
	s23 =	simm.s32 $0x800;
	[dreg:$0x11] =	wrdreg s5  }
0x21: {  	s26 =	simm.s32 $0x80;
	s4 =	simm.s32 $0x480;
	[dreg:$0x4] =	wrdreg s22  }
0x22: {  	s5 =	sadd.s32 s2, s19;
	[dreg:$0x6] =	wrdreg s0;
	s2 =	sadd.s32 s2, s24  }
0x23: {  	[dreg:$0x7] =	wrdreg s25;
	s22 =	simm.s32 $0x600;
	s24 =	simm.s32 $0x9  }
0x24: {  	s25 =	simm.s32 $0x1;
	[dreg:$0x13] =	wrdreg s5;
	s5 =	sadd.s32 s20, s7  }
0x25: {  	[dreg:$0x15] =	wrdreg s2;
	s20 =	simm.s32 $0x400;
	s2 =	simm.s32 $0x7  }
0x26: {  	v0 =	vimm.f32 $0.0e+00;
	s7 =	simm.s32 $0x0;
	[dreg:$0x5] =	wrdreg s5;
	s5 =	simm.s32 $0x8  }
.LBB2_1:
0x27: {  	[dreg:$0x17] =	wrdreg s7  }
0x28: {  	s0 =	rddreg [dreg:$0x8]  }
0x29: {  	[tilespmem:s3], [sflag:$0x1] =	stream.linear.gather [hbm4b:s0+s3], $0x200, $0x38;
	[tilespmem:$0x1C800] =	vst v63  }
0x2a: {  	s7 =	rddreg [dreg:$0x9]  }
0x2b: {  	[tilespmem:s20], [sflag:$0x3] =	stream.linear.gather [hbm4b:s7+s3], $0x200, $0x38;
	[tilespmem:$0x1C800] =	vst v63  }
0x2c: {  	s19 =	rddreg [dreg:$0xa]  }
0x2d: {  	[tilespmem:s21], [sflag:$0x2] =	stream.linear.gather [hbm4b:s19+s3], $0x200, $0x38;
	[tilespmem:$0x1C800] =	vst v63  }
0x2e: {  	s7 =	rddreg [dreg:$0xb]  }
0x2f: {  	[tilespmem:s22], [sflag:$0x4] =	stream.linear.gather [hbm4b:s7+s3], $0x200, $0x38;
	[tilespmem:$0x1C800] =	vst v63  }
0x30: {  	[tilespmem:$0x800] =	vst v0  }
0x31: {  	[tilespmem:$0x810] =	vst v0  }
0x32: {  	[tilespmem:$0x820] =	vst v0  }
0x33: {  	[tilespmem:$0x830] =	vst v0  }
0x34: {  	[tilespmem:$0x840] =	vst v0  }
0x35: {  	[tilespmem:$0x850] =	vst v0  }
0x36: {  	[tilespmem:$0x860] =	vst v0  }
0x37: {  	[tilespmem:$0x870] =	vst v0  }
0x38: {  	[tilespmem:$0x880] =	vst v0  }
0x39: {  	[tilespmem:$0x890] =	vst v0  }
0x3a: {  	[tilespmem:$0x8A0] =	vst v0  }
0x3b: {  	[tilespmem:$0x8B0] =	vst v0  }
0x3c: {  	[tilespmem:$0x8C0] =	vst v0  }
0x3d: {  	[tilespmem:$0x8D0] =	vst v0  }
0x3e: {  	[tilespmem:$0x8E0] =	vst v0  }
0x3f: {  	[tilespmem:$0x8F0] =	vst v0  }
0x40: {  	[tilespmem:$0x900] =	vst v0  }
0x41: {  	[tilespmem:$0x910] =	vst v0  }
0x42: {  	[tilespmem:$0x920] =	vst v0  }
0x43: {  	[tilespmem:$0x930] =	vst v0  }
0x44: {  	[tilespmem:$0x940] =	vst v0  }
0x45: {  	[tilespmem:$0x950] =	vst v0  }
0x46: {  	[tilespmem:$0x960] =	vst v0  }
0x47: {  	[tilespmem:$0x970] =	vst v0  }
0x48: {  	[tilespmem:$0x980] =	vst v0  }
0x49: {  	[tilespmem:$0x990] =	vst v0  }
0x4a: {  	[tilespmem:$0x9A0] =	vst v0  }
0x4b: {  	[tilespmem:$0x9B0] =	vst v0  }
0x4c: {  	[tilespmem:$0x9C0] =	vst v0  }
0x4d: {  	[tilespmem:$0x9D0] =	vst v0  }
0x4e: {  	[tilespmem:$0x9E0] =	vst v0  }
0x4f: {  	[tilespmem:$0x9F0] =	vst v0  }
0x50: {  	[tilespmem:$0xA00] =	vst v0  }
0x51: {  	[tilespmem:$0xA10] =	vst v0  }
0x52: {  	[tilespmem:$0xA20] =	vst v0  }
0x53: {  	[tilespmem:$0xA30] =	vst v0  }
0x54: {  	[tilespmem:$0xA40] =	vst v0  }
0x55: {  	[tilespmem:$0xA50] =	vst v0  }
0x56: {  	[tilespmem:$0xA60] =	vst v0  }
0x57: {  	[tilespmem:$0xA70] =	vst v0  }
0x58: {  	[tilespmem:$0xA80] =	vst v0  }
0x59: {  	[tilespmem:$0xA90] =	vst v0  }
0x5a: {  	[tilespmem:$0xAA0] =	vst v0  }
0x5b: {  	[tilespmem:$0xAB0] =	vst v0  }
0x5c: {  	[tilespmem:$0xAC0] =	vst v0  }
0x5d: {  	[tilespmem:$0xAD0] =	vst v0  }
0x5e: {  	[tilespmem:$0xAE0] =	vst v0  }
0x5f: {  	[tilespmem:$0xAF0] =	vst v0  }
0x60: {  	[tilespmem:$0xB00] =	vst v0  }
0x61: {  	[tilespmem:$0xB10] =	vst v0  }
0x62: {  	[tilespmem:$0xB20] =	vst v0  }
0x63: {  	[tilespmem:$0xB30] =	vst v0  }
0x64: {  	[tilespmem:$0xB40] =	vst v0  }
0x65: {  	[tilespmem:$0xB50] =	vst v0  }
0x66: {  	[tilespmem:$0xB60] =	vst v0  }
0x67: {  	[tilespmem:$0xB70] =	vst v0  }
0x68: {  	[tilespmem:$0xB80] =	vst v0  }
0x69: {  	[tilespmem:$0xB90] =	vst v0  }
0x6a: {  	[tilespmem:$0xBA0] =	vst v0  }
0x6b: {  	[tilespmem:$0xBB0] =	vst v0  }
0x6c: {  	[tilespmem:$0xBC0] =	vst v0  }
0x6d: {  	[tilespmem:$0xBD0] =	vst v0  }
0x6e: {  	[tilespmem:$0xBE0] =	vst v0  }
0x6f: {  	[tilespmem:$0xBF0] =	vst v0  }
0x70: {  	[tilespmem:$0xC00] =	vst v0  }
0x71: {  	[tilespmem:$0xC10] =	vst v0  }
0x72: {  	[tilespmem:$0xC20] =	vst v0  }
0x73: {  	[tilespmem:$0xC30] =	vst v0  }
0x74: {  	[tilespmem:$0xC40] =	vst v0  }
0x75: {  	[tilespmem:$0xC50] =	vst v0  }
0x76: {  	[tilespmem:$0xC60] =	vst v0  }
0x77: {  	[tilespmem:$0xC70] =	vst v0  }
0x78: {  	[tilespmem:$0xC80] =	vst v0  }
0x79: {  	[tilespmem:$0xC90] =	vst v0  }
0x7a: {  	[tilespmem:$0xCA0] =	vst v0  }
0x7b: {  	[tilespmem:$0xCB0] =	vst v0  }
0x7c: {  	[tilespmem:$0xCC0] =	vst v0  }
0x7d: {  	[tilespmem:$0xCD0] =	vst v0  }
0x7e: {  	[tilespmem:$0xCE0] =	vst v0  }
0x7f: {  	[tilespmem:$0xCF0] =	vst v0  }
0x80: {  	[tilespmem:$0xD00] =	vst v0  }
0x81: {  	[tilespmem:$0xD10] =	vst v0  }
0x82: {  	[tilespmem:$0xD20] =	vst v0  }
0x83: {  	[tilespmem:$0xD30] =	vst v0  }
0x84: {  	[tilespmem:$0xD40] =	vst v0  }
0x85: {  	[tilespmem:$0xD50] =	vst v0  }
0x86: {  	[tilespmem:$0xD60] =	vst v0  }
0x87: {  	[tilespmem:$0xD70] =	vst v0  }
0x88: {  	[tilespmem:$0xD80] =	vst v0  }
0x89: {  	[tilespmem:$0xD90] =	vst v0  }
0x8a: {  	[tilespmem:$0xDA0] =	vst v0  }
0x8b: {  	[tilespmem:$0xDB0] =	vst v0  }
0x8c: {  	[tilespmem:$0xDC0] =	vst v0  }
0x8d: {  	[tilespmem:$0xDD0] =	vst v0  }
0x8e: {  	[tilespmem:$0xDE0] =	vst v0  }
0x8f: {  	[tilespmem:$0xDF0] =	vst v0  }
0x90: {  	[tilespmem:$0xE00] =	vst v0  }
0x91: {  	[tilespmem:$0xE10] =	vst v0  }
0x92: {  	[tilespmem:$0xE20] =	vst v0  }
0x93: {  	[tilespmem:$0xE30] =	vst v0  }
0x94: {  	[tilespmem:$0xE40] =	vst v0  }
0x95: {  	[tilespmem:$0xE50] =	vst v0  }
0x96: {  	[tilespmem:$0xE60] =	vst v0  }
0x97: {  	[tilespmem:$0xE70] =	vst v0  }
0x98: {  	[tilespmem:$0xE80] =	vst v0  }
0x99: {  	[tilespmem:$0xE90] =	vst v0  }
0x9a: {  	[tilespmem:$0xEA0] =	vst v0  }
0x9b: {  	[tilespmem:$0xEB0] =	vst v0  }
0x9c: {  	[tilespmem:$0xEC0] =	vst v0  }
0x9d: {  	[tilespmem:$0xED0] =	vst v0  }
0x9e: {  	[tilespmem:$0xEE0] =	vst v0  }
0x9f: {  	[tilespmem:$0xEF0] =	vst v0  }
0xa0: {  	[tilespmem:$0xF00] =	vst v0  }
0xa1: {  	[tilespmem:$0xF10] =	vst v0  }
0xa2: {  	[tilespmem:$0xF20] =	vst v0  }
0xa3: {  	[tilespmem:$0xF30] =	vst v0  }
0xa4: {  	[tilespmem:$0xF40] =	vst v0  }
0xa5: {  	[tilespmem:$0xF50] =	vst v0  }
0xa6: {  	[tilespmem:$0xF60] =	vst v0  }
0xa7: {  	[tilespmem:$0xF70] =	vst v0  }
0xa8: {  	[tilespmem:$0xF80] =	vst v0  }
0xa9: {  	[tilespmem:$0xF90] =	vst v0  }
0xaa: {  	[tilespmem:$0xFA0] =	vst v0  }
0xab: {  	[tilespmem:$0xFB0] =	vst v0  }
0xac: {  	[tilespmem:$0xFC0] =	vst v0  }
0xad: {  	[tilespmem:$0xFD0] =	vst v0  }
0xae: {  	[tilespmem:$0xFE0] =	vst v0  }
0xaf: {  	s19 =	sadd.s32 $0x0, s8;
	[tilespmem:$0xFF0] =	vst v0  }
0xb0: {  	[spmem:s19] =	stream.linear.scatter [tilespmem:s23], [sflag:$0x9], $0x800, $0x38;
	[tilespmem:$0x1C800] =	vst v63  }
0xb1: {  	s0 =	simm.s32 $0x2000;
	_ =	swait.ge [sflag:s24], $0x800  }
.LBB2_2:
0xb2: {  	s19 =	sshra.s32 s0, $0x2;
	[sflag:s24] =	ssyncset.done $0x0;
	p0 =	sne.s32 s0, $0x4E000  }
.Ltmp0:
0xb3: {  	s19 =	sadd.s32 s19, s8;
	[sflag:s24] =	ssyncadd.s32 $0xFFFFF800;
	(pc) =	sbr.rel @p0 .LBB2_2-.Ltmp0, $3  }
0xb4: {  	[spmem:s19] =	stream.linear.scatter [tilespmem:s23], [sflag:$0x9], $0x800, $0x38;
	[tilespmem:$0x1C800] =	vst v63  }
0xb5: {  	s0 =	sadd.s32 $0x2000, s0;
	_ =	sdelay $0x1  }
0xb6: {  	_ =	swait.ge [sflag:s24], $0x800  }
0xb7: {  	[sflag:s24] =	ssyncset.done $0x0  }
0xb8: {  	[sflag:s24] =	ssyncadd.s32 $0xFFFFF800  }
0xb9: {  	[bflag:$0x0] =	sbarrier.arrive $0xFFFF  }
0xba: {  	_ =	swait.ge [sflag:s25], $0x200  }
0xbb: {  	[sflag:s25] =	ssyncset.done $0x0  }
0xbc: {  	s0 =	simm.s32 $0x0;
	[sflag:s25] =	ssyncadd.s32 $0xFFFFFE00  }
0xbd: {  	[tilespmem:s23], [sflag:$0x5] =	stream.indirect.gather [hbm4b:s9+s26], $0x80, s0, s26, $0xb8;
	[tilespmem:$0x1C800] =	vst v63  }
0xbe: {  	_ = 	snop  }
0xbf: {  	[tilespmem:s28], [sflag:$0x6] =	stream.indirect.gather [hbm4b:s9+s26], $0x80, s26, s26, $0xb8;
	[tilespmem:$0x1C800] =	vst v63  }
0xc0: {  	_ =	swait.ge [sflag:s29], $0x200  }
0xc1: {  	[sflag:s29] =	ssyncset.done $0x0  }
0xc2: {  	[sflag:s29] =	ssyncadd.s32 $0xFFFFFE00  }
0xc3: {  	_ =	swait.ge [sflag:s30], $0x4000  }
0xc4: {  	[sflag:s30] =	ssyncset.done $0x0  }
0xc5: {  	[sflag:s30] =	ssyncadd.s32 $0xFFFFC000  }
0xc6: {  	[spmem:s1] =	stream.indirect.scatter.add.f32 [tilespmem:s23], [sflag:$0x7], $0x80, s20, s26, $0xb8;
	[tilespmem:$0x1C800] =	vst v63  }
0xc7: {  	_ =	swait.ge [sflag:s31], $0x4000  }
0xc8: {  	[sflag:s31] =	ssyncset.done $0x0  }
0xc9: {  	[sflag:s31] =	ssyncadd.s32 $0xFFFFC000  }
0xca: {  	[spmem:s1] =	stream.indirect.scatter.add.f32 [tilespmem:s28], [sflag:$0x8], $0x80, s4, s26, $0xb8;
	[tilespmem:$0x1C800] =	vst v63  }
0xcb: {  	_ =	swait.ge [sflag:s2], $0x4000  }
0xcc: {  	[sflag:s2] =	ssyncset.done $0x0  }
0xcd: {  	[sflag:s2] =	ssyncadd.s32 $0xFFFFC000  }
0xce: {  	[tilespmem:s23], [sflag:$0x5] =	stream.indirect.gather [hbm4b:s9+s26], $0x80, s6, s26, $0xb8;
	[tilespmem:$0x1C800] =	vst v63  }
0xcf: {  	_ =	swait.ge [sflag:s5], $0x4000  }
0xd0: {  	[sflag:s5] =	ssyncset.done $0x0  }
0xd1: {  	s7 =	simm.s32 $0x180;
	[sflag:s5] =	ssyncadd.s32 $0xFFFFC000  }
0xd2: {  	[tilespmem:s28], [sflag:$0x6] =	stream.indirect.gather [hbm4b:s9+s26], $0x80, s7, s26, $0xb8;
	[tilespmem:$0x1C800] =	vst v63  }
0xd3: {  	_ =	swait.ge [sflag:s30], $0x4000  }
0xd4: {  	[sflag:s30] =	ssyncset.done $0x0  }
0xd5: {  	[sflag:s30] =	ssyncadd.s32 $0xFFFFC000  }
0xd6: {  	[spmem:s1] =	stream.indirect.scatter.add.f32 [tilespmem:s23], [sflag:$0x7], $0x80, s10, s26, $0xb8;
	[tilespmem:$0x1C800] =	vst v63  }
0xd7: {  	_ =	swait.ge [sflag:s31], $0x4000  }
0xd8: {  	[sflag:s31] =	ssyncset.done $0x0  }
0xd9: {  	[sflag:s31] =	ssyncadd.s32 $0xFFFFC000  }
0xda: {  	[spmem:s1] =	stream.indirect.scatter.add.f32 [tilespmem:s28], [sflag:$0x8], $0x80, s12, s26, $0xb8;
	[tilespmem:$0x1C800] =	vst v63  }
0xdb: {  	_ =	swait.ge [sflag:s11], $0x200  }
0xdc: {  	[sflag:s11] =	ssyncset.done $0x0  }
0xdd: {  	[sflag:s11] =	ssyncadd.s32 $0xFFFFFE00  }
0xde: {  	_ =	swait.ge [sflag:s2], $0x4000  }
0xdf: {  	[sflag:s2] =	ssyncset.done $0x0  }
0xe0: {  	[sflag:s2] =	ssyncadd.s32 $0xFFFFC000  }
0xe1: {  	[tilespmem:s23], [sflag:$0x5] =	stream.indirect.gather [hbm4b:s9+s26], $0x80, s21, s26, $0xb8;
	[tilespmem:$0x1C800] =	vst v63  }
0xe2: {  	_ =	swait.ge [sflag:s5], $0x4000  }
0xe3: {  	[sflag:s5] =	ssyncset.done $0x0  }
0xe4: {  	s8 =	rddreg [dreg:$0x7];
	[sflag:s5] =	ssyncadd.s32 $0xFFFFC000  }
0xe5: {  	[tilespmem:s28], [sflag:$0x6] =	stream.indirect.gather [hbm4b:s9+s26], $0x80, s14, s26, $0xb8;
	[tilespmem:$0x1C800] =	vst v63  }
0xe6: {  	s19 =	rddreg [dreg:$0x6];
	s0 =	sadd.s32 $0x0, s8  }
0xe7: {  	[tilespmem:s3], [sflag:$0x1] =	stream.linear.gather [hbm4b:s0+s3], $0x200, $0x38;
	[tilespmem:$0x1C800] =	vst v63  }
0xe8: {  	s19 =	sadd.s32 $0x0, s19  }
0xe9: {  	[tilespmem:s20], [sflag:$0x3] =	stream.linear.gather [hbm4b:s19+s3], $0x200, $0x38;
	[tilespmem:$0x1C800] =	vst v63  }
0xea: {  	_ =	swait.ge [sflag:s13], $0x200  }
0xeb: {  	[sflag:s13] =	ssyncset.done $0x0  }
0xec: {  	[sflag:s13] =	ssyncadd.s32 $0xFFFFFE00  }
0xed: {  	_ =	swait.ge [sflag:s30], $0x4000  }
0xee: {  	[sflag:s30] =	ssyncset.done $0x0  }
0xef: {  	[sflag:s30] =	ssyncadd.s32 $0xFFFFC000  }
0xf0: {  	[spmem:s1] =	stream.indirect.scatter.add.f32 [tilespmem:s23], [sflag:$0x7], $0x80, s22, s26, $0xb8;
	[tilespmem:$0x1C800] =	vst v63  }
0xf1: {  	_ =	swait.ge [sflag:s31], $0x4000  }
0xf2: {  	[sflag:s31] =	ssyncset.done $0x0  }
0xf3: {  	[sflag:s31] =	ssyncadd.s32 $0xFFFFC000  }
0xf4: {  	[spmem:s1] =	stream.indirect.scatter.add.f32 [tilespmem:s28], [sflag:$0x8], $0x80, s15, s26, $0xb8;
	[tilespmem:$0x1C800] =	vst v63  }
0xf5: {  	_ =	swait.ge [sflag:s2], $0x4000  }
0xf6: {  	[sflag:s2] =	ssyncset.done $0x0  }
0xf7: {  	[sflag:s2] =	ssyncadd.s32 $0xFFFFC000  }
0xf8: {  	[tilespmem:s23], [sflag:$0x5] =	stream.indirect.gather [hbm4b:s9+s26], $0x80, s16, s26, $0xb8;
	[tilespmem:$0x1C800] =	vst v63  }
0xf9: {  	_ =	swait.ge [sflag:s5], $0x4000  }
0xfa: {  	[sflag:s5] =	ssyncset.done $0x0  }
0xfb: {  	[sflag:s5] =	ssyncadd.s32 $0xFFFFC000  }
0xfc: {  	[tilespmem:s28], [sflag:$0x6] =	stream.indirect.gather [hbm4b:s9+s26], $0x80, s17, s26, $0xb8;
	[tilespmem:$0x1C800] =	vst v63  }
0xfd: {  	_ =	swait.ge [sflag:s30], $0x4000  }
0xfe: {  	[sflag:s30] =	ssyncset.done $0x0  }
0xff: {  	[sflag:s30] =	ssyncadd.s32 $0xFFFFC000  }
0x100: {  	[spmem:s1] =	stream.indirect.scatter.add.f32 [tilespmem:s23], [sflag:$0x7], $0x80, s18, s26, $0xb8;
	[tilespmem:$0x1C800] =	vst v63  }
0x101: {  	_ =	swait.ge [sflag:s31], $0x4000  }
0x102: {  	[sflag:s31] =	ssyncset.done $0x0  }
0x103: {  	s8 =	simm.s32 $0x780;
	[sflag:s31] =	ssyncadd.s32 $0xFFFFC000  }
0x104: {  	[spmem:s1] =	stream.indirect.scatter.add.f32 [tilespmem:s28], [sflag:$0x8], $0x80, s8, s26, $0xb8;
	[tilespmem:$0x1C800] =	vst v63  }
0x105: {  	_ =	swait.ge [sflag:s25], $0x200  }
0x106: {  	[sflag:s25] =	ssyncset.done $0x0  }
0x107: {  	[sflag:s25] =	ssyncadd.s32 $0xFFFFFE00  }
0x108: {  	_ =	swait.ge [sflag:s2], $0x4000  }
0x109: {  	[sflag:s2] =	ssyncset.done $0x0  }
0x10a: {  	[sflag:s2] =	ssyncadd.s32 $0xFFFFC000  }
0x10b: {  	[tilespmem:s23], [sflag:$0x5] =	stream.indirect.gather [hbm4b:s9+s26], $0x80, s3, s26, $0xb8;
	[tilespmem:$0x1C800] =	vst v63  }
0x10c: {  	_ =	swait.ge [sflag:s5], $0x4000  }
0x10d: {  	[sflag:s5] =	ssyncset.done $0x0;
	s0 =	rddreg [dreg:$0x5]  }
0x10e: {  	s19 =	rddreg [dreg:$0x4];
	[sflag:s5] =	ssyncadd.s32 $0xFFFFC000  }
0x10f: {  	[tilespmem:s28], [sflag:$0x6] =	stream.indirect.gather [hbm4b:s9+s26], $0x80, s26, s26, $0xb8;
	[tilespmem:$0x1C800] =	vst v63  }
0x110: {  	[dreg:$0x18] =	wrdreg s19;
	s0 =	sadd.s32 $0x0, s0  }
0x111: {  	[tilespmem:s21], [sflag:$0x2] =	stream.linear.gather [hbm4b:s0+s3], $0x200, $0x38;
	[tilespmem:$0x1C800] =	vst v63  }
0x112: {  	s0 =	rddreg [dreg:$0x18]  }
0x113: {  	s19 =	simm.s32 $0x80;
	s0 =	sadd.s32 $0x0, s0  }
.LBB2_4:
0x114: {  	[tilespmem:s22], [sflag:$0x4] =	stream.linear.gather [hbm4b:s0+s3], $0x200, $0x38;
	[tilespmem:$0x1C800] =	vst v63  }
0x115: {  	_ =	swait.ge [sflag:s29], $0x200  }
0x116: {  	[sflag:s29] =	ssyncset.done $0x0  }
0x117: {  	[sflag:s29] =	ssyncadd.s32 $0xFFFFFE00  }
0x118: {  	_ =	swait.ge [sflag:s30], $0x4000  }
0x119: {  	[sflag:s30] =	ssyncset.done $0x0  }
0x11a: {  	[sflag:s30] =	ssyncadd.s32 $0xFFFFC000  }
0x11b: {  	[spmem:s1] =	stream.indirect.scatter.add.f32 [tilespmem:s23], [sflag:$0x7], $0x80, s20, s26, $0xb8;
	[tilespmem:$0x1C800] =	vst v63  }
0x11c: {  	_ =	swait.ge [sflag:s31], $0x4000  }
0x11d: {  	[sflag:s31] =	ssyncset.done $0x0  }
0x11e: {  	[sflag:s31] =	ssyncadd.s32 $0xFFFFC000  }
0x11f: {  	[spmem:s1] =	stream.indirect.scatter.add.f32 [tilespmem:s28], [sflag:$0x8], $0x80, s4, s26, $0xb8;
	[tilespmem:$0x1C800] =	vst v63  }
0x120: {  	_ =	swait.ge [sflag:s2], $0x4000  }
0x121: {  	[sflag:s2] =	ssyncset.done $0x0  }
0x122: {  	[sflag:s2] =	ssyncadd.s32 $0xFFFFC000  }
0x123: {  	[tilespmem:s23], [sflag:$0x5] =	stream.indirect.gather [hbm4b:s9+s26], $0x80, s6, s26, $0xb8;
	[tilespmem:$0x1C800] =	vst v63  }
0x124: {  	_ =	swait.ge [sflag:s5], $0x4000  }
0x125: {  	[sflag:s5] =	ssyncset.done $0x0  }
0x126: {  	[sflag:s5] =	ssyncadd.s32 $0xFFFFC000  }
0x127: {  	[tilespmem:s28], [sflag:$0x6] =	stream.indirect.gather [hbm4b:s9+s26], $0x80, s7, s26, $0xb8;
	[tilespmem:$0x1C800] =	vst v63  }
0x128: {  	_ =	swait.ge [sflag:s30], $0x4000  }
0x129: {  	[sflag:s30] =	ssyncset.done $0x0  }
0x12a: {  	[sflag:s30] =	ssyncadd.s32 $0xFFFFC000  }
0x12b: {  	[spmem:s1] =	stream.indirect.scatter.add.f32 [tilespmem:s23], [sflag:$0x7], $0x80, s10, s26, $0xb8;
	[tilespmem:$0x1C800] =	vst v63  }
0x12c: {  	_ =	swait.ge [sflag:s31], $0x4000  }
0x12d: {  	[sflag:s31] =	ssyncset.done $0x0  }
0x12e: {  	[sflag:s31] =	ssyncadd.s32 $0xFFFFC000  }
0x12f: {  	[spmem:s1] =	stream.indirect.scatter.add.f32 [tilespmem:s28], [sflag:$0x8], $0x80, s12, s26, $0xb8;
	[tilespmem:$0x1C800] =	vst v63  }
0x130: {  	_ =	swait.ge [sflag:s11], $0x200  }
0x131: {  	[sflag:s11] =	ssyncset.done $0x0  }
0x132: {  	[sflag:s11] =	ssyncadd.s32 $0xFFFFFE00  }
0x133: {  	_ =	swait.ge [sflag:s2], $0x4000  }
0x134: {  	[sflag:s2] =	ssyncset.done $0x0  }
0x135: {  	[sflag:s2] =	ssyncadd.s32 $0xFFFFC000  }
0x136: {  	[tilespmem:s23], [sflag:$0x5] =	stream.indirect.gather [hbm4b:s9+s26], $0x80, s21, s26, $0xb8;
	[tilespmem:$0x1C800] =	vst v63  }
0x137: {  	_ =	swait.ge [sflag:s5], $0x4000  }
0x138: {  	[sflag:s5] =	ssyncset.done $0x0  }
0x139: {  	s0 =	smov.u32 s19;
	s4 =	rddreg [dreg:$0x7];
	[sflag:s5] =	ssyncadd.s32 $0xFFFFC000  }
0x13a: {  	[tilespmem:s28], [sflag:$0x6] =	stream.indirect.gather [hbm4b:s9+s26], $0x80, s14, s26, $0xb8;
	[tilespmem:$0x1C800] =	vst v63  }
0x13b: {  	s6 =	rddreg [dreg:$0x6];
	s4 =	sadd.s32 s0, s4  }
0x13c: {  	[tilespmem:s3], [sflag:$0x1] =	stream.linear.gather [hbm4b:s4+s3], $0x200, $0x38;
	[tilespmem:$0x1C800] =	vst v63  }
0x13d: {  	s6 =	sadd.s32 s0, s6  }
0x13e: {  	[tilespmem:s20], [sflag:$0x3] =	stream.linear.gather [hbm4b:s6+s3], $0x200, $0x38;
	[tilespmem:$0x1C800] =	vst v63  }
0x13f: {  	_ =	swait.ge [sflag:s13], $0x200  }
0x140: {  	[sflag:s13] =	ssyncset.done $0x0  }
0x141: {  	[sflag:s13] =	ssyncadd.s32 $0xFFFFFE00  }
0x142: {  	_ =	swait.ge [sflag:s30], $0x4000  }
0x143: {  	[sflag:s30] =	ssyncset.done $0x0  }
0x144: {  	[sflag:s30] =	ssyncadd.s32 $0xFFFFC000  }
0x145: {  	[spmem:s1] =	stream.indirect.scatter.add.f32 [tilespmem:s23], [sflag:$0x7], $0x80, s22, s26, $0xb8;
	[tilespmem:$0x1C800] =	vst v63  }
0x146: {  	_ =	swait.ge [sflag:s31], $0x4000  }
0x147: {  	[sflag:s31] =	ssyncset.done $0x0  }
0x148: {  	[sflag:s31] =	ssyncadd.s32 $0xFFFFC000  }
0x149: {  	[spmem:s1] =	stream.indirect.scatter.add.f32 [tilespmem:s28], [sflag:$0x8], $0x80, s15, s26, $0xb8;
	[tilespmem:$0x1C800] =	vst v63  }
0x14a: {  	_ =	swait.ge [sflag:s2], $0x4000  }
0x14b: {  	[sflag:s2] =	ssyncset.done $0x0  }
0x14c: {  	[sflag:s2] =	ssyncadd.s32 $0xFFFFC000  }
0x14d: {  	[tilespmem:s23], [sflag:$0x5] =	stream.indirect.gather [hbm4b:s9+s26], $0x80, s16, s26, $0xb8;
	[tilespmem:$0x1C800] =	vst v63  }
0x14e: {  	_ =	swait.ge [sflag:s5], $0x4000  }
0x14f: {  	[sflag:s5] =	ssyncset.done $0x0  }
0x150: {  	[sflag:s5] =	ssyncadd.s32 $0xFFFFC000  }
0x151: {  	[tilespmem:s28], [sflag:$0x6] =	stream.indirect.gather [hbm4b:s9+s26], $0x80, s17, s26, $0xb8;
	[tilespmem:$0x1C800] =	vst v63  }
0x152: {  	_ =	swait.ge [sflag:s30], $0x4000  }
0x153: {  	[sflag:s30] =	ssyncset.done $0x0  }
0x154: {  	[sflag:s30] =	ssyncadd.s32 $0xFFFFC000  }
0x155: {  	[spmem:s1] =	stream.indirect.scatter.add.f32 [tilespmem:s23], [sflag:$0x7], $0x80, s18, s26, $0xb8;
	[tilespmem:$0x1C800] =	vst v63  }
0x156: {  	_ =	swait.ge [sflag:s31], $0x4000  }
0x157: {  	[sflag:s31] =	ssyncset.done $0x0  }
0x158: {  	[sflag:s31] =	ssyncadd.s32 $0xFFFFC000  }
0x159: {  	[spmem:s1] =	stream.indirect.scatter.add.f32 [tilespmem:s28], [sflag:$0x8], $0x80, s8, s26, $0xb8;
	[tilespmem:$0x1C800] =	vst v63  }
0x15a: {  	_ =	swait.ge [sflag:s25], $0x200  }
0x15b: {  	[sflag:s25] =	ssyncset.done $0x0  }
0x15c: {  	[sflag:s25] =	ssyncadd.s32 $0xFFFFFE00  }
0x15d: {  	_ =	swait.ge [sflag:s2], $0x4000  }
0x15e: {  	[sflag:s2] =	ssyncset.done $0x0  }
0x15f: {  	[sflag:s2] =	ssyncadd.s32 $0xFFFFC000  }
0x160: {  	[tilespmem:s23], [sflag:$0x5] =	stream.indirect.gather [hbm4b:s9+s26], $0x80, s3, s26, $0xb8;
	[tilespmem:$0x1C800] =	vst v63  }
0x161: {  	_ =	swait.ge [sflag:s5], $0x4000  }
0x162: {  	p0 =	sne.s32 s19, $0x400;
	[sflag:s5] =	ssyncset.done $0x0  }
.Ltmp1:
0x163: {  	s4 =	rddreg [dreg:$0x5];
	[sflag:s5] =	ssyncadd.s32 $0xFFFFC000;
	(pc) =	sbr.rel @p0 .LBB2_4-.Ltmp1, $4  }
0x164: {  	[tilespmem:s28], [sflag:$0x6] =	stream.indirect.gather [hbm4b:s9+s26], $0x80, s26, s26, $0xb8;
	[tilespmem:$0x1C800] =	vst v63  }
0x165: {  	s19 =	sadd.s32 $0x80, s19;
	s6 =	rddreg [dreg:$0x4];
	s4 =	sadd.s32 s0, s4  }
0x166: {  	[tilespmem:s21], [sflag:$0x2] =	stream.linear.gather [hbm4b:s4+s3], $0x200, $0x38;
	[tilespmem:$0x1C800] =	vst v63  }
0x167: {  	s0 =	sadd.s32 s0, s6;
	s6 =	simm.s32 $0x100;
	s4 =	simm.s32 $0x480  }
0x168: {  	[tilespmem:s22], [sflag:$0x4] =	stream.linear.gather [hbm4b:s0+s3], $0x200, $0x38;
	[tilespmem:$0x1C800] =	vst v63  }
0x169: {  	_ =	swait.ge [sflag:s29], $0x200  }
0x16a: {  	[sflag:s29] =	ssyncset.done $0x0  }
0x16b: {  	[sflag:s29] =	ssyncadd.s32 $0xFFFFFE00  }
0x16c: {  	_ =	swait.ge [sflag:s30], $0x4000  }
0x16d: {  	[sflag:s30] =	ssyncset.done $0x0  }
0x16e: {  	[sflag:s30] =	ssyncadd.s32 $0xFFFFC000  }
0x16f: {  	[spmem:s1] =	stream.indirect.scatter.add.f32 [tilespmem:s23], [sflag:$0x7], $0x80, s20, s26, $0xb8;
	[tilespmem:$0x1C800] =	vst v63  }
0x170: {  	_ =	swait.ge [sflag:s31], $0x4000  }
0x171: {  	[sflag:s31] =	ssyncset.done $0x0  }
0x172: {  	[sflag:s31] =	ssyncadd.s32 $0xFFFFC000  }
0x173: {  	[spmem:s1] =	stream.indirect.scatter.add.f32 [tilespmem:s28], [sflag:$0x8], $0x80, s4, s26, $0xb8;
	[tilespmem:$0x1C800] =	vst v63  }
0x174: {  	_ =	swait.ge [sflag:s2], $0x4000  }
0x175: {  	[sflag:s2] =	ssyncset.done $0x0  }
0x176: {  	[sflag:s2] =	ssyncadd.s32 $0xFFFFC000  }
0x177: {  	[tilespmem:s23], [sflag:$0x5] =	stream.indirect.gather [hbm4b:s9+s26], $0x80, s6, s26, $0xb8;
	[tilespmem:$0x1C800] =	vst v63  }
0x178: {  	_ =	swait.ge [sflag:s5], $0x4000  }
0x179: {  	[sflag:s5] =	ssyncset.done $0x0  }
0x17a: {  	[sflag:s5] =	ssyncadd.s32 $0xFFFFC000  }
0x17b: {  	[tilespmem:s28], [sflag:$0x6] =	stream.indirect.gather [hbm4b:s9+s26], $0x80, s7, s26, $0xb8;
	[tilespmem:$0x1C800] =	vst v63  }
0x17c: {  	_ =	swait.ge [sflag:s30], $0x4000  }
0x17d: {  	[sflag:s30] =	ssyncset.done $0x0  }
0x17e: {  	[sflag:s30] =	ssyncadd.s32 $0xFFFFC000  }
0x17f: {  	[spmem:s1] =	stream.indirect.scatter.add.f32 [tilespmem:s23], [sflag:$0x7], $0x80, s10, s26, $0xb8;
	[tilespmem:$0x1C800] =	vst v63  }
0x180: {  	_ =	swait.ge [sflag:s31], $0x4000  }
0x181: {  	[sflag:s31] =	ssyncset.done $0x0  }
0x182: {  	[sflag:s31] =	ssyncadd.s32 $0xFFFFC000  }
0x183: {  	[spmem:s1] =	stream.indirect.scatter.add.f32 [tilespmem:s28], [sflag:$0x8], $0x80, s12, s26, $0xb8;
	[tilespmem:$0x1C800] =	vst v63  }
0x184: {  	_ =	swait.ge [sflag:s11], $0x200  }
0x185: {  	[sflag:s11] =	ssyncset.done $0x0  }
0x186: {  	[sflag:s11] =	ssyncadd.s32 $0xFFFFFE00  }
0x187: {  	_ =	swait.ge [sflag:s2], $0x4000  }
0x188: {  	[sflag:s2] =	ssyncset.done $0x0  }
0x189: {  	[sflag:s2] =	ssyncadd.s32 $0xFFFFC000  }
0x18a: {  	[tilespmem:s23], [sflag:$0x5] =	stream.indirect.gather [hbm4b:s9+s26], $0x80, s21, s26, $0xb8;
	[tilespmem:$0x1C800] =	vst v63  }
0x18b: {  	_ =	swait.ge [sflag:s5], $0x4000  }
0x18c: {  	[sflag:s5] =	ssyncset.done $0x0  }
0x18d: {  	[sflag:s5] =	ssyncadd.s32 $0xFFFFC000  }
0x18e: {  	[tilespmem:s28], [sflag:$0x6] =	stream.indirect.gather [hbm4b:s9+s26], $0x80, s14, s26, $0xb8;
	[tilespmem:$0x1C800] =	vst v63  }
0x18f: {  	_ =	swait.ge [sflag:s13], $0x200  }
0x190: {  	[sflag:s13] =	ssyncset.done $0x0  }
0x191: {  	[sflag:s13] =	ssyncadd.s32 $0xFFFFFE00  }
0x192: {  	_ =	swait.ge [sflag:s30], $0x4000  }
0x193: {  	[sflag:s30] =	ssyncset.done $0x0  }
0x194: {  	[sflag:s30] =	ssyncadd.s32 $0xFFFFC000  }
0x195: {  	[spmem:s1] =	stream.indirect.scatter.add.f32 [tilespmem:s23], [sflag:$0x7], $0x80, s22, s26, $0xb8;
	[tilespmem:$0x1C800] =	vst v63  }
0x196: {  	_ =	swait.ge [sflag:s31], $0x4000  }
0x197: {  	[sflag:s31] =	ssyncset.done $0x0  }
0x198: {  	[sflag:s31] =	ssyncadd.s32 $0xFFFFC000  }
0x199: {  	[spmem:s1] =	stream.indirect.scatter.add.f32 [tilespmem:s28], [sflag:$0x8], $0x80, s15, s26, $0xb8;
	[tilespmem:$0x1C800] =	vst v63  }
0x19a: {  	_ =	swait.ge [sflag:s2], $0x4000  }
0x19b: {  	[sflag:s2] =	ssyncset.done $0x0  }
0x19c: {  	[sflag:s2] =	ssyncadd.s32 $0xFFFFC000  }
0x19d: {  	[tilespmem:s23], [sflag:$0x5] =	stream.indirect.gather [hbm4b:s9+s26], $0x80, s16, s26, $0xb8;
	[tilespmem:$0x1C800] =	vst v63  }
0x19e: {  	_ =	swait.ge [sflag:s5], $0x4000  }
0x19f: {  	[sflag:s5] =	ssyncset.done $0x0  }
0x1a0: {  	[sflag:s5] =	ssyncadd.s32 $0xFFFFC000  }
0x1a1: {  	[tilespmem:s28], [sflag:$0x6] =	stream.indirect.gather [hbm4b:s9+s26], $0x80, s17, s26, $0xb8;
	[tilespmem:$0x1C800] =	vst v63  }
0x1a2: {  	_ =	swait.ge [sflag:s30], $0x4000  }
0x1a3: {  	[sflag:s30] =	ssyncset.done $0x0  }
0x1a4: {  	[sflag:s30] =	ssyncadd.s32 $0xFFFFC000  }
0x1a5: {  	[spmem:s1] =	stream.indirect.scatter.add.f32 [tilespmem:s23], [sflag:$0x7], $0x80, s18, s26, $0xb8;
	[tilespmem:$0x1C800] =	vst v63  }
0x1a6: {  	_ =	swait.ge [sflag:s31], $0x4000  }
0x1a7: {  	[sflag:s31] =	ssyncset.done $0x0  }
0x1a8: {  	[sflag:s31] =	ssyncadd.s32 $0xFFFFC000  }
0x1a9: {  	[spmem:s1] =	stream.indirect.scatter.add.f32 [tilespmem:s28], [sflag:$0x8], $0x80, s8, s26, $0xb8;
	[tilespmem:$0x1C800] =	vst v63  }
0x1aa: {  	_ =	swait.ge [sflag:s2], $0x4000  }
0x1ab: {  	[sflag:s2] =	ssyncset.done $0x0  }
0x1ac: {  	[sflag:s2] =	ssyncadd.s32 $0xFFFFC000  }
0x1ad: {  	_ =	swait.ge [sflag:s5], $0x4000  }
0x1ae: {  	[sflag:s5] =	ssyncset.done $0x0  }
0x1af: {  	[sflag:s5] =	ssyncadd.s32 $0xFFFFC000  }
0x1b0: {  	[bflag:$0x0] =	sbarrier.arrive $0xFFFF  }
0x1b1: {  	s8 =	rddreg [dreg:$0x16]  }
0x1b2: {  	[tilespmem:s23], [sflag:$0x9] =	stream.linear.gather [spmem:s8], $0x4000, $0x38;
	[tilespmem:$0x1C800] =	vst v63  }
0x1b3: {  	_ =	swait.ge [sflag:s24], $0x4000  }
0x1b4: {  	[sflag:s24] =	ssyncset.done $0x0  }
0x1b5: {  	s19 =	rddreg [dreg:$0xd];
	[sflag:s24] =	ssyncadd.s32 $0xFFFFC000  }
0x1b6: {  	[hbm4b:s19+s3] =	stream.linear.scatter [tilespmem:s23], [sflag:$0x9], $0x4000, $0x38;
	[tilespmem:$0x1C800] =	vst v63  }
0x1b7: {  	_ =	swait.ge [sflag:s24], $0x4000  }
0x1b8: {  	[sflag:s24] =	ssyncset.done $0x0  }
0x1b9: {  	s7 =	rddreg [dreg:$0xe];
	[sflag:s24] =	ssyncadd.s32 $0xFFFFC000  }
0x1ba: {  	[tilespmem:s23], [sflag:$0x9] =	stream.linear.gather [spmem:s7], $0x4000, $0x38;
	[tilespmem:$0x1C800] =	vst v63  }
0x1bb: {  	_ =	swait.ge [sflag:s24], $0x4000  }
0x1bc: {  	[sflag:s24] =	ssyncset.done $0x0  }
0x1bd: {  	s19 =	rddreg [dreg:$0xf];
	[sflag:s24] =	ssyncadd.s32 $0xFFFFC000  }
0x1be: {  	[hbm4b:s19+s3] =	stream.linear.scatter [tilespmem:s23], [sflag:$0x9], $0x4000, $0x38;
	[tilespmem:$0x1C800] =	vst v63  }
0x1bf: {  	_ =	swait.ge [sflag:s24], $0x4000  }
0x1c0: {  	[sflag:s24] =	ssyncset.done $0x0  }
0x1c1: {  	s7 =	rddreg [dreg:$0x10];
	[sflag:s24] =	ssyncadd.s32 $0xFFFFC000  }
0x1c2: {  	[tilespmem:s23], [sflag:$0x9] =	stream.linear.gather [spmem:s7], $0x4000, $0x38;
	[tilespmem:$0x1C800] =	vst v63  }
0x1c3: {  	_ =	swait.ge [sflag:s24], $0x4000  }
0x1c4: {  	[sflag:s24] =	ssyncset.done $0x0  }
0x1c5: {  	s19 =	rddreg [dreg:$0x11];
	[sflag:s24] =	ssyncadd.s32 $0xFFFFC000  }
0x1c6: {  	[hbm4b:s19+s3] =	stream.linear.scatter [tilespmem:s23], [sflag:$0x9], $0x4000, $0x38;
	[tilespmem:$0x1C800] =	vst v63  }
0x1c7: {  	_ =	swait.ge [sflag:s24], $0x4000  }
0x1c8: {  	[sflag:s24] =	ssyncset.done $0x0  }
0x1c9: {  	s7 =	rddreg [dreg:$0x12];
	[sflag:s24] =	ssyncadd.s32 $0xFFFFC000  }
0x1ca: {  	[tilespmem:s23], [sflag:$0x9] =	stream.linear.gather [spmem:s7], $0x4000, $0x38;
	[tilespmem:$0x1C800] =	vst v63  }
0x1cb: {  	_ =	swait.ge [sflag:s24], $0x4000  }
0x1cc: {  	[sflag:s24] =	ssyncset.done $0x0  }
0x1cd: {  	s19 =	rddreg [dreg:$0x13];
	[sflag:s24] =	ssyncadd.s32 $0xFFFFC000  }
0x1ce: {  	[hbm4b:s19+s3] =	stream.linear.scatter [tilespmem:s23], [sflag:$0x9], $0x4000, $0x38;
	[tilespmem:$0x1C800] =	vst v63  }
0x1cf: {  	_ =	swait.ge [sflag:s24], $0x4000  }
0x1d0: {  	[sflag:s24] =	ssyncset.done $0x0  }
0x1d1: {  	s7 =	rddreg [dreg:$0x14];
	[sflag:s24] =	ssyncadd.s32 $0xFFFFC000  }
0x1d2: {  	[tilespmem:s23], [sflag:$0x9] =	stream.linear.gather [spmem:s7], $0x4000, $0x38;
	[tilespmem:$0x1C800] =	vst v63  }
0x1d3: {  	_ =	swait.ge [sflag:s24], $0x4000  }
0x1d4: {  	[sflag:s24] =	ssyncset.done $0x0  }
0x1d5: {  	s19 =	rddreg [dreg:$0x15];
	[sflag:s24] =	ssyncadd.s32 $0xFFFFC000  }
0x1d6: {  	[hbm4b:s19+s3] =	stream.linear.scatter [tilespmem:s23], [sflag:$0x9], $0x4000, $0x38;
	[tilespmem:$0x1C800] =	vst v63  }
0x1d7: {  	_ =	swait.ge [sflag:s24], $0x4000  }
0x1d8: {  	s0 =	rddreg [dreg:$0x17]  }
0x1d9: {  	s19 =	rddreg [dreg:$0xc];
	s7 =	sadd.s32 $0x1, s0  }
0x1da: {  	p0 =	sne.s32 s7, s19  }
.Ltmp2:
0x1db: {  	_ = 	snop;
	(pc) =	sbr.rel @p0 .LBB2_1-.Ltmp2, $3  }
0x1dc: {  	_ =	sdelay $0x1  }
0x1dd: {  	[sflag:s24] =	ssyncset.done $0x0  }
0x1de: {  	[sflag:s24] =	ssyncadd.s32 $0xFFFFC000  }
0x1df: {  	_ =	sfence.sel $0x180000  }
0x1e0: {  	[bflag:$0x0] =	sbarrier.arrive $0xFFFF  }
0x1e1: {  	_ =	strace $0x9000004A  }
0x1e2: {  	s0 =	stileid.u32;
	[bflag:$0x2] =	sbarrier.arrive $0xFFFF  }
0x1e3: {  	p0 =	sne.s32 s0, $0x0;
	s0 =	rddreg [dreg:$0x3]  }
0x1e4: {  	s0 =	sadd.s32 @!p0 $0x100000, s0  }
0x1e5: {  	[sflag:s0] =	ssyncadd.tile.s32 @!p0 $0x1;
	_ =	shalt  }
.Lfunc_end2:
_tile_overlayer_lowered:
.L_overlay_start_2:
0x1e6: {  	(tag) =	ssettag $0x2  }
0x1e7: {  	s0 =	rddreg [dreg:$0x0];
	s2 =	stileid.u32  }
0x1e8: {  	s1 =	rddreg [dreg:$0x1];
	p0 =	sne.s32 s2, $0x0  }
0x1e9: {  	s3 =	rddreg [dreg:$0x2];
	[bflag:$0x3] =	sbarrier.arrive $0xFFFF;
	s2 =	simm.s32 @!p0 $0x1C09  }
0x1ea: {  	[timem:s3], [sflag:s2] =	dma.local @!p0 [hbm:s0], s1  }
0x1eb: {  	s0 =	simm.s32 @!p0 $0x9  }
0x1ec: {  	_ =	swait.ge @!p0 [sflag:s0], s1  }
0x1ed: {  	s1 =	ssub.s32 @!p0 $0x0, s1;
	[sflag:s0] =	ssyncset.done @!p0 $0x0  }
0x1ee: {  	[sflag:s0] =	ssyncadd.s32 @!p0 s1  }
0x1ef: {  	[bflag:$0x3] =	sbarrier.arrive $0xFFFF  }
0x1f0: {  	_ =	shalt  }

</sc_bundles>
